<compile_context>
chip_gen: v7x
topology: tpu7x:2x2x1
jax: 0.10.2.dev20260603
libtpu: 0.0.44.dev20260713+nightly
codegen_flags: <defaults>
</compile_context>

<pallas_src>
import functools

import jax
import jax.numpy as jnp
from jax import lax
from jax.experimental import pallas as pl
from jax.experimental.pallas import tpu as pltpu
from jax.experimental.pallas import tpu_sc as plsc

N = 3125
NP = 3328
B = 8
TASKS = 2 * B
NCH = NP // 16


def _sc_body(logit_hbm, lab_hbm, bbox_hbm, tgt_hbm, out_hbm, pout_hbm,
             labv, probv, x1v, y1v, x2v, y2v, tgtv,
             kc, ec, fc, ic, accv, pcov):
    c = lax.axis_index("c")
    s = lax.axis_index("s")
    wid = s * 2 + c
    task = wid // 2
    half = wid % 2
    b = task // 2
    l0 = (task % 2) == 0

    pltpu.sync_copy(lab_hbm.at[b], labv)
    pltpu.sync_copy(logit_hbm.at[b], probv)
    pltpu.sync_copy(bbox_hbm.at[b, 0], x1v)
    pltpu.sync_copy(bbox_hbm.at[b, 1], y1v)
    pltpu.sync_copy(bbox_hbm.at[b, 2], x2v)
    pltpu.sync_copy(bbox_hbm.at[b, 3], y2v)
    pltpu.sync_copy(tgt_hbm.at[b], tgtv)
    t16 = tgtv[...]
    tx1 = t16[0]
    ty1 = t16[1]
    tx2 = t16[2]
    ty2 = t16[3]
    ta = (tx2 - tx1) * (ty2 - ty1)

    iota = lax.iota(jnp.int32, 16)
    zero16 = jnp.zeros((16,), jnp.float32)

    def prob_loop(cj, mm):
        v0 = cj * 16
        pos = labv[pl.ds(v0, 16)] > 0.0
        prob = jnp.exp(probv[pl.ds(v0, 16)])
        probv[pl.ds(v0, 16)] = prob
        mn = jnp.minimum(mm[0], jnp.where(pos, prob, jnp.inf))
        mx = jnp.maximum(mm[1], jnp.where(pos, prob, -jnp.inf))
        return (mn, mx)

    mn16, mx16 = lax.fori_loop(0, NCH, prob_loop,
                               (jnp.full((16,), jnp.inf, jnp.float32),
                                jnp.full((16,), -jnp.inf, jnp.float32)))
    s1 = 0.5 * (jnp.min(mn16) + jnp.max(mx16))
    sh = jnp.where(l0, s1, 0.5)

    def comp_loop(cj, cnt):
        v0 = cj * 16
        pos = labv[pl.ds(v0, 16)] > 0.0
        x1 = x1v[pl.ds(v0, 16)]
        y1 = y1v[pl.ds(v0, 16)]
        x2 = x2v[pl.ds(v0, 16)]
        y2 = y2v[pl.ds(v0, 16)]
        ww = jnp.maximum(jnp.minimum(tx2, x2) - jnp.maximum(tx1, x1), 0.0)
        hh = jnp.maximum(jnp.minimum(ty2, y2) - jnp.maximum(ty1, y1), 0.0)
        inter = ww * hh
        iou = inter / ((x2 - x1) * (y2 - y1) + ta - inter)
        prob = probv[pl.ds(v0, 16)]
        key = jnp.where(l0, iou, prob)
        val = jnp.where(l0, prob, iou)
        ee = jnp.where(pos, jnp.exp(val - sh), 0.0)
        ff = jnp.where(pos, jnp.exp(sh - val), 0.0)
        cs = jnp.where(pos, 1, 0)
        for k in (1, 2, 4, 8):
            g = cs.at[jnp.maximum(iota - k, 0)].get(mode="promise_in_bounds")
            cs = cs + jnp.where(iota >= k, g, 0)
        idx = cnt + cs - 1
        plsc.store_scatter(kc, [idx], key, mask=pos)
        plsc.store_scatter(ec, [idx], ee, mask=pos)
        plsc.store_scatter(fc, [idx], ff, mask=pos)
        plsc.store_scatter(ic, [idx], v0 + iota, mask=pos)
        return cnt + cs[15]

    pc = lax.fori_loop(0, NCH, comp_loop, jnp.int32(0))
    kc[pl.ds(pc, 16)] = zero16
    ec[pl.ds(pc, 16)] = zero16
    fc[pl.ds(pc, 16)] = zero16

    nb = (pc + 15) // 16
    ncv = nb
    b0 = jnp.where(half == 0, 0, nb // 2)
    b1 = jnp.where(half == 0, nb // 2, nb)

    def u_loop(ub, acc):
        u0 = ub * 16
        ku16 = kc[pl.ds(u0, 16)]
        fu16 = fc[pl.ds(u0, 16)]
        iu16 = ic[pl.ds(u0, 16)]
        ee_d = ec[pl.ds(u0, 16)]
        for g in range(2):
            ku = [ku16[8 * g + j] for j in range(8)]
            fu = [fu16[8 * g + j] for j in range(8)]
            iu = [iu16[8 * g + j] for j in range(8)]

            @plsc.parallel_loop(0, ub, unroll=2, carry=(zero16,) * 8)
            def v_lt(cj, a):
                v0 = cj * 16
                kk = kc[pl.ds(v0, 16)]
                ee = ec[pl.ds(v0, 16)]
                return tuple(a[j] + jnp.where(kk < ku[j], ee, 0.0)
                             for j in range(8))

            @plsc.parallel_loop(ub + 1, ncv, unroll=2, carry=v_lt)
            def v_le(cj, a):
                v0 = cj * 16
                kk = kc[pl.ds(v0, 16)]
                ee = ec[pl.ds(v0, 16)]
                return tuple(a[j] + jnp.where(kk <= ku[j], ee, 0.0)
                             for j in range(8))

            a8 = v_le
            for j in range(8):
                cond = (ku16 < ku[j]) | ((ku16 == ku[j]) & (iu16 > iu[j]))
                av = a8[j] + jnp.where(cond, ee_d, 0.0)
                acc = acc + fu[j] * av
        return acc

    acc = lax.fori_loop(b0, b1, u_loop, zero16)
    accv[...] = acc
    pcov[...] = jnp.broadcast_to(jnp.float32(pc), (16,))
    pltpu.sync_copy(accv, out_hbm.at[wid])
    pltpu.sync_copy(pcov, pout_hbm.at[wid])


@jax.jit
def kernel(cls, label_cls, pred_bboxes, label_target):
    logit = cls.reshape(B, N, 2)[:, :, 1]
    logit = jnp.pad(logit, ((0, 0), (0, NP - N)))
    lab = jnp.pad(label_cls.reshape(B, N).astype(jnp.float32),
                  ((0, 0), (0, NP - N)))
    bbox = jnp.pad(pred_bboxes, ((0, 0), (0, 0), (0, NP - N)))
    tgt = jnp.pad(label_target, ((0, 0), (0, 12)))

    sc_call = functools.partial(
        pl.kernel,
        out_type=[jax.ShapeDtypeStruct((2 * TASKS, 16), jnp.float32),
                  jax.ShapeDtypeStruct((2 * TASKS, 16), jnp.float32)],
        mesh=plsc.VectorSubcoreMesh(core_axis_name="c", subcore_axis_name="s"),
        compiler_params=pltpu.CompilerParams(needs_layout_passes=False),
        scratch_types=[
            pltpu.VMEM((NP,), jnp.float32),
            pltpu.VMEM((NP,), jnp.float32),
            pltpu.VMEM((NP,), jnp.float32),
            pltpu.VMEM((NP,), jnp.float32),
            pltpu.VMEM((NP,), jnp.float32),
            pltpu.VMEM((NP,), jnp.float32),
            pltpu.VMEM((16,), jnp.float32),
            pltpu.VMEM((NP + 16,), jnp.float32),
            pltpu.VMEM((NP + 16,), jnp.float32),
            pltpu.VMEM((NP + 16,), jnp.float32),
            pltpu.VMEM((NP + 16,), jnp.int32),
            pltpu.VMEM((16,), jnp.float32),
            pltpu.VMEM((16,), jnp.float32),
        ],
    )(_sc_body)
    partials, pcout = sc_call(logit, lab, bbox, tgt)

    sums = jnp.sum(partials.reshape(B, 2, 2 * 16), axis=2)
    p = pcout[::4, 0]
    cnt = p * (p - 1.0) * 0.5
    loss1 = sums[:, 0] / cnt
    loss2 = sums[:, 1] / cnt
    valid = (p > 1.0) & ~jnp.isnan(loss1) & ~jnp.isnan(loss2)
    l1 = jnp.where(valid, loss1, 0.0)
    l2 = jnp.where(valid, loss2, 0.0)
    nvalid = jnp.sum(valid.astype(jnp.float32))
    final1 = jnp.where(nvalid > 0, jnp.sum(l1) / nvalid, 0.0)
    final2 = jnp.where(nvalid > 0, jnp.sum(l2) / nvalid, 0.0)
    return (final1, final2)

# --- scband reference (transcript-rebuilt; emitter-appended) ---
"""Pipeline reference for scband-rank-igr-loss-61091614819142 (READ-ONLY COPY).

The authoritative reference and input builder live on the scoring server;
editing this copy changes nothing except your own understanding.
"""

import jax, jax.numpy as jnp
import numpy as np

GAMMA = 1.0  # stands in for cfg.TRAIN.IoU_Gamma (undefined global in the original code)


def _iou(rect1, rect2):
    x1, y1, x2, y2 = rect1[0], rect1[1], rect1[2], rect1[3]
    tx1, ty1, tx2, ty2 = rect2[0], rect2[1], rect2[2], rect2[3]
    xx1 = jnp.maximum(tx1, x1)
    yy1 = jnp.maximum(ty1, y1)
    xx2 = jnp.minimum(tx2, x2)
    yy2 = jnp.minimum(ty2, y2)
    ww = jnp.clip(xx2 - xx1, 0.0, None)
    hh = jnp.clip(yy2 - yy1, 0.0, None)
    area = (x2 - x1) * (y2 - y1)
    target_a = (tx2 - tx1) * (ty2 - ty1)
    inter = ww * hh
    return inter / (area + target_a - inter)


def setup_inputs(seed: int = 0):
    key = jax.random.key(seed)
    k1, k2, k3, k4 = jax.random.split(key, 4)
    B = 8
    cls = jax.random.normal(k1, (B, 10, 25, 25), dtype=jnp.float32)
    label_cls = jax.random.randint(k2, (B, 5, 25, 25), 0, 2, dtype=jnp.int32)
    pred_bboxes = jax.random.uniform(k3, (B, 4, 3125), dtype=jnp.float32)
    label_target = jax.random.uniform(k4, (B, 4), dtype=jnp.float32)
    return {"cls": cls, "label_cls": label_cls, "pred_bboxes": pred_bboxes, "label_target": label_target}


def reference(cls, label_cls, pred_bboxes, label_target):
    B = label_cls.shape[0]
    N = label_cls.shape[1] * label_cls.shape[2] * label_cls.shape[3]
    label_flat = label_cls.reshape(B, -1)
    cls_r = cls.reshape(B, -1, 2)
    ti_np, tj_np = np.triu_indices(N, 1)  # vectorized equivalent of the (ii, jj) double loop
    ti = jnp.asarray(ti_np, dtype=jnp.int32)
    tj = jnp.asarray(tj_np, dtype=jnp.int32)
    loss1_vals = []
    loss2_vals = []
    valid_vals = []
    for i in range(B):
        pos_mask = label_flat[i] > 0
        P = jnp.sum(pos_mask).astype(jnp.int32)
        pos_prob = jnp.exp(cls_r[i][:, 1])
        iou = _iou(pred_bboxes[i], label_target[i])
        iou_idx = jnp.argsort(jnp.where(pos_mask, -iou, jnp.inf))  # descending sort indices
        pair_mask = tj < P
        cnt = ((P * (P - 1)) // 2).astype(jnp.float32)
        input1 = iou_idx[ti]
        input2 = iou_idx[tj]
        term1 = jnp.where(pair_mask, jnp.exp(-GAMMA * (pos_prob[input1] - pos_prob[input2])), 0.0)
        loss1 = jnp.sum(term1) / cnt
        prob_idx = jnp.argsort(jnp.where(pos_mask, -pos_prob, jnp.inf))
        idx1 = prob_idx[ti]
        idx2 = prob_idx[tj]
        term2 = jnp.where(pair_mask, jnp.exp(-GAMMA * (iou[idx1] - jax.lax.stop_gradient(iou[idx2]))), 0.0)
        loss2 = jnp.sum(term2) / cnt
        # original code would hit a 0-pair mean -> nan -> skipped by its isnan check
        valid = (P > 1) & jnp.logical_not(jnp.isnan(loss1)) & jnp.logical_not(jnp.isnan(loss2))
        loss1_vals.append(jnp.where(valid, loss1, 0.0))
        loss2_vals.append(jnp.where(valid, loss2, 0.0))
        valid_vals.append(valid)
    valid_arr = jnp.stack(valid_vals)
    nvalid = jnp.sum(valid_arr).astype(jnp.float32)
    final1 = jnp.where(nvalid > 0, jnp.sum(jnp.stack(loss1_vals)) / nvalid, jnp.zeros((), jnp.float32))
    final2 = jnp.where(nvalid > 0, jnp.sum(jnp.stack(loss2_vals)) / nvalid, jnp.zeros((), jnp.float32))
    return (final1, final2)

if __name__ == "__main__":
    import jax
    _d = setup_inputs()
    print(jax.jit(kernel)(*tuple(_d.values())))

</pallas_src>

<mosaic_0001>
#map = affine_map<(d0, d1) -> (0, 0)>
#map1 = affine_map<(d0, d1) -> (0, 0, 0)>
module attributes {stable_mosaic.version = 14 : i64} {
  func.func @_sc_body(%arg0: i32, %arg1: i32, %arg2: memref<8x3328xf32, #tpu.memory_space<hbm>>, %arg3: memref<8x3328xf32, #tpu.memory_space<hbm>>, %arg4: memref<8x4x3328xf32, #tpu.memory_space<hbm>>, %arg5: memref<8x16xf32, #tpu.memory_space<hbm>>, %arg6: memref<32x16xf32, #tpu.memory_space<hbm>>, %arg7: memref<32x16xf32, #tpu.memory_space<hbm>>, %arg8: memref<3328xf32, #tpu.memory_space<vmem>>, %arg9: memref<3328xf32, #tpu.memory_space<vmem>>, %arg10: memref<3328xf32, #tpu.memory_space<vmem>>, %arg11: memref<3328xf32, #tpu.memory_space<vmem>>, %arg12: memref<3328xf32, #tpu.memory_space<vmem>>, %arg13: memref<3328xf32, #tpu.memory_space<vmem>>, %arg14: memref<16xf32, #tpu.memory_space<vmem>>, %arg15: memref<3344xf32, #tpu.memory_space<vmem>>, %arg16: memref<3344xf32, #tpu.memory_space<vmem>>, %arg17: memref<3344xf32, #tpu.memory_space<vmem>>, %arg18: memref<3344xi32, #tpu.memory_space<vmem>>, %arg19: memref<16xf32, #tpu.memory_space<vmem>>, %arg20: memref<16xf32, #tpu.memory_space<vmem>>) attributes {dimension_semantics = [#tpu.dimension_semantics<core_parallel>, #tpu.dimension_semantics<subcore_parallel>], iteration_bounds = array<i64: 2, 16>, scalar_prefetch = 0 : i64, scratch_operands = 13 : i64, tpu.core_type = #tpu.core_type<sc_vector_subcore>, window_params = [{transform_indices = #map}, {transform_indices = #map}, {transform_indices = #map1}, {transform_indices = #map}, {transform_indices = #map}, {transform_indices = #map}]} {
    %mul3A = arith.constant 2 : i32
    %mul3A_0 = arith.muli %arg1, %mul3A : i32
    %add3A = arith.addi %mul3A_0, %arg0 : i32
    %jit3A = arith.constant 2 : i32
    %div3A = arith.divsi %add3A, %jit3A : i32
    %sign3A = arith.constant 0 : i32
    %sign3A_1 = arith.cmpi sgt, %add3A, %sign3A : i32
    %sign3A_2 = arith.extui %sign3A_1 : i1 to i32
    %sign3A_3 = arith.constant 0 : i32
    %sign3A_4 = arith.cmpi slt, %add3A, %sign3A_3 : i32
    %sign3A_5 = arith.extui %sign3A_4 : i1 to i32
    %sign3A_6 = arith.subi %sign3A_2, %sign3A_5 : i32
    %sign3A_7 = arith.constant 0 : i32
    %sign3A_8 = arith.cmpi sgt, %jit3A, %sign3A_7 : i32
    %sign3A_9 = arith.extui %sign3A_8 : i1 to i32
    %sign3A_10 = arith.constant 0 : i32
    %sign3A_11 = arith.cmpi slt, %jit3A, %sign3A_10 : i32
    %sign3A_12 = arith.extui %sign3A_11 : i1 to i32
    %sign3A_13 = arith.subi %sign3A_9, %sign3A_12 : i32
    %ne3A = arith.cmpi ne, %sign3A_6, %sign3A_13 : i32
    %rem3A = arith.remsi %add3A, %jit3A : i32
    %ne3A_14 = arith.constant 0 : i32
    %ne3A_15 = arith.cmpi ne, %rem3A, %ne3A_14 : i32
    %and3A = arith.andi %ne3A, %ne3A_15 : i1
    %sub3A = arith.constant 1 : i32
    %sub3A_16 = arith.subi %div3A, %sub3A : i32
    %select_n3A = arith.select %and3A, %sub3A_16, %div3A : i32
    %jit3A_17 = arith.constant 2 : i32
    %eq3A = arith.constant 0 : i32
    %eq3A_18 = arith.cmpi eq, %jit3A_17, %eq3A : i32
    %jit3A_19 = arith.constant 1 : i32
    %select_n3A_20 = arith.select %eq3A_18, %jit3A_19, %jit3A_17 : i32
    %rem3A_21 = arith.remsi %add3A, %select_n3A_20 : i32
    %ne3A_22 = arith.constant 0 : i32
    %ne3A_23 = arith.cmpi ne, %rem3A_21, %ne3A_22 : i32
    %lt3A = arith.constant 0 : i32
    %lt3A_24 = arith.cmpi slt, %rem3A_21, %lt3A : i32
    %lt3A_25 = arith.constant 0 : i32
    %lt3A_26 = arith.cmpi slt, %select_n3A_20, %lt3A_25 : i32
    %ne3A_27 = arith.xori %lt3A_24, %lt3A_26 : i1
    %and3A_28 = arith.andi %ne3A_27, %ne3A_23 : i1
    %add3A_29 = arith.addi %rem3A_21, %select_n3A_20 : i32
    %select_n3A_30 = arith.select %and3A_28, %add3A_29, %rem3A_21 : i32
    %jit3A_31 = arith.constant 2 : i32
    %div3A_32 = arith.divsi %select_n3A, %jit3A_31 : i32
    %sign3A_33 = arith.constant 0 : i32
    %sign3A_34 = arith.cmpi sgt, %select_n3A, %sign3A_33 : i32
    %sign3A_35 = arith.extui %sign3A_34 : i1 to i32
    %sign3A_36 = arith.constant 0 : i32
    %sign3A_37 = arith.cmpi slt, %select_n3A, %sign3A_36 : i32
    %sign3A_38 = arith.extui %sign3A_37 : i1 to i32
    %sign3A_39 = arith.subi %sign3A_35, %sign3A_38 : i32
    %sign3A_40 = arith.constant 0 : i32
    %sign3A_41 = arith.cmpi sgt, %jit3A_31, %sign3A_40 : i32
    %sign3A_42 = arith.extui %sign3A_41 : i1 to i32
    %sign3A_43 = arith.constant 0 : i32
    %sign3A_44 = arith.cmpi slt, %jit3A_31, %sign3A_43 : i32
    %sign3A_45 = arith.extui %sign3A_44 : i1 to i32
    %sign3A_46 = arith.subi %sign3A_42, %sign3A_45 : i32
    %ne3A_47 = arith.cmpi ne, %sign3A_39, %sign3A_46 : i32
    %rem3A_48 = arith.remsi %select_n3A, %jit3A_31 : i32
    %ne3A_49 = arith.constant 0 : i32
    %ne3A_50 = arith.cmpi ne, %rem3A_48, %ne3A_49 : i32
    %and3A_51 = arith.andi %ne3A_47, %ne3A_50 : i1
    %sub3A_52 = arith.constant 1 : i32
    %sub3A_53 = arith.subi %div3A_32, %sub3A_52 : i32
    %select_n3A_54 = arith.select %and3A_51, %sub3A_53, %div3A_32 : i32
    %jit3A_55 = arith.constant 2 : i32
    %eq3A_56 = arith.constant 0 : i32
    %eq3A_57 = arith.cmpi eq, %jit3A_55, %eq3A_56 : i32
    %jit3A_58 = arith.constant 1 : i32
    %select_n3A_59 = arith.select %eq3A_57, %jit3A_58, %jit3A_55 : i32
    %rem3A_60 = arith.remsi %select_n3A, %select_n3A_59 : i32
    %ne3A_61 = arith.constant 0 : i32
    %ne3A_62 = arith.cmpi ne, %rem3A_60, %ne3A_61 : i32
    %lt3A_63 = arith.constant 0 : i32
    %lt3A_64 = arith.cmpi slt, %rem3A_60, %lt3A_63 : i32
    %lt3A_65 = arith.constant 0 : i32
    %lt3A_66 = arith.cmpi slt, %select_n3A_59, %lt3A_65 : i32
    %ne3A_67 = arith.xori %lt3A_64, %lt3A_66 : i1
    %and3A_68 = arith.andi %ne3A_67, %ne3A_62 : i1
    %add3A_69 = arith.addi %rem3A_60, %select_n3A_59 : i32
    %select_n3A_70 = arith.select %and3A_68, %add3A_69, %rem3A_60 : i32
    %eq3A_71 = arith.constant 0 : i32
    %eq3A_72 = arith.cmpi eq, %select_n3A_70, %eq3A_71 : i32
    "tpu.region"() ({
      %run_scoped3A_214 = tpu.sem_alloc : memref<!tpu.dma_semaphore, #tpu.memory_space<semaphore_mem>>
      %dma_start3A = arith.constant 0 : i32
      %dma_start3A_215 = tpu.memref_slice %arg3[%select_n3A_54, %dma_start3A] : memref<8x3328xf32, #tpu.memory_space<hbm>> -> memref<1x3328xf32, #tpu.memory_space<hbm>>
      %dma_start3A_216 = tpu.memref_squeeze %dma_start3A_215 : memref<1x3328xf32, #tpu.memory_space<hbm>> -> memref<3328xf32, #tpu.memory_space<hbm>>
      %dma_start3A_217 = arith.constant 0 : i32
      %dma_start3A_218 = tpu.memref_slice %arg3[%select_n3A_54, %dma_start3A_217] : memref<8x3328xf32, #tpu.memory_space<hbm>> -> memref<1x3328xf32, #tpu.memory_space<hbm>>
      %dma_start3A_219 = tpu.memref_squeeze %dma_start3A_218 : memref<1x3328xf32, #tpu.memory_space<hbm>> -> memref<3328xf32, #tpu.memory_space<hbm>>
      tpu.enqueue_dma source(%dma_start3A_219 : memref<3328xf32, #tpu.memory_space<hbm>>) target(%arg8 : memref<3328xf32, #tpu.memory_space<vmem>>) target_semaphore(%run_scoped3A_214 : memref<!tpu.dma_semaphore, #tpu.memory_space<semaphore_mem>>)
      %dma_wait3A = arith.constant 0 : i32
      %dma_wait3A_220 = tpu.memref_slice %arg3[%select_n3A_54, %dma_wait3A] : memref<8x3328xf32, #tpu.memory_space<hbm>> -> memref<1x3328xf32, #tpu.memory_space<hbm>>
      %dma_wait3A_221 = tpu.memref_squeeze %dma_wait3A_220 : memref<1x3328xf32, #tpu.memory_space<hbm>> -> memref<3328xf32, #tpu.memory_space<hbm>>
      %dma_wait3A_222 = arith.constant 0 : i32
      %dma_wait3A_223 = tpu.memref_slice %arg3[%select_n3A_54, %dma_wait3A_222] : memref<8x3328xf32, #tpu.memory_space<hbm>> -> memref<1x3328xf32, #tpu.memory_space<hbm>>
      %dma_wait3A_224 = tpu.memref_squeeze %dma_wait3A_223 : memref<1x3328xf32, #tpu.memory_space<hbm>> -> memref<3328xf32, #tpu.memory_space<hbm>>
      tpu.wait_dma2 semaphore(%run_scoped3A_214 : memref<!tpu.dma_semaphore, #tpu.memory_space<semaphore_mem>>) src(%dma_wait3A_224 : memref<3328xf32, #tpu.memory_space<hbm>>) dst(%arg8 : memref<3328xf32, #tpu.memory_space<vmem>>)
      tpu.yield
    }) : () -> ()
    "tpu.region"() ({
      %run_scoped3A_214 = tpu.sem_alloc : memref<!tpu.dma_semaphore, #tpu.memory_space<semaphore_mem>>
      %dma_start3A = arith.constant 0 : i32
      %dma_start3A_215 = tpu.memref_slice %arg2[%select_n3A_54, %dma_start3A] : memref<8x3328xf32, #tpu.memory_space<hbm>> -> memref<1x3328xf32, #tpu.memory_space<hbm>>
      %dma_start3A_216 = tpu.memref_squeeze %dma_start3A_215 : memref<1x3328xf32, #tpu.memory_space<hbm>> -> memref<3328xf32, #tpu.memory_space<hbm>>
      %dma_start3A_217 = arith.constant 0 : i32
      %dma_start3A_218 = tpu.memref_slice %arg2[%select_n3A_54, %dma_start3A_217] : memref<8x3328xf32, #tpu.memory_space<hbm>> -> memref<1x3328xf32, #tpu.memory_space<hbm>>
      %dma_start3A_219 = tpu.memref_squeeze %dma_start3A_218 : memref<1x3328xf32, #tpu.memory_space<hbm>> -> memref<3328xf32, #tpu.memory_space<hbm>>
      tpu.enqueue_dma source(%dma_start3A_219 : memref<3328xf32, #tpu.memory_space<hbm>>) target(%arg9 : memref<3328xf32, #tpu.memory_space<vmem>>) target_semaphore(%run_scoped3A_214 : memref<!tpu.dma_semaphore, #tpu.memory_space<semaphore_mem>>)
      %dma_wait3A = arith.constant 0 : i32
      %dma_wait3A_220 = tpu.memref_slice %arg2[%select_n3A_54, %dma_wait3A] : memref<8x3328xf32, #tpu.memory_space<hbm>> -> memref<1x3328xf32, #tpu.memory_space<hbm>>
      %dma_wait3A_221 = tpu.memref_squeeze %dma_wait3A_220 : memref<1x3328xf32, #tpu.memory_space<hbm>> -> memref<3328xf32, #tpu.memory_space<hbm>>
      %dma_wait3A_222 = arith.constant 0 : i32
      %dma_wait3A_223 = tpu.memref_slice %arg2[%select_n3A_54, %dma_wait3A_222] : memref<8x3328xf32, #tpu.memory_space<hbm>> -> memref<1x3328xf32, #tpu.memory_space<hbm>>
      %dma_wait3A_224 = tpu.memref_squeeze %dma_wait3A_223 : memref<1x3328xf32, #tpu.memory_space<hbm>> -> memref<3328xf32, #tpu.memory_space<hbm>>
      tpu.wait_dma2 semaphore(%run_scoped3A_214 : memref<!tpu.dma_semaphore, #tpu.memory_space<semaphore_mem>>) src(%dma_wait3A_224 : memref<3328xf32, #tpu.memory_space<hbm>>) dst(%arg9 : memref<3328xf32, #tpu.memory_space<vmem>>)
      tpu.yield
    }) : () -> ()
    %run_scoped3A = arith.constant 0 : i32
    "tpu.region"() ({
      %run_scoped3A_214 = tpu.sem_alloc : memref<!tpu.dma_semaphore, #tpu.memory_space<semaphore_mem>>
      %dma_start3A = arith.constant 0 : i32
      %dma_start3A_215 = tpu.memref_slice %arg4[%select_n3A_54, %run_scoped3A, %dma_start3A] : memref<8x4x3328xf32, #tpu.memory_space<hbm>> -> memref<1x1x3328xf32, #tpu.memory_space<hbm>>
      %dma_start3A_216 = tpu.memref_squeeze %dma_start3A_215 : memref<1x1x3328xf32, #tpu.memory_space<hbm>> -> memref<3328xf32, #tpu.memory_space<hbm>>
      %dma_start3A_217 = arith.constant 0 : i32
      %dma_start3A_218 = tpu.memref_slice %arg4[%select_n3A_54, %run_scoped3A, %dma_start3A_217] : memref<8x4x3328xf32, #tpu.memory_space<hbm>> -> memref<1x1x3328xf32, #tpu.memory_space<hbm>>
      %dma_start3A_219 = tpu.memref_squeeze %dma_start3A_218 : memref<1x1x3328xf32, #tpu.memory_space<hbm>> -> memref<3328xf32, #tpu.memory_space<hbm>>
      tpu.enqueue_dma source(%dma_start3A_219 : memref<3328xf32, #tpu.memory_space<hbm>>) target(%arg10 : memref<3328xf32, #tpu.memory_space<vmem>>) target_semaphore(%run_scoped3A_214 : memref<!tpu.dma_semaphore, #tpu.memory_space<semaphore_mem>>)
      %dma_wait3A = arith.constant 0 : i32
      %dma_wait3A_220 = tpu.memref_slice %arg4[%select_n3A_54, %run_scoped3A, %dma_wait3A] : memref<8x4x3328xf32, #tpu.memory_space<hbm>> -> memref<1x1x3328xf32, #tpu.memory_space<hbm>>
      %dma_wait3A_221 = tpu.memref_squeeze %dma_wait3A_220 : memref<1x1x3328xf32, #tpu.memory_space<hbm>> -> memref<3328xf32, #tpu.memory_space<hbm>>
      %dma_wait3A_222 = arith.constant 0 : i32
      %dma_wait3A_223 = tpu.memref_slice %arg4[%select_n3A_54, %run_scoped3A, %dma_wait3A_222] : memref<8x4x3328xf32, #tpu.memory_space<hbm>> -> memref<1x1x3328xf32, #tpu.memory_space<hbm>>
      %dma_wait3A_224 = tpu.memref_squeeze %dma_wait3A_223 : memref<1x1x3328xf32, #tpu.memory_space<hbm>> -> memref<3328xf32, #tpu.memory_space<hbm>>
      tpu.wait_dma2 semaphore(%run_scoped3A_214 : memref<!tpu.dma_semaphore, #tpu.memory_space<semaphore_mem>>) src(%dma_wait3A_224 : memref<3328xf32, #tpu.memory_space<hbm>>) dst(%arg10 : memref<3328xf32, #tpu.memory_space<vmem>>)
      tpu.yield
    }) : () -> ()
    %run_scoped3A_73 = arith.constant 1 : i32
    "tpu.region"() ({
      %run_scoped3A_214 = tpu.sem_alloc : memref<!tpu.dma_semaphore, #tpu.memory_space<semaphore_mem>>
      %dma_start3A = arith.constant 0 : i32
      %dma_start3A_215 = tpu.memref_slice %arg4[%select_n3A_54, %run_scoped3A_73, %dma_start3A] : memref<8x4x3328xf32, #tpu.memory_space<hbm>> -> memref<1x1x3328xf32, #tpu.memory_space<hbm>>
      %dma_start3A_216 = tpu.memref_squeeze %dma_start3A_215 : memref<1x1x3328xf32, #tpu.memory_space<hbm>> -> memref<3328xf32, #tpu.memory_space<hbm>>
      %dma_start3A_217 = arith.constant 0 : i32
      %dma_start3A_218 = tpu.memref_slice %arg4[%select_n3A_54, %run_scoped3A_73, %dma_start3A_217] : memref<8x4x3328xf32, #tpu.memory_space<hbm>> -> memref<1x1x3328xf32, #tpu.memory_space<hbm>>
      %dma_start3A_219 = tpu.memref_squeeze %dma_start3A_218 : memref<1x1x3328xf32, #tpu.memory_space<hbm>> -> memref<3328xf32, #tpu.memory_space<hbm>>
      tpu.enqueue_dma source(%dma_start3A_219 : memref<3328xf32, #tpu.memory_space<hbm>>) target(%arg11 : memref<3328xf32, #tpu.memory_space<vmem>>) target_semaphore(%run_scoped3A_214 : memref<!tpu.dma_semaphore, #tpu.memory_space<semaphore_mem>>)
      %dma_wait3A = arith.constant 0 : i32
      %dma_wait3A_220 = tpu.memref_slice %arg4[%select_n3A_54, %run_scoped3A_73, %dma_wait3A] : memref<8x4x3328xf32, #tpu.memory_space<hbm>> -> memref<1x1x3328xf32, #tpu.memory_space<hbm>>
      %dma_wait3A_221 = tpu.memref_squeeze %dma_wait3A_220 : memref<1x1x3328xf32, #tpu.memory_space<hbm>> -> memref<3328xf32, #tpu.memory_space<hbm>>
      %dma_wait3A_222 = arith.constant 0 : i32
      %dma_wait3A_223 = tpu.memref_slice %arg4[%select_n3A_54, %run_scoped3A_73, %dma_wait3A_222] : memref<8x4x3328xf32, #tpu.memory_space<hbm>> -> memref<1x1x3328xf32, #tpu.memory_space<hbm>>
      %dma_wait3A_224 = tpu.memref_squeeze %dma_wait3A_223 : memref<1x1x3328xf32, #tpu.memory_space<hbm>> -> memref<3328xf32, #tpu.memory_space<hbm>>
      tpu.wait_dma2 semaphore(%run_scoped3A_214 : memref<!tpu.dma_semaphore, #tpu.memory_space<semaphore_mem>>) src(%dma_wait3A_224 : memref<3328xf32, #tpu.memory_space<hbm>>) dst(%arg11 : memref<3328xf32, #tpu.memory_space<vmem>>)
      tpu.yield
    }) : () -> ()
    %run_scoped3A_74 = arith.constant 2 : i32
    "tpu.region"() ({
      %run_scoped3A_214 = tpu.sem_alloc : memref<!tpu.dma_semaphore, #tpu.memory_space<semaphore_mem>>
      %dma_start3A = arith.constant 0 : i32
      %dma_start3A_215 = tpu.memref_slice %arg4[%select_n3A_54, %run_scoped3A_74, %dma_start3A] : memref<8x4x3328xf32, #tpu.memory_space<hbm>> -> memref<1x1x3328xf32, #tpu.memory_space<hbm>>
      %dma_start3A_216 = tpu.memref_squeeze %dma_start3A_215 : memref<1x1x3328xf32, #tpu.memory_space<hbm>> -> memref<3328xf32, #tpu.memory_space<hbm>>
      %dma_start3A_217 = arith.constant 0 : i32
      %dma_start3A_218 = tpu.memref_slice %arg4[%select_n3A_54, %run_scoped3A_74, %dma_start3A_217] : memref<8x4x3328xf32, #tpu.memory_space<hbm>> -> memref<1x1x3328xf32, #tpu.memory_space<hbm>>
      %dma_start3A_219 = tpu.memref_squeeze %dma_start3A_218 : memref<1x1x3328xf32, #tpu.memory_space<hbm>> -> memref<3328xf32, #tpu.memory_space<hbm>>
      tpu.enqueue_dma source(%dma_start3A_219 : memref<3328xf32, #tpu.memory_space<hbm>>) target(%arg12 : memref<3328xf32, #tpu.memory_space<vmem>>) target_semaphore(%run_scoped3A_214 : memref<!tpu.dma_semaphore, #tpu.memory_space<semaphore_mem>>)
      %dma_wait3A = arith.constant 0 : i32
      %dma_wait3A_220 = tpu.memref_slice %arg4[%select_n3A_54, %run_scoped3A_74, %dma_wait3A] : memref<8x4x3328xf32, #tpu.memory_space<hbm>> -> memref<1x1x3328xf32, #tpu.memory_space<hbm>>
      %dma_wait3A_221 = tpu.memref_squeeze %dma_wait3A_220 : memref<1x1x3328xf32, #tpu.memory_space<hbm>> -> memref<3328xf32, #tpu.memory_space<hbm>>
      %dma_wait3A_222 = arith.constant 0 : i32
      %dma_wait3A_223 = tpu.memref_slice %arg4[%select_n3A_54, %run_scoped3A_74, %dma_wait3A_222] : memref<8x4x3328xf32, #tpu.memory_space<hbm>> -> memref<1x1x3328xf32, #tpu.memory_space<hbm>>
      %dma_wait3A_224 = tpu.memref_squeeze %dma_wait3A_223 : memref<1x1x3328xf32, #tpu.memory_space<hbm>> -> memref<3328xf32, #tpu.memory_space<hbm>>
      tpu.wait_dma2 semaphore(%run_scoped3A_214 : memref<!tpu.dma_semaphore, #tpu.memory_space<semaphore_mem>>) src(%dma_wait3A_224 : memref<3328xf32, #tpu.memory_space<hbm>>) dst(%arg12 : memref<3328xf32, #tpu.memory_space<vmem>>)
      tpu.yield
    }) : () -> ()
    %run_scoped3A_75 = arith.constant 3 : i32
    "tpu.region"() ({
      %run_scoped3A_214 = tpu.sem_alloc : memref<!tpu.dma_semaphore, #tpu.memory_space<semaphore_mem>>
      %dma_start3A = arith.constant 0 : i32
      %dma_start3A_215 = tpu.memref_slice %arg4[%select_n3A_54, %run_scoped3A_75, %dma_start3A] : memref<8x4x3328xf32, #tpu.memory_space<hbm>> -> memref<1x1x3328xf32, #tpu.memory_space<hbm>>
      %dma_start3A_216 = tpu.memref_squeeze %dma_start3A_215 : memref<1x1x3328xf32, #tpu.memory_space<hbm>> -> memref<3328xf32, #tpu.memory_space<hbm>>
      %dma_start3A_217 = arith.constant 0 : i32
      %dma_start3A_218 = tpu.memref_slice %arg4[%select_n3A_54, %run_scoped3A_75, %dma_start3A_217] : memref<8x4x3328xf32, #tpu.memory_space<hbm>> -> memref<1x1x3328xf32, #tpu.memory_space<hbm>>
      %dma_start3A_219 = tpu.memref_squeeze %dma_start3A_218 : memref<1x1x3328xf32, #tpu.memory_space<hbm>> -> memref<3328xf32, #tpu.memory_space<hbm>>
      tpu.enqueue_dma source(%dma_start3A_219 : memref<3328xf32, #tpu.memory_space<hbm>>) target(%arg13 : memref<3328xf32, #tpu.memory_space<vmem>>) target_semaphore(%run_scoped3A_214 : memref<!tpu.dma_semaphore, #tpu.memory_space<semaphore_mem>>)
      %dma_wait3A = arith.constant 0 : i32
      %dma_wait3A_220 = tpu.memref_slice %arg4[%select_n3A_54, %run_scoped3A_75, %dma_wait3A] : memref<8x4x3328xf32, #tpu.memory_space<hbm>> -> memref<1x1x3328xf32, #tpu.memory_space<hbm>>
      %dma_wait3A_221 = tpu.memref_squeeze %dma_wait3A_220 : memref<1x1x3328xf32, #tpu.memory_space<hbm>> -> memref<3328xf32, #tpu.memory_space<hbm>>
      %dma_wait3A_222 = arith.constant 0 : i32
      %dma_wait3A_223 = tpu.memref_slice %arg4[%select_n3A_54, %run_scoped3A_75, %dma_wait3A_222] : memref<8x4x3328xf32, #tpu.memory_space<hbm>> -> memref<1x1x3328xf32, #tpu.memory_space<hbm>>
      %dma_wait3A_224 = tpu.memref_squeeze %dma_wait3A_223 : memref<1x1x3328xf32, #tpu.memory_space<hbm>> -> memref<3328xf32, #tpu.memory_space<hbm>>
      tpu.wait_dma2 semaphore(%run_scoped3A_214 : memref<!tpu.dma_semaphore, #tpu.memory_space<semaphore_mem>>) src(%dma_wait3A_224 : memref<3328xf32, #tpu.memory_space<hbm>>) dst(%arg13 : memref<3328xf32, #tpu.memory_space<vmem>>)
      tpu.yield
    }) : () -> ()
    "tpu.region"() ({
      %run_scoped3A_214 = tpu.sem_alloc : memref<!tpu.dma_semaphore, #tpu.memory_space<semaphore_mem>>
      %dma_start3A = arith.constant 0 : i32
      %dma_start3A_215 = tpu.memref_slice %arg5[%select_n3A_54, %dma_start3A] : memref<8x16xf32, #tpu.memory_space<hbm>> -> memref<1x16xf32, #tpu.memory_space<hbm>>
      %dma_start3A_216 = tpu.memref_squeeze %dma_start3A_215 : memref<1x16xf32, #tpu.memory_space<hbm>> -> memref<16xf32, #tpu.memory_space<hbm>>
      %dma_start3A_217 = arith.constant 0 : i32
      %dma_start3A_218 = tpu.memref_slice %arg5[%select_n3A_54, %dma_start3A_217] : memref<8x16xf32, #tpu.memory_space<hbm>> -> memref<1x16xf32, #tpu.memory_space<hbm>>
      %dma_start3A_219 = tpu.memref_squeeze %dma_start3A_218 : memref<1x16xf32, #tpu.memory_space<hbm>> -> memref<16xf32, #tpu.memory_space<hbm>>
      tpu.enqueue_dma source(%dma_start3A_219 : memref<16xf32, #tpu.memory_space<hbm>>) target(%arg14 : memref<16xf32, #tpu.memory_space<vmem>>) target_semaphore(%run_scoped3A_214 : memref<!tpu.dma_semaphore, #tpu.memory_space<semaphore_mem>>)
      %dma_wait3A = arith.constant 0 : i32
      %dma_wait3A_220 = tpu.memref_slice %arg5[%select_n3A_54, %dma_wait3A] : memref<8x16xf32, #tpu.memory_space<hbm>> -> memref<1x16xf32, #tpu.memory_space<hbm>>
      %dma_wait3A_221 = tpu.memref_squeeze %dma_wait3A_220 : memref<1x16xf32, #tpu.memory_space<hbm>> -> memref<16xf32, #tpu.memory_space<hbm>>
      %dma_wait3A_222 = arith.constant 0 : i32
      %dma_wait3A_223 = tpu.memref_slice %arg5[%select_n3A_54, %dma_wait3A_222] : memref<8x16xf32, #tpu.memory_space<hbm>> -> memref<1x16xf32, #tpu.memory_space<hbm>>
      %dma_wait3A_224 = tpu.memref_squeeze %dma_wait3A_223 : memref<1x16xf32, #tpu.memory_space<hbm>> -> memref<16xf32, #tpu.memory_space<hbm>>
      tpu.wait_dma2 semaphore(%run_scoped3A_214 : memref<!tpu.dma_semaphore, #tpu.memory_space<semaphore_mem>>) src(%dma_wait3A_224 : memref<16xf32, #tpu.memory_space<hbm>>) dst(%arg14 : memref<16xf32, #tpu.memory_space<vmem>>)
      tpu.yield
    }) : () -> ()
    %get3A = arith.constant 0 : index
    %get3A_76 = tpu.vector_load %arg14[%get3A] {strides = array<i32>} : memref<16xf32, #tpu.memory_space<vmem>>, vector<16xf32>,
    %slice3A = vector.extract_strided_slice %get3A_76 {offsets = [0], sizes = [1], strides = [1]} : vector<16xf32> to vector<1xf32>
    %squeeze3A = vector.extract %slice3A[0] : f32 from vector<1xf32>
    %slice3A_77 = vector.extract_strided_slice %get3A_76 {offsets = [1], sizes = [1], strides = [1]} : vector<16xf32> to vector<1xf32>
    %squeeze3A_78 = vector.extract %slice3A_77[0] : f32 from vector<1xf32>
    %slice3A_79 = vector.extract_strided_slice %get3A_76 {offsets = [2], sizes = [1], strides = [1]} : vector<16xf32> to vector<1xf32>
    %squeeze3A_80 = vector.extract %slice3A_79[0] : f32 from vector<1xf32>
    %slice3A_81 = vector.extract_strided_slice %get3A_76 {offsets = [3], sizes = [1], strides = [1]} : vector<16xf32> to vector<1xf32>
    %squeeze3A_82 = vector.extract %slice3A_81[0] : f32 from vector<1xf32>
    %sub3A_83 = arith.subf %squeeze3A_80, %squeeze3A : f32
    %sub3A_84 = arith.subf %squeeze3A_82, %squeeze3A_78 : f32
    %mul3A_85 = arith.mulf %sub3A_83, %sub3A_84 : f32
    %iota3A = tpu.iota {dimensions = array<i32: 0>} : vector<16xi32>
    %broadcast_in_dim3A = arith.constant 0.000000e+00 : f32
    %broadcast_in_dim3A_86 = vector.broadcast %broadcast_in_dim3A : f32 to vector<16xf32>
    %broadcast_in_dim3A_87 = arith.constant 0x7F800000 : f32
    %broadcast_in_dim3A_88 = vector.broadcast %broadcast_in_dim3A_87 : f32 to vector<16xf32>
    %broadcast_in_dim3A_89 = arith.constant 0xFF800000 : f32
    %broadcast_in_dim3A_90 = vector.broadcast %broadcast_in_dim3A_89 : f32 to vector<16xf32>
    %scan3A = arith.constant 0 : i32
    %scan3A_91 = arith.constant 208 : i32
    %scan3A_92 = arith.addi %scan3A, %scan3A_91 : i32
    %scan3A_93 = arith.constant 1 : i32
    %scan3A_94:2 = scf.for %scan3A_214 = %scan3A to %scan3A_92 step %scan3A_93 iter_args(%scan3A_215 = %broadcast_in_dim3A_88, %scan3A_216 = %broadcast_in_dim3A_90) -> (vector<16xf32>, vector<16xf32>)  : i32 {
      %mul3A_217 = arith.constant 16 : i32
      %mul3A_218 = arith.muli %scan3A_214, %mul3A_217 : i32
      %get3A_219 = arith.index_cast %mul3A_218 : i32 to index
      %get3A_220 = tpu.vector_load %arg8[%get3A_219] {strides = array<i32>} : memref<3328xf32, #tpu.memory_space<vmem>>, vector<16xf32>,
      %gt3A = arith.constant 0.000000e+00 : f32
      %gt3A_221 = vector.broadcast %gt3A : f32 to vector<16xf32>
      %gt3A_222 = arith.cmpf ogt, %get3A_220, %gt3A_221 : vector<16xf32>
      %get3A_223 = arith.index_cast %mul3A_218 : i32 to index
      %get3A_224 = tpu.vector_load %arg9[%get3A_223] {strides = array<i32>} : memref<3328xf32, #tpu.memory_space<vmem>>, vector<16xf32>,
      %exp3A = math.exp %get3A_224 : vector<16xf32>
      %swap3A_225 = arith.index_cast %mul3A_218 : i32 to index
      %swap3A_226 = tpu.vector_load %arg9[%swap3A_225] {strides = array<i32>} : memref<3328xf32, #tpu.memory_space<vmem>>, vector<16xf32>,
      tpu.vector_store %arg9[%swap3A_225], %exp3A {strides = array<i32>} : memref<3328xf32, #tpu.memory_space<vmem>>, vector<16xf32>,
      %jit3A_227 = arith.constant 0x7F800000 : f32
      %broadcast_in_dim3A_228 = vector.broadcast %jit3A_227 : f32 to vector<16xf32>
      %select_n3A_229 = arith.select %gt3A_222, %exp3A, %broadcast_in_dim3A_228 : vector<16xi1>, vector<16xf32>
      %min3A = arith.minimumf %scan3A_215, %select_n3A_229 : vector<16xf32>
      %jit3A_230 = arith.constant 0xFF800000 : f32
      %broadcast_in_dim3A_231 = vector.broadcast %jit3A_230 : f32 to vector<16xf32>
      %select_n3A_232 = arith.select %gt3A_222, %exp3A, %broadcast_in_dim3A_231 : vector<16xi1>, vector<16xf32>
      %max3A = arith.maximumf %scan3A_216, %select_n3A_232 : vector<16xf32>
      scf.yield %min3A, %max3A : vector<16xf32>, vector<16xf32>
    }
    %scan3A_95 = arith.constant 208 : i32
    %reduce_min3A = arith.constant true
    %reduce_min3A_96 = vector.broadcast %reduce_min3A : i1 to vector<16xi1>
    %reduce_min3A_97 = tpu.scan <min>, %scan3A_94#0 masked %reduce_min3A_96 : vector<16xf32>, vector<16xi1> -> vector<16xf32>
    %reduce_min3A_98 = vector.extract %reduce_min3A_97[15] : f32 from vector<16xf32>
    %reduce_max3A = arith.constant true
    %reduce_max3A_99 = vector.broadcast %reduce_max3A : i1 to vector<16xi1>
    %reduce_max3A_100 = tpu.scan <max>, %scan3A_94#1 masked %reduce_max3A_99 : vector<16xf32>, vector<16xi1> -> vector<16xf32>
    %reduce_max3A_101 = vector.extract %reduce_max3A_100[15] : f32 from vector<16xf32>
    %add3A_102 = arith.addf %reduce_min3A_98, %reduce_max3A_101 : f32
    %mul3A_103 = arith.constant 5.000000e-01 : f32
    %mul3A_104 = arith.mulf %mul3A_103, %add3A_102 : f32
    %jit3A_105 = arith.constant 5.000000e-01 : f32
    %select_n3A_106 = arith.select %eq3A_72, %mul3A_104, %jit3A_105 : f32
    %scan3A_107 = arith.constant 0 : i32
    %scan3A_108 = arith.constant 0 : i32
    %scan3A_109 = arith.constant 208 : i32
    %scan3A_110 = arith.addi %scan3A_108, %scan3A_109 : i32
    %scan3A_111 = arith.constant 1 : i32
    %scan3A_112 = scf.for %scan3A_214 = %scan3A_108 to %scan3A_110 step %scan3A_111 iter_args(%scan3A_215 = %scan3A_107) -> (i32)  : i32 {
      %mul3A_216 = arith.constant 16 : i32
      %mul3A_217 = arith.muli %scan3A_214, %mul3A_216 : i32
      %get3A_218 = arith.index_cast %mul3A_217 : i32 to index
      %get3A_219 = tpu.vector_load %arg8[%get3A_218] {strides = array<i32>} : memref<3328xf32, #tpu.memory_space<vmem>>, vector<16xf32>,
      %gt3A = arith.constant 0.000000e+00 : f32
      %gt3A_220 = vector.broadcast %gt3A : f32 to vector<16xf32>
      %gt3A_221 = arith.cmpf ogt, %get3A_219, %gt3A_220 : vector<16xf32>
      %get3A_222 = arith.index_cast %mul3A_217 : i32 to index
      %get3A_223 = tpu.vector_load %arg10[%get3A_222] {strides = array<i32>} : memref<3328xf32, #tpu.memory_space<vmem>>, vector<16xf32>,
      %get3A_224 = arith.index_cast %mul3A_217 : i32 to index
      %get3A_225 = tpu.vector_load %arg11[%get3A_224] {strides = array<i32>} : memref<3328xf32, #tpu.memory_space<vmem>>, vector<16xf32>,
      %get3A_226 = arith.index_cast %mul3A_217 : i32 to index
      %get3A_227 = tpu.vector_load %arg12[%get3A_226] {strides = array<i32>} : memref<3328xf32, #tpu.memory_space<vmem>>, vector<16xf32>,
      %get3A_228 = arith.index_cast %mul3A_217 : i32 to index
      %get3A_229 = tpu.vector_load %arg13[%get3A_228] {strides = array<i32>} : memref<3328xf32, #tpu.memory_space<vmem>>, vector<16xf32>,
      %min3A = vector.broadcast %squeeze3A_80 : f32 to vector<16xf32>
      %min3A_230 = arith.minimumf %min3A, %get3A_227 : vector<16xf32>
      %max3A = vector.broadcast %squeeze3A : f32 to vector<16xf32>
      %max3A_231 = arith.maximumf %max3A, %get3A_223 : vector<16xf32>
      %sub3A_232 = arith.subf %min3A_230, %max3A_231 : vector<16xf32>
      %max3A_233 = arith.constant 0.000000e+00 : f32
      %max3A_234 = vector.broadcast %max3A_233 : f32 to vector<16xf32>
      %max3A_235 = arith.maximumf %sub3A_232, %max3A_234 : vector<16xf32>
      %min3A_236 = vector.broadcast %squeeze3A_82 : f32 to vector<16xf32>
      %min3A_237 = arith.minimumf %min3A_236, %get3A_229 : vector<16xf32>
      %max3A_238 = vector.broadcast %squeeze3A_78 : f32 to vector<16xf32>
      %max3A_239 = arith.maximumf %max3A_238, %get3A_225 : vector<16xf32>
      %sub3A_240 = arith.subf %min3A_237, %max3A_239 : vector<16xf32>
      %max3A_241 = arith.constant 0.000000e+00 : f32
      %max3A_242 = vector.broadcast %max3A_241 : f32 to vector<16xf32>
      %max3A_243 = arith.maximumf %sub3A_240, %max3A_242 : vector<16xf32>
      %mul3A_244 = arith.mulf %max3A_235, %max3A_243 : vector<16xf32>
      %sub3A_245 = arith.subf %get3A_227, %get3A_223 : vector<16xf32>
      %sub3A_246 = arith.subf %get3A_229, %get3A_225 : vector<16xf32>
      %mul3A_247 = arith.mulf %sub3A_245, %sub3A_246 : vector<16xf32>
      %add3A_248 = vector.broadcast %mul3A_85 : f32 to vector<16xf32>
      %add3A_249 = arith.addf %mul3A_247, %add3A_248 : vector<16xf32>
      %sub3A_250 = arith.subf %add3A_249, %mul3A_244 : vector<16xf32>
      %div3A_251 = arith.divf %mul3A_244, %sub3A_250 : vector<16xf32>
      %get3A_252 = arith.index_cast %mul3A_217 : i32 to index
      %get3A_253 = tpu.vector_load %arg9[%get3A_252] {strides = array<i32>} : memref<3328xf32, #tpu.memory_space<vmem>>, vector<16xf32>,
      %select_n3A_254 = arith.select %eq3A_72, %div3A_251, %get3A_253 : vector<16xf32>
      %select_n3A_255 = arith.select %eq3A_72, %get3A_253, %div3A_251 : vector<16xf32>
      %sub3A_256 = vector.broadcast %select_n3A_106 : f32 to vector<16xf32>
      %sub3A_257 = arith.subf %select_n3A_255, %sub3A_256 : vector<16xf32>
      %exp3A = math.exp %sub3A_257 : vector<16xf32>
      %jit3A_258 = arith.constant 0.000000e+00 : f32
      %broadcast_in_dim3A_259 = vector.broadcast %jit3A_258 : f32 to vector<16xf32>
      %select_n3A_260 = arith.select %gt3A_221, %exp3A, %broadcast_in_dim3A_259 : vector<16xi1>, vector<16xf32>
      %sub3A_261 = vector.broadcast %select_n3A_106 : f32 to vector<16xf32>
      %sub3A_262 = arith.subf %sub3A_261, %select_n3A_255 : vector<16xf32>
      %exp3A_263 = math.exp %sub3A_262 : vector<16xf32>
      %jit3A_264 = arith.constant 0.000000e+00 : f32
      %broadcast_in_dim3A_265 = vector.broadcast %jit3A_264 : f32 to vector<16xf32>
      %select_n3A_266 = arith.select %gt3A_221, %exp3A_263, %broadcast_in_dim3A_265 : vector<16xi1>, vector<16xf32>
      %jit3A_267 = arith.constant 1 : i32
      %jit3A_268 = arith.constant 0 : i32
      %broadcast_in_dim3A_269 = vector.broadcast %jit3A_267 : i32 to vector<16xi32>
      %broadcast_in_dim3A_270 = vector.broadcast %jit3A_268 : i32 to vector<16xi32>
      %select_n3A_271 = arith.select %gt3A_221, %broadcast_in_dim3A_269, %broadcast_in_dim3A_270 : vector<16xi1>, vector<16xi32>
      %sub3A_272 = arith.constant 1 : i32
      %sub3A_273 = vector.broadcast %sub3A_272 : i32 to vector<16xi32>
      %sub3A_274 = arith.subi %iota3A, %sub3A_273 : vector<16xi32>
      %max3A_275 = arith.constant 0 : i32
      %max3A_276 = vector.broadcast %max3A_275 : i32 to vector<16xi32>
      %max3A_277 = arith.maxsi %sub3A_274, %max3A_276 : vector<16xi32>
      %lt3A_278 = arith.constant 0 : i32
      %lt3A_279 = vector.broadcast %lt3A_278 : i32 to vector<16xi32>
      %lt3A_280 = arith.cmpi slt, %max3A_277, %lt3A_279 : vector<16xi32>
      %add3A_281 = arith.constant 16 : i32
      %add3A_282 = vector.broadcast %add3A_281 : i32 to vector<16xi32>
      %add3A_283 = arith.addi %max3A_277, %add3A_282 : vector<16xi32>
      %select_n3A_284 = arith.select %lt3A_280, %add3A_283, %max3A_277 : vector<16xi1>, vector<16xi32>
      %broadcast_in_dim3A_285 = vector.shape_cast %select_n3A_284 : vector<16xi32> to vector<16x1xi32>
      %gather3A = vector.shape_cast %broadcast_in_dim3A_285 : vector<16x1xi32> to vector<16xi32>
      %gather3A_286 = tpu.dynamic_gather %select_n3A_271[%gather3A] in [0] : vector<16xi32>, vector<16xi32> -> vector<16xi32>
      %ge3A = arith.constant 1 : i32
      %ge3A_287 = vector.broadcast %ge3A : i32 to vector<16xi32>
      %ge3A_288 = arith.cmpi sge, %iota3A, %ge3A_287 : vector<16xi32>
      %jit3A_289 = arith.constant 0 : i32
      %broadcast_in_dim3A_290 = vector.broadcast %jit3A_289 : i32 to vector<16xi32>
      %select_n3A_291 = arith.select %ge3A_288, %gather3A_286, %broadcast_in_dim3A_290 : vector<16xi1>, vector<16xi32>
      %add3A_292 = arith.addi %select_n3A_271, %select_n3A_291 : vector<16xi32>
      %sub3A_293 = arith.constant 2 : i32
      %sub3A_294 = vector.broadcast %sub3A_293 : i32 to vector<16xi32>
      %sub3A_295 = arith.subi %iota3A, %sub3A_294 : vector<16xi32>
      %max3A_296 = arith.constant 0 : i32
      %max3A_297 = vector.broadcast %max3A_296 : i32 to vector<16xi32>
      %max3A_298 = arith.maxsi %sub3A_295, %max3A_297 : vector<16xi32>
      %lt3A_299 = arith.constant 0 : i32
      %lt3A_300 = vector.broadcast %lt3A_299 : i32 to vector<16xi32>
      %lt3A_301 = arith.cmpi slt, %max3A_298, %lt3A_300 : vector<16xi32>
      %add3A_302 = arith.constant 16 : i32
      %add3A_303 = vector.broadcast %add3A_302 : i32 to vector<16xi32>
      %add3A_304 = arith.addi %max3A_298, %add3A_303 : vector<16xi32>
      %select_n3A_305 = arith.select %lt3A_301, %add3A_304, %max3A_298 : vector<16xi1>, vector<16xi32>
      %broadcast_in_dim3A_306 = vector.shape_cast %select_n3A_305 : vector<16xi32> to vector<16x1xi32>
      %gather3A_307 = vector.shape_cast %broadcast_in_dim3A_306 : vector<16x1xi32> to vector<16xi32>
      %gather3A_308 = tpu.dynamic_gather %add3A_292[%gather3A_307] in [0] : vector<16xi32>, vector<16xi32> -> vector<16xi32>
      %ge3A_309 = arith.constant 2 : i32
      %ge3A_310 = vector.broadcast %ge3A_309 : i32 to vector<16xi32>
      %ge3A_311 = arith.cmpi sge, %iota3A, %ge3A_310 : vector<16xi32>
      %jit3A_312 = arith.constant 0 : i32
      %broadcast_in_dim3A_313 = vector.broadcast %jit3A_312 : i32 to vector<16xi32>
      %select_n3A_314 = arith.select %ge3A_311, %gather3A_308, %broadcast_in_dim3A_313 : vector<16xi1>, vector<16xi32>
      %add3A_315 = arith.addi %add3A_292, %select_n3A_314 : vector<16xi32>
      %sub3A_316 = arith.constant 4 : i32
      %sub3A_317 = vector.broadcast %sub3A_316 : i32 to vector<16xi32>
      %sub3A_318 = arith.subi %iota3A, %sub3A_317 : vector<16xi32>
      %max3A_319 = arith.constant 0 : i32
      %max3A_320 = vector.broadcast %max3A_319 : i32 to vector<16xi32>
      %max3A_321 = arith.maxsi %sub3A_318, %max3A_320 : vector<16xi32>
      %lt3A_322 = arith.constant 0 : i32
      %lt3A_323 = vector.broadcast %lt3A_322 : i32 to vector<16xi32>
      %lt3A_324 = arith.cmpi slt, %max3A_321, %lt3A_323 : vector<16xi32>
      %add3A_325 = arith.constant 16 : i32
      %add3A_326 = vector.broadcast %add3A_325 : i32 to vector<16xi32>
      %add3A_327 = arith.addi %max3A_321, %add3A_326 : vector<16xi32>
      %select_n3A_328 = arith.select %lt3A_324, %add3A_327, %max3A_321 : vector<16xi1>, vector<16xi32>
      %broadcast_in_dim3A_329 = vector.shape_cast %select_n3A_328 : vector<16xi32> to vector<16x1xi32>
      %gather3A_330 = vector.shape_cast %broadcast_in_dim3A_329 : vector<16x1xi32> to vector<16xi32>
      %gather3A_331 = tpu.dynamic_gather %add3A_315[%gather3A_330] in [0] : vector<16xi32>, vector<16xi32> -> vector<16xi32>
      %ge3A_332 = arith.constant 4 : i32
      %ge3A_333 = vector.broadcast %ge3A_332 : i32 to vector<16xi32>
      %ge3A_334 = arith.cmpi sge, %iota3A, %ge3A_333 : vector<16xi32>
      %jit3A_335 = arith.constant 0 : i32
      %broadcast_in_dim3A_336 = vector.broadcast %jit3A_335 : i32 to vector<16xi32>
      %select_n3A_337 = arith.select %ge3A_334, %gather3A_331, %broadcast_in_dim3A_336 : vector<16xi1>, vector<16xi32>
      %add3A_338 = arith.addi %add3A_315, %select_n3A_337 : vector<16xi32>
      %sub3A_339 = arith.constant 8 : i32
      %sub3A_340 = vector.broadcast %sub3A_339 : i32 to vector<16xi32>
      %sub3A_341 = arith.subi %iota3A, %sub3A_340 : vector<16xi32>
      %max3A_342 = arith.constant 0 : i32
      %max3A_343 = vector.broadcast %max3A_342 : i32 to vector<16xi32>
      %max3A_344 = arith.maxsi %sub3A_341, %max3A_343 : vector<16xi32>
      %lt3A_345 = arith.constant 0 : i32
      %lt3A_346 = vector.broadcast %lt3A_345 : i32 to vector<16xi32>
      %lt3A_347 = arith.cmpi slt, %max3A_344, %lt3A_346 : vector<16xi32>
      %add3A_348 = arith.constant 16 : i32
      %add3A_349 = vector.broadcast %add3A_348 : i32 to vector<16xi32>
      %add3A_350 = arith.addi %max3A_344, %add3A_349 : vector<16xi32>
      %select_n3A_351 = arith.select %lt3A_347, %add3A_350, %max3A_344 : vector<16xi1>, vector<16xi32>
      %broadcast_in_dim3A_352 = vector.shape_cast %select_n3A_351 : vector<16xi32> to vector<16x1xi32>
      %gather3A_353 = vector.shape_cast %broadcast_in_dim3A_352 : vector<16x1xi32> to vector<16xi32>
      %gather3A_354 = tpu.dynamic_gather %add3A_338[%gather3A_353] in [0] : vector<16xi32>, vector<16xi32> -> vector<16xi32>
      %ge3A_355 = arith.constant 8 : i32
      %ge3A_356 = vector.broadcast %ge3A_355 : i32 to vector<16xi32>
      %ge3A_357 = arith.cmpi sge, %iota3A, %ge3A_356 : vector<16xi32>
      %jit3A_358 = arith.constant 0 : i32
      %broadcast_in_dim3A_359 = vector.broadcast %jit3A_358 : i32 to vector<16xi32>
      %select_n3A_360 = arith.select %ge3A_357, %gather3A_354, %broadcast_in_dim3A_359 : vector<16xi1>, vector<16xi32>
      %add3A_361 = arith.addi %add3A_338, %select_n3A_360 : vector<16xi32>
      %add3A_362 = vector.broadcast %scan3A_215 : i32 to vector<16xi32>
      %add3A_363 = arith.addi %add3A_362, %add3A_361 : vector<16xi32>
      %sub3A_364 = arith.constant 1 : i32
      %sub3A_365 = vector.broadcast %sub3A_364 : i32 to vector<16xi32>
      %sub3A_366 = arith.subi %add3A_363, %sub3A_365 : vector<16xi32>
      tpu.vector_store_idx %arg15[%sub3A_366], %select_n3A_254 masked %gt3A_221 : memref<3344xf32, #tpu.memory_space<vmem>>[vector<16xi32>], vector<16xf32>, vector<16xi1>
      tpu.vector_store_idx %arg16[%sub3A_366], %select_n3A_260 masked %gt3A_221 : memref<3344xf32, #tpu.memory_space<vmem>>[vector<16xi32>], vector<16xf32>, vector<16xi1>
      tpu.vector_store_idx %arg17[%sub3A_366], %select_n3A_266 masked %gt3A_221 : memref<3344xf32, #tpu.memory_space<vmem>>[vector<16xi32>], vector<16xf32>, vector<16xi1>
      %add3A_367 = vector.broadcast %mul3A_217 : i32 to vector<16xi32>
      %add3A_368 = arith.addi %add3A_367, %iota3A : vector<16xi32>
      tpu.vector_store_idx %arg18[%sub3A_366], %add3A_368 masked %gt3A_221 : memref<3344xi32, #tpu.memory_space<vmem>>[vector<16xi32>], vector<16xi32>, vector<16xi1>
      %slice3A_369 = vector.extract_strided_slice %add3A_361 {offsets = [15], sizes = [1], strides = [1]} : vector<16xi32> to vector<1xi32>
      %squeeze3A_370 = vector.extract %slice3A_369[0] : i32 from vector<1xi32>
      %add3A_371 = arith.addi %scan3A_215, %squeeze3A_370 : i32
      scf.yield %add3A_371 : i32
    }
    %scan3A_113 = arith.constant 208 : i32
    %swap3A = arith.index_cast %scan3A_112 : i32 to index
    %swap3A_114 = tpu.vector_load %arg15[%swap3A] {strides = array<i32>} : memref<3344xf32, #tpu.memory_space<vmem>>, vector<16xf32>,
    tpu.vector_store %arg15[%swap3A], %broadcast_in_dim3A_86 {strides = array<i32>} : memref<3344xf32, #tpu.memory_space<vmem>>, vector<16xf32>,
    %swap3A_115 = arith.index_cast %scan3A_112 : i32 to index
    %swap3A_116 = tpu.vector_load %arg16[%swap3A_115] {strides = array<i32>} : memref<3344xf32, #tpu.memory_space<vmem>>, vector<16xf32>,
    tpu.vector_store %arg16[%swap3A_115], %broadcast_in_dim3A_86 {strides = array<i32>} : memref<3344xf32, #tpu.memory_space<vmem>>, vector<16xf32>,
    %swap3A_117 = arith.index_cast %scan3A_112 : i32 to index
    %swap3A_118 = tpu.vector_load %arg17[%swap3A_117] {strides = array<i32>} : memref<3344xf32, #tpu.memory_space<vmem>>, vector<16xf32>,
    tpu.vector_store %arg17[%swap3A_117], %broadcast_in_dim3A_86 {strides = array<i32>} : memref<3344xf32, #tpu.memory_space<vmem>>, vector<16xf32>,
    %add3A_119 = arith.constant 15 : i32
    %add3A_120 = arith.addi %scan3A_112, %add3A_119 : i32
    %jit3A_121 = arith.constant 16 : i32
    %div3A_122 = arith.divsi %add3A_120, %jit3A_121 : i32
    %sign3A_123 = arith.constant 0 : i32
    %sign3A_124 = arith.cmpi sgt, %add3A_120, %sign3A_123 : i32
    %sign3A_125 = arith.extui %sign3A_124 : i1 to i32
    %sign3A_126 = arith.constant 0 : i32
    %sign3A_127 = arith.cmpi slt, %add3A_120, %sign3A_126 : i32
    %sign3A_128 = arith.extui %sign3A_127 : i1 to i32
    %sign3A_129 = arith.subi %sign3A_125, %sign3A_128 : i32
    %sign3A_130 = arith.constant 0 : i32
    %sign3A_131 = arith.cmpi sgt, %jit3A_121, %sign3A_130 : i32
    %sign3A_132 = arith.extui %sign3A_131 : i1 to i32
    %sign3A_133 = arith.constant 0 : i32
    %sign3A_134 = arith.cmpi slt, %jit3A_121, %sign3A_133 : i32
    %sign3A_135 = arith.extui %sign3A_134 : i1 to i32
    %sign3A_136 = arith.subi %sign3A_132, %sign3A_135 : i32
    %ne3A_137 = arith.cmpi ne, %sign3A_129, %sign3A_136 : i32
    %rem3A_138 = arith.remsi %add3A_120, %jit3A_121 : i32
    %ne3A_139 = arith.constant 0 : i32
    %ne3A_140 = arith.cmpi ne, %rem3A_138, %ne3A_139 : i32
    %and3A_141 = arith.andi %ne3A_137, %ne3A_140 : i1
    %sub3A_142 = arith.constant 1 : i32
    %sub3A_143 = arith.subi %div3A_122, %sub3A_142 : i32
    %select_n3A_144 = arith.select %and3A_141, %sub3A_143, %div3A_122 : i32
    %eq3A_145 = arith.constant 0 : i32
    %eq3A_146 = arith.cmpi eq, %select_n3A_30, %eq3A_145 : i32
    %jit3A_147 = arith.constant 2 : i32
    %div3A_148 = arith.divsi %select_n3A_144, %jit3A_147 : i32
    %sign3A_149 = arith.constant 0 : i32
    %sign3A_150 = arith.cmpi sgt, %select_n3A_144, %sign3A_149 : i32
    %sign3A_151 = arith.extui %sign3A_150 : i1 to i32
    %sign3A_152 = arith.constant 0 : i32
    %sign3A_153 = arith.cmpi slt, %select_n3A_144, %sign3A_152 : i32
    %sign3A_154 = arith.extui %sign3A_153 : i1 to i32
    %sign3A_155 = arith.subi %sign3A_151, %sign3A_154 : i32
    %sign3A_156 = arith.constant 0 : i32
    %sign3A_157 = arith.cmpi sgt, %jit3A_147, %sign3A_156 : i32
    %sign3A_158 = arith.extui %sign3A_157 : i1 to i32
    %sign3A_159 = arith.constant 0 : i32
    %sign3A_160 = arith.cmpi slt, %jit3A_147, %sign3A_159 : i32
    %sign3A_161 = arith.extui %sign3A_160 : i1 to i32
    %sign3A_162 = arith.subi %sign3A_158, %sign3A_161 : i32
    %ne3A_163 = arith.cmpi ne, %sign3A_155, %sign3A_162 : i32
    %rem3A_164 = arith.remsi %select_n3A_144, %jit3A_147 : i32
    %ne3A_165 = arith.constant 0 : i32
    %ne3A_166 = arith.cmpi ne, %rem3A_164, %ne3A_165 : i32
    %and3A_167 = arith.andi %ne3A_163, %ne3A_166 : i1
    %sub3A_168 = arith.constant 1 : i32
    %sub3A_169 = arith.subi %div3A_148, %sub3A_168 : i32
    %select_n3A_170 = arith.select %and3A_167, %sub3A_169, %div3A_148 : i32
    %jit3A_171 = arith.constant 0 : i32
    %select_n3A_172 = arith.select %eq3A_146, %jit3A_171, %select_n3A_170 : i32
    %eq3A_173 = arith.constant 0 : i32
    %eq3A_174 = arith.cmpi eq, %select_n3A_30, %eq3A_173 : i32
    %jit3A_175 = arith.constant 2 : i32
    %div3A_176 = arith.divsi %select_n3A_144, %jit3A_175 : i32
    %sign3A_177 = arith.constant 0 : i32
    %sign3A_178 = arith.cmpi sgt, %select_n3A_144, %sign3A_177 : i32
    %sign3A_179 = arith.extui %sign3A_178 : i1 to i32
    %sign3A_180 = arith.constant 0 : i32
    %sign3A_181 = arith.cmpi slt, %select_n3A_144, %sign3A_180 : i32
    %sign3A_182 = arith.extui %sign3A_181 : i1 to i32
    %sign3A_183 = arith.subi %sign3A_179, %sign3A_182 : i32
    %sign3A_184 = arith.constant 0 : i32
    %sign3A_185 = arith.cmpi sgt, %jit3A_175, %sign3A_184 : i32
    %sign3A_186 = arith.extui %sign3A_185 : i1 to i32
    %sign3A_187 = arith.constant 0 : i32
    %sign3A_188 = arith.cmpi slt, %jit3A_175, %sign3A_187 : i32
    %sign3A_189 = arith.extui %sign3A_188 : i1 to i32
    %sign3A_190 = arith.subi %sign3A_186, %sign3A_189 : i32
    %ne3A_191 = arith.cmpi ne, %sign3A_183, %sign3A_190 : i32
    %rem3A_192 = arith.remsi %select_n3A_144, %jit3A_175 : i32
    %ne3A_193 = arith.constant 0 : i32
    %ne3A_194 = arith.cmpi ne, %rem3A_192, %ne3A_193 : i32
    %and3A_195 = arith.andi %ne3A_191, %ne3A_194 : i1
    %sub3A_196 = arith.constant 1 : i32
    %sub3A_197 = arith.subi %div3A_176, %sub3A_196 : i32
    %select_n3A_198 = arith.select %and3A_195, %sub3A_197, %div3A_176 : i32
    %select_n3A_199 = arith.select %eq3A_174, %select_n3A_198, %select_n3A_144 : i32
    %while3A = arith.subi %select_n3A_199, %select_n3A_172 : i32
    %while3A_200 = arith.addi %select_n3A_172, %while3A : i32
    %while3A_201 = arith.constant 1 : i32
    %while3A_202 = arith.divsi %while3A, %while3A_201 : i32
    %while3A_203 = arith.muli %while3A_202, %while3A_201 : i32
    %while3A_204 = arith.addi %select_n3A_172, %while3A_203 : i32
    %while3A_205 = arith.constant 1 : i32
    %while3A_206 = scf.for %while3A_214 = %select_n3A_172 to %while3A_204 step %while3A_205 iter_args(%while3A_215 = %broadcast_in_dim3A_86) -> (vector<16xf32>)  : i32 {
      %mul3A_216 = arith.constant 16 : i32
      %mul3A_217 = arith.muli %while3A_214, %mul3A_216 : i32
      %get3A_218 = arith.index_cast %mul3A_217 : i32 to index
      %get3A_219 = tpu.vector_load %arg15[%get3A_218] {strides = array<i32>} : memref<3344xf32, #tpu.memory_space<vmem>>, vector<16xf32>,
      %get3A_220 = arith.index_cast %mul3A_217 : i32 to index
      %get3A_221 = tpu.vector_load %arg17[%get3A_220] {strides = array<i32>} : memref<3344xf32, #tpu.memory_space<vmem>>, vector<16xf32>,
      %get3A_222 = arith.index_cast %mul3A_217 : i32 to index
      %get3A_223 = tpu.vector_load %arg18[%get3A_222] {strides = array<i32>} : memref<3344xi32, #tpu.memory_space<vmem>>, vector<16xi32>,
      %get3A_224 = arith.index_cast %mul3A_217 : i32 to index
      %get3A_225 = tpu.vector_load %arg16[%get3A_224] {strides = array<i32>} : memref<3344xf32, #tpu.memory_space<vmem>>, vector<16xf32>,
      %slice3A_226 = vector.extract_strided_slice %get3A_219 {offsets = [0], sizes = [1], strides = [1]} : vector<16xf32> to vector<1xf32>
      %squeeze3A_227 = vector.extract %slice3A_226[0] : f32 from vector<1xf32>
      %slice3A_228 = vector.extract_strided_slice %get3A_219 {offsets = [1], sizes = [1], strides = [1]} : vector<16xf32> to vector<1xf32>
      %squeeze3A_229 = vector.extract %slice3A_228[0] : f32 from vector<1xf32>
      %slice3A_230 = vector.extract_strided_slice %get3A_219 {offsets = [2], sizes = [1], strides = [1]} : vector<16xf32> to vector<1xf32>
      %squeeze3A_231 = vector.extract %slice3A_230[0] : f32 from vector<1xf32>
      %slice3A_232 = vector.extract_strided_slice %get3A_219 {offsets = [3], sizes = [1], strides = [1]} : vector<16xf32> to vector<1xf32>
      %squeeze3A_233 = vector.extract %slice3A_232[0] : f32 from vector<1xf32>
      %slice3A_234 = vector.extract_strided_slice %get3A_219 {offsets = [4], sizes = [1], strides = [1]} : vector<16xf32> to vector<1xf32>
      %squeeze3A_235 = vector.extract %slice3A_234[0] : f32 from vector<1xf32>
      %slice3A_236 = vector.extract_strided_slice %get3A_219 {offsets = [5], sizes = [1], strides = [1]} : vector<16xf32> to vector<1xf32>
      %squeeze3A_237 = vector.extract %slice3A_236[0] : f32 from vector<1xf32>
      %slice3A_238 = vector.extract_strided_slice %get3A_219 {offsets = [6], sizes = [1], strides = [1]} : vector<16xf32> to vector<1xf32>
      %squeeze3A_239 = vector.extract %slice3A_238[0] : f32 from vector<1xf32>
      %slice3A_240 = vector.extract_strided_slice %get3A_219 {offsets = [7], sizes = [1], strides = [1]} : vector<16xf32> to vector<1xf32>
      %squeeze3A_241 = vector.extract %slice3A_240[0] : f32 from vector<1xf32>
      %slice3A_242 = vector.extract_strided_slice %get3A_221 {offsets = [0], sizes = [1], strides = [1]} : vector<16xf32> to vector<1xf32>
      %squeeze3A_243 = vector.extract %slice3A_242[0] : f32 from vector<1xf32>
      %slice3A_244 = vector.extract_strided_slice %get3A_221 {offsets = [1], sizes = [1], strides = [1]} : vector<16xf32> to vector<1xf32>
      %squeeze3A_245 = vector.extract %slice3A_244[0] : f32 from vector<1xf32>
      %slice3A_246 = vector.extract_strided_slice %get3A_221 {offsets = [2], sizes = [1], strides = [1]} : vector<16xf32> to vector<1xf32>
      %squeeze3A_247 = vector.extract %slice3A_246[0] : f32 from vector<1xf32>
      %slice3A_248 = vector.extract_strided_slice %get3A_221 {offsets = [3], sizes = [1], strides = [1]} : vector<16xf32> to vector<1xf32>
      %squeeze3A_249 = vector.extract %slice3A_248[0] : f32 from vector<1xf32>
      %slice3A_250 = vector.extract_strided_slice %get3A_221 {offsets = [4], sizes = [1], strides = [1]} : vector<16xf32> to vector<1xf32>
      %squeeze3A_251 = vector.extract %slice3A_250[0] : f32 from vector<1xf32>
      %slice3A_252 = vector.extract_strided_slice %get3A_221 {offsets = [5], sizes = [1], strides = [1]} : vector<16xf32> to vector<1xf32>
      %squeeze3A_253 = vector.extract %slice3A_252[0] : f32 from vector<1xf32>
      %slice3A_254 = vector.extract_strided_slice %get3A_221 {offsets = [6], sizes = [1], strides = [1]} : vector<16xf32> to vector<1xf32>
      %squeeze3A_255 = vector.extract %slice3A_254[0] : f32 from vector<1xf32>
      %slice3A_256 = vector.extract_strided_slice %get3A_221 {offsets = [7], sizes = [1], strides = [1]} : vector<16xf32> to vector<1xf32>
      %squeeze3A_257 = vector.extract %slice3A_256[0] : f32 from vector<1xf32>
      %slice3A_258 = vector.extract_strided_slice %get3A_223 {offsets = [0], sizes = [1], strides = [1]} : vector<16xi32> to vector<1xi32>
      %squeeze3A_259 = vector.extract %slice3A_258[0] : i32 from vector<1xi32>
      %slice3A_260 = vector.extract_strided_slice %get3A_223 {offsets = [1], sizes = [1], strides = [1]} : vector<16xi32> to vector<1xi32>
      %squeeze3A_261 = vector.extract %slice3A_260[0] : i32 from vector<1xi32>
      %slice3A_262 = vector.extract_strided_slice %get3A_223 {offsets = [2], sizes = [1], strides = [1]} : vector<16xi32> to vector<1xi32>
      %squeeze3A_263 = vector.extract %slice3A_262[0] : i32 from vector<1xi32>
      %slice3A_264 = vector.extract_strided_slice %get3A_223 {offsets = [3], sizes = [1], strides = [1]} : vector<16xi32> to vector<1xi32>
      %squeeze3A_265 = vector.extract %slice3A_264[0] : i32 from vector<1xi32>
      %slice3A_266 = vector.extract_strided_slice %get3A_223 {offsets = [4], sizes = [1], strides = [1]} : vector<16xi32> to vector<1xi32>
      %squeeze3A_267 = vector.extract %slice3A_266[0] : i32 from vector<1xi32>
      %slice3A_268 = vector.extract_strided_slice %get3A_223 {offsets = [5], sizes = [1], strides = [1]} : vector<16xi32> to vector<1xi32>
      %squeeze3A_269 = vector.extract %slice3A_268[0] : i32 from vector<1xi32>
      %slice3A_270 = vector.extract_strided_slice %get3A_223 {offsets = [6], sizes = [1], strides = [1]} : vector<16xi32> to vector<1xi32>
      %squeeze3A_271 = vector.extract %slice3A_270[0] : i32 from vector<1xi32>
      %slice3A_272 = vector.extract_strided_slice %get3A_223 {offsets = [7], sizes = [1], strides = [1]} : vector<16xi32> to vector<1xi32>
      %squeeze3A_273 = vector.extract %slice3A_272[0] : i32 from vector<1xi32>
      %parallel_loop3A = arith.constant 0 : i32
      %parallel_loop3A_274 = arith.constant 1 : i32
      %parallel_loop3A_275:8 = scf.for %parallel_loop3A_573 = %parallel_loop3A to %while3A_214 step %parallel_loop3A_274 iter_args(%parallel_loop3A_574 = %broadcast_in_dim3A_86, %parallel_loop3A_575 = %broadcast_in_dim3A_86, %parallel_loop3A_576 = %broadcast_in_dim3A_86, %parallel_loop3A_577 = %broadcast_in_dim3A_86, %parallel_loop3A_578 = %broadcast_in_dim3A_86, %parallel_loop3A_579 = %broadcast_in_dim3A_86, %parallel_loop3A_580 = %broadcast_in_dim3A_86, %parallel_loop3A_581 = %broadcast_in_dim3A_86) -> (vector<16xf32>, vector<16xf32>, vector<16xf32>, vector<16xf32>, vector<16xf32>, vector<16xf32>, vector<16xf32>, vector<16xf32>)  : i32 {
        %parallel_loop3A_582 = arith.constant 16 : i32
        %parallel_loop3A_583 = arith.muli %parallel_loop3A_573, %parallel_loop3A_582 : i32
        %parallel_loop3A_584 = arith.index_cast %parallel_loop3A_583 : i32 to index
        %parallel_loop3A_585 = tpu.vector_load %arg15[%parallel_loop3A_584] {strides = array<i32>} : memref<3344xf32, #tpu.memory_space<vmem>>, vector<16xf32>,
        %parallel_loop3A_586 = arith.index_cast %parallel_loop3A_583 : i32 to index
        %parallel_loop3A_587 = tpu.vector_load %arg16[%parallel_loop3A_586] {strides = array<i32>} : memref<3344xf32, #tpu.memory_space<vmem>>, vector<16xf32>,
        %parallel_loop3A_588 = vector.broadcast %squeeze3A_227 : f32 to vector<16xf32>
        %parallel_loop3A_589 = arith.cmpf olt, %parallel_loop3A_585, %parallel_loop3A_588 : vector<16xf32>
        %parallel_loop3A_590 = arith.constant 0.000000e+00 : f32
        %parallel_loop3A_591 = vector.broadcast %parallel_loop3A_590 : f32 to vector<16xf32>
        %parallel_loop3A_592 = arith.select %parallel_loop3A_589, %parallel_loop3A_587, %parallel_loop3A_591 : vector<16xi1>, vector<16xf32>
        %parallel_loop3A_593 = arith.addf %parallel_loop3A_574, %parallel_loop3A_592 : vector<16xf32>
        %parallel_loop3A_594 = vector.broadcast %squeeze3A_229 : f32 to vector<16xf32>
        %parallel_loop3A_595 = arith.cmpf olt, %parallel_loop3A_585, %parallel_loop3A_594 : vector<16xf32>
        %parallel_loop3A_596 = arith.constant 0.000000e+00 : f32
        %parallel_loop3A_597 = vector.broadcast %parallel_loop3A_596 : f32 to vector<16xf32>
        %parallel_loop3A_598 = arith.select %parallel_loop3A_595, %parallel_loop3A_587, %parallel_loop3A_597 : vector<16xi1>, vector<16xf32>
        %parallel_loop3A_599 = arith.addf %parallel_loop3A_575, %parallel_loop3A_598 : vector<16xf32>
        %parallel_loop3A_600 = vector.broadcast %squeeze3A_231 : f32 to vector<16xf32>
        %parallel_loop3A_601 = arith.cmpf olt, %parallel_loop3A_585, %parallel_loop3A_600 : vector<16xf32>
        %parallel_loop3A_602 = arith.constant 0.000000e+00 : f32
        %parallel_loop3A_603 = vector.broadcast %parallel_loop3A_602 : f32 to vector<16xf32>
        %parallel_loop3A_604 = arith.select %parallel_loop3A_601, %parallel_loop3A_587, %parallel_loop3A_603 : vector<16xi1>, vector<16xf32>
        %parallel_loop3A_605 = arith.addf %parallel_loop3A_576, %parallel_loop3A_604 : vector<16xf32>
        %parallel_loop3A_606 = vector.broadcast %squeeze3A_233 : f32 to vector<16xf32>
        %parallel_loop3A_607 = arith.cmpf olt, %parallel_loop3A_585, %parallel_loop3A_606 : vector<16xf32>
        %parallel_loop3A_608 = arith.constant 0.000000e+00 : f32
        %parallel_loop3A_609 = vector.broadcast %parallel_loop3A_608 : f32 to vector<16xf32>
        %parallel_loop3A_610 = arith.select %parallel_loop3A_607, %parallel_loop3A_587, %parallel_loop3A_609 : vector<16xi1>, vector<16xf32>
        %parallel_loop3A_611 = arith.addf %parallel_loop3A_577, %parallel_loop3A_610 : vector<16xf32>
        %parallel_loop3A_612 = vector.broadcast %squeeze3A_235 : f32 to vector<16xf32>
        %parallel_loop3A_613 = arith.cmpf olt, %parallel_loop3A_585, %parallel_loop3A_612 : vector<16xf32>
        %parallel_loop3A_614 = arith.constant 0.000000e+00 : f32
        %parallel_loop3A_615 = vector.broadcast %parallel_loop3A_614 : f32 to vector<16xf32>
        %parallel_loop3A_616 = arith.select %parallel_loop3A_613, %parallel_loop3A_587, %parallel_loop3A_615 : vector<16xi1>, vector<16xf32>
        %parallel_loop3A_617 = arith.addf %parallel_loop3A_578, %parallel_loop3A_616 : vector<16xf32>
        %parallel_loop3A_618 = vector.broadcast %squeeze3A_237 : f32 to vector<16xf32>
        %parallel_loop3A_619 = arith.cmpf olt, %parallel_loop3A_585, %parallel_loop3A_618 : vector<16xf32>
        %parallel_loop3A_620 = arith.constant 0.000000e+00 : f32
        %parallel_loop3A_621 = vector.broadcast %parallel_loop3A_620 : f32 to vector<16xf32>
        %parallel_loop3A_622 = arith.select %parallel_loop3A_619, %parallel_loop3A_587, %parallel_loop3A_621 : vector<16xi1>, vector<16xf32>
        %parallel_loop3A_623 = arith.addf %parallel_loop3A_579, %parallel_loop3A_622 : vector<16xf32>
        %parallel_loop3A_624 = vector.broadcast %squeeze3A_239 : f32 to vector<16xf32>
        %parallel_loop3A_625 = arith.cmpf olt, %parallel_loop3A_585, %parallel_loop3A_624 : vector<16xf32>
        %parallel_loop3A_626 = arith.constant 0.000000e+00 : f32
        %parallel_loop3A_627 = vector.broadcast %parallel_loop3A_626 : f32 to vector<16xf32>
        %parallel_loop3A_628 = arith.select %parallel_loop3A_625, %parallel_loop3A_587, %parallel_loop3A_627 : vector<16xi1>, vector<16xf32>
        %parallel_loop3A_629 = arith.addf %parallel_loop3A_580, %parallel_loop3A_628 : vector<16xf32>
        %parallel_loop3A_630 = vector.broadcast %squeeze3A_241 : f32 to vector<16xf32>
        %parallel_loop3A_631 = arith.cmpf olt, %parallel_loop3A_585, %parallel_loop3A_630 : vector<16xf32>
        %parallel_loop3A_632 = arith.constant 0.000000e+00 : f32
        %parallel_loop3A_633 = vector.broadcast %parallel_loop3A_632 : f32 to vector<16xf32>
        %parallel_loop3A_634 = arith.select %parallel_loop3A_631, %parallel_loop3A_587, %parallel_loop3A_633 : vector<16xi1>, vector<16xf32>
        %parallel_loop3A_635 = arith.addf %parallel_loop3A_581, %parallel_loop3A_634 : vector<16xf32>
        scf.yield %parallel_loop3A_593, %parallel_loop3A_599, %parallel_loop3A_605, %parallel_loop3A_611, %parallel_loop3A_617, %parallel_loop3A_623, %parallel_loop3A_629, %parallel_loop3A_635 : vector<16xf32>, vector<16xf32>, vector<16xf32>, vector<16xf32>, vector<16xf32>, vector<16xf32>, vector<16xf32>, vector<16xf32>
      } {sc.loop_unroll_factor = 2 : i64, sc.parallel_access}
      %add3A_276 = arith.constant 1 : i32
      %add3A_277 = arith.addi %while3A_214, %add3A_276 : i32
      %parallel_loop3A_278 = arith.constant 1 : i32
      %parallel_loop3A_279:8 = scf.for %parallel_loop3A_573 = %add3A_277 to %select_n3A_144 step %parallel_loop3A_278 iter_args(%parallel_loop3A_574 = %parallel_loop3A_275#0, %parallel_loop3A_575 = %parallel_loop3A_275#1, %parallel_loop3A_576 = %parallel_loop3A_275#2, %parallel_loop3A_577 = %parallel_loop3A_275#3, %parallel_loop3A_578 = %parallel_loop3A_275#4, %parallel_loop3A_579 = %parallel_loop3A_275#5, %parallel_loop3A_580 = %parallel_loop3A_275#6, %parallel_loop3A_581 = %parallel_loop3A_275#7) -> (vector<16xf32>, vector<16xf32>, vector<16xf32>, vector<16xf32>, vector<16xf32>, vector<16xf32>, vector<16xf32>, vector<16xf32>)  : i32 {
        %parallel_loop3A_582 = arith.constant 16 : i32
        %parallel_loop3A_583 = arith.muli %parallel_loop3A_573, %parallel_loop3A_582 : i32
        %parallel_loop3A_584 = arith.index_cast %parallel_loop3A_583 : i32 to index
        %parallel_loop3A_585 = tpu.vector_load %arg15[%parallel_loop3A_584] {strides = array<i32>} : memref<3344xf32, #tpu.memory_space<vmem>>, vector<16xf32>,
        %parallel_loop3A_586 = arith.index_cast %parallel_loop3A_583 : i32 to index
        %parallel_loop3A_587 = tpu.vector_load %arg16[%parallel_loop3A_586] {strides = array<i32>} : memref<3344xf32, #tpu.memory_space<vmem>>, vector<16xf32>,
        %parallel_loop3A_588 = vector.broadcast %squeeze3A_227 : f32 to vector<16xf32>
        %parallel_loop3A_589 = arith.cmpf ole, %parallel_loop3A_585, %parallel_loop3A_588 : vector<16xf32>
        %parallel_loop3A_590 = arith.constant 0.000000e+00 : f32
        %parallel_loop3A_591 = vector.broadcast %parallel_loop3A_590 : f32 to vector<16xf32>
        %parallel_loop3A_592 = arith.select %parallel_loop3A_589, %parallel_loop3A_587, %parallel_loop3A_591 : vector<16xi1>, vector<16xf32>
        %parallel_loop3A_593 = arith.addf %parallel_loop3A_574, %parallel_loop3A_592 : vector<16xf32>
        %parallel_loop3A_594 = vector.broadcast %squeeze3A_229 : f32 to vector<16xf32>
        %parallel_loop3A_595 = arith.cmpf ole, %parallel_loop3A_585, %parallel_loop3A_594 : vector<16xf32>
        %parallel_loop3A_596 = arith.constant 0.000000e+00 : f32
        %parallel_loop3A_597 = vector.broadcast %parallel_loop3A_596 : f32 to vector<16xf32>
        %parallel_loop3A_598 = arith.select %parallel_loop3A_595, %parallel_loop3A_587, %parallel_loop3A_597 : vector<16xi1>, vector<16xf32>
        %parallel_loop3A_599 = arith.addf %parallel_loop3A_575, %parallel_loop3A_598 : vector<16xf32>
        %parallel_loop3A_600 = vector.broadcast %squeeze3A_231 : f32 to vector<16xf32>
        %parallel_loop3A_601 = arith.cmpf ole, %parallel_loop3A_585, %parallel_loop3A_600 : vector<16xf32>
        %parallel_loop3A_602 = arith.constant 0.000000e+00 : f32
        %parallel_loop3A_603 = vector.broadcast %parallel_loop3A_602 : f32 to vector<16xf32>
        %parallel_loop3A_604 = arith.select %parallel_loop3A_601, %parallel_loop3A_587, %parallel_loop3A_603 : vector<16xi1>, vector<16xf32>
        %parallel_loop3A_605 = arith.addf %parallel_loop3A_576, %parallel_loop3A_604 : vector<16xf32>
        %parallel_loop3A_606 = vector.broadcast %squeeze3A_233 : f32 to vector<16xf32>
        %parallel_loop3A_607 = arith.cmpf ole, %parallel_loop3A_585, %parallel_loop3A_606 : vector<16xf32>
        %parallel_loop3A_608 = arith.constant 0.000000e+00 : f32
        %parallel_loop3A_609 = vector.broadcast %parallel_loop3A_608 : f32 to vector<16xf32>
        %parallel_loop3A_610 = arith.select %parallel_loop3A_607, %parallel_loop3A_587, %parallel_loop3A_609 : vector<16xi1>, vector<16xf32>
        %parallel_loop3A_611 = arith.addf %parallel_loop3A_577, %parallel_loop3A_610 : vector<16xf32>
        %parallel_loop3A_612 = vector.broadcast %squeeze3A_235 : f32 to vector<16xf32>
        %parallel_loop3A_613 = arith.cmpf ole, %parallel_loop3A_585, %parallel_loop3A_612 : vector<16xf32>
        %parallel_loop3A_614 = arith.constant 0.000000e+00 : f32
        %parallel_loop3A_615 = vector.broadcast %parallel_loop3A_614 : f32 to vector<16xf32>
        %parallel_loop3A_616 = arith.select %parallel_loop3A_613, %parallel_loop3A_587, %parallel_loop3A_615 : vector<16xi1>, vector<16xf32>
        %parallel_loop3A_617 = arith.addf %parallel_loop3A_578, %parallel_loop3A_616 : vector<16xf32>
        %parallel_loop3A_618 = vector.broadcast %squeeze3A_237 : f32 to vector<16xf32>
        %parallel_loop3A_619 = arith.cmpf ole, %parallel_loop3A_585, %parallel_loop3A_618 : vector<16xf32>
        %parallel_loop3A_620 = arith.constant 0.000000e+00 : f32
        %parallel_loop3A_621 = vector.broadcast %parallel_loop3A_620 : f32 to vector<16xf32>
        %parallel_loop3A_622 = arith.select %parallel_loop3A_619, %parallel_loop3A_587, %parallel_loop3A_621 : vector<16xi1>, vector<16xf32>
        %parallel_loop3A_623 = arith.addf %parallel_loop3A_579, %parallel_loop3A_622 : vector<16xf32>
        %parallel_loop3A_624 = vector.broadcast %squeeze3A_239 : f32 to vector<16xf32>
        %parallel_loop3A_625 = arith.cmpf ole, %parallel_loop3A_585, %parallel_loop3A_624 : vector<16xf32>
        %parallel_loop3A_626 = arith.constant 0.000000e+00 : f32
        %parallel_loop3A_627 = vector.broadcast %parallel_loop3A_626 : f32 to vector<16xf32>
        %parallel_loop3A_628 = arith.select %parallel_loop3A_625, %parallel_loop3A_587, %parallel_loop3A_627 : vector<16xi1>, vector<16xf32>
        %parallel_loop3A_629 = arith.addf %parallel_loop3A_580, %parallel_loop3A_628 : vector<16xf32>
        %parallel_loop3A_630 = vector.broadcast %squeeze3A_241 : f32 to vector<16xf32>
        %parallel_loop3A_631 = arith.cmpf ole, %parallel_loop3A_585, %parallel_loop3A_630 : vector<16xf32>
        %parallel_loop3A_632 = arith.constant 0.000000e+00 : f32
        %parallel_loop3A_633 = vector.broadcast %parallel_loop3A_632 : f32 to vector<16xf32>
        %parallel_loop3A_634 = arith.select %parallel_loop3A_631, %parallel_loop3A_587, %parallel_loop3A_633 : vector<16xi1>, vector<16xf32>
        %parallel_loop3A_635 = arith.addf %parallel_loop3A_581, %parallel_loop3A_634 : vector<16xf32>
        scf.yield %parallel_loop3A_593, %parallel_loop3A_599, %parallel_loop3A_605, %parallel_loop3A_611, %parallel_loop3A_617, %parallel_loop3A_623, %parallel_loop3A_629, %parallel_loop3A_635 : vector<16xf32>, vector<16xf32>, vector<16xf32>, vector<16xf32>, vector<16xf32>, vector<16xf32>, vector<16xf32>, vector<16xf32>
      } {sc.loop_unroll_factor = 2 : i64, sc.parallel_access}
      %lt3A_280 = vector.broadcast %squeeze3A_227 : f32 to vector<16xf32>
      %lt3A_281 = arith.cmpf olt, %get3A_219, %lt3A_280 : vector<16xf32>
      %eq3A_282 = vector.broadcast %squeeze3A_227 : f32 to vector<16xf32>
      %eq3A_283 = arith.cmpf oeq, %get3A_219, %eq3A_282 : vector<16xf32>
      %gt3A = vector.broadcast %squeeze3A_259 : i32 to vector<16xi32>
      %gt3A_284 = arith.cmpi sgt, %get3A_223, %gt3A : vector<16xi32>
      %and3A_285 = arith.andi %eq3A_283, %gt3A_284 : vector<16xi1>
      %or3A = arith.ori %lt3A_281, %and3A_285 : vector<16xi1>
      %jit3A_286 = arith.constant 0.000000e+00 : f32
      %broadcast_in_dim3A_287 = vector.broadcast %jit3A_286 : f32 to vector<16xf32>
      %select_n3A_288 = arith.select %or3A, %get3A_225, %broadcast_in_dim3A_287 : vector<16xi1>, vector<16xf32>
      %add3A_289 = arith.addf %parallel_loop3A_279#0, %select_n3A_288 : vector<16xf32>
      %mul3A_290 = vector.broadcast %squeeze3A_243 : f32 to vector<16xf32>
      %mul3A_291 = arith.mulf %mul3A_290, %add3A_289 : vector<16xf32>
      %add3A_292 = arith.addf %while3A_215, %mul3A_291 : vector<16xf32>
      %lt3A_293 = vector.broadcast %squeeze3A_229 : f32 to vector<16xf32>
      %lt3A_294 = arith.cmpf olt, %get3A_219, %lt3A_293 : vector<16xf32>
      %eq3A_295 = vector.broadcast %squeeze3A_229 : f32 to vector<16xf32>
      %eq3A_296 = arith.cmpf oeq, %get3A_219, %eq3A_295 : vector<16xf32>
      %gt3A_297 = vector.broadcast %squeeze3A_261 : i32 to vector<16xi32>
      %gt3A_298 = arith.cmpi sgt, %get3A_223, %gt3A_297 : vector<16xi32>
      %and3A_299 = arith.andi %eq3A_296, %gt3A_298 : vector<16xi1>
      %or3A_300 = arith.ori %lt3A_294, %and3A_299 : vector<16xi1>
      %jit3A_301 = arith.constant 0.000000e+00 : f32
      %broadcast_in_dim3A_302 = vector.broadcast %jit3A_301 : f32 to vector<16xf32>
      %select_n3A_303 = arith.select %or3A_300, %get3A_225, %broadcast_in_dim3A_302 : vector<16xi1>, vector<16xf32>
      %add3A_304 = arith.addf %parallel_loop3A_279#1, %select_n3A_303 : vector<16xf32>
      %mul3A_305 = vector.broadcast %squeeze3A_245 : f32 to vector<16xf32>
      %mul3A_306 = arith.mulf %mul3A_305, %add3A_304 : vector<16xf32>
      %add3A_307 = arith.addf %add3A_292, %mul3A_306 : vector<16xf32>
      %lt3A_308 = vector.broadcast %squeeze3A_231 : f32 to vector<16xf32>
      %lt3A_309 = arith.cmpf olt, %get3A_219, %lt3A_308 : vector<16xf32>
      %eq3A_310 = vector.broadcast %squeeze3A_231 : f32 to vector<16xf32>
      %eq3A_311 = arith.cmpf oeq, %get3A_219, %eq3A_310 : vector<16xf32>
      %gt3A_312 = vector.broadcast %squeeze3A_263 : i32 to vector<16xi32>
      %gt3A_313 = arith.cmpi sgt, %get3A_223, %gt3A_312 : vector<16xi32>
      %and3A_314 = arith.andi %eq3A_311, %gt3A_313 : vector<16xi1>
      %or3A_315 = arith.ori %lt3A_309, %and3A_314 : vector<16xi1>
      %jit3A_316 = arith.constant 0.000000e+00 : f32
      %broadcast_in_dim3A_317 = vector.broadcast %jit3A_316 : f32 to vector<16xf32>
      %select_n3A_318 = arith.select %or3A_315, %get3A_225, %broadcast_in_dim3A_317 : vector<16xi1>, vector<16xf32>
      %add3A_319 = arith.addf %parallel_loop3A_279#2, %select_n3A_318 : vector<16xf32>
      %mul3A_320 = vector.broadcast %squeeze3A_247 : f32 to vector<16xf32>
      %mul3A_321 = arith.mulf %mul3A_320, %add3A_319 : vector<16xf32>
      %add3A_322 = arith.addf %add3A_307, %mul3A_321 : vector<16xf32>
      %lt3A_323 = vector.broadcast %squeeze3A_233 : f32 to vector<16xf32>
      %lt3A_324 = arith.cmpf olt, %get3A_219, %lt3A_323 : vector<16xf32>
      %eq3A_325 = vector.broadcast %squeeze3A_233 : f32 to vector<16xf32>
      %eq3A_326 = arith.cmpf oeq, %get3A_219, %eq3A_325 : vector<16xf32>
      %gt3A_327 = vector.broadcast %squeeze3A_265 : i32 to vector<16xi32>
      %gt3A_328 = arith.cmpi sgt, %get3A_223, %gt3A_327 : vector<16xi32>
      %and3A_329 = arith.andi %eq3A_326, %gt3A_328 : vector<16xi1>
      %or3A_330 = arith.ori %lt3A_324, %and3A_329 : vector<16xi1>
      %jit3A_331 = arith.constant 0.000000e+00 : f32
      %broadcast_in_dim3A_332 = vector.broadcast %jit3A_331 : f32 to vector<16xf32>
      %select_n3A_333 = arith.select %or3A_330, %get3A_225, %broadcast_in_dim3A_332 : vector<16xi1>, vector<16xf32>
      %add3A_334 = arith.addf %parallel_loop3A_279#3, %select_n3A_333 : vector<16xf32>
      %mul3A_335 = vector.broadcast %squeeze3A_249 : f32 to vector<16xf32>
      %mul3A_336 = arith.mulf %mul3A_335, %add3A_334 : vector<16xf32>
      %add3A_337 = arith.addf %add3A_322, %mul3A_336 : vector<16xf32>
      %lt3A_338 = vector.broadcast %squeeze3A_235 : f32 to vector<16xf32>
      %lt3A_339 = arith.cmpf olt, %get3A_219, %lt3A_338 : vector<16xf32>
      %eq3A_340 = vector.broadcast %squeeze3A_235 : f32 to vector<16xf32>
      %eq3A_341 = arith.cmpf oeq, %get3A_219, %eq3A_340 : vector<16xf32>
      %gt3A_342 = vector.broadcast %squeeze3A_267 : i32 to vector<16xi32>
      %gt3A_343 = arith.cmpi sgt, %get3A_223, %gt3A_342 : vector<16xi32>
      %and3A_344 = arith.andi %eq3A_341, %gt3A_343 : vector<16xi1>
      %or3A_345 = arith.ori %lt3A_339, %and3A_344 : vector<16xi1>
      %jit3A_346 = arith.constant 0.000000e+00 : f32
      %broadcast_in_dim3A_347 = vector.broadcast %jit3A_346 : f32 to vector<16xf32>
      %select_n3A_348 = arith.select %or3A_345, %get3A_225, %broadcast_in_dim3A_347 : vector<16xi1>, vector<16xf32>
      %add3A_349 = arith.addf %parallel_loop3A_279#4, %select_n3A_348 : vector<16xf32>
      %mul3A_350 = vector.broadcast %squeeze3A_251 : f32 to vector<16xf32>
      %mul3A_351 = arith.mulf %mul3A_350, %add3A_349 : vector<16xf32>
      %add3A_352 = arith.addf %add3A_337, %mul3A_351 : vector<16xf32>
      %lt3A_353 = vector.broadcast %squeeze3A_237 : f32 to vector<16xf32>
      %lt3A_354 = arith.cmpf olt, %get3A_219, %lt3A_353 : vector<16xf32>
      %eq3A_355 = vector.broadcast %squeeze3A_237 : f32 to vector<16xf32>
      %eq3A_356 = arith.cmpf oeq, %get3A_219, %eq3A_355 : vector<16xf32>
      %gt3A_357 = vector.broadcast %squeeze3A_269 : i32 to vector<16xi32>
      %gt3A_358 = arith.cmpi sgt, %get3A_223, %gt3A_357 : vector<16xi32>
      %and3A_359 = arith.andi %eq3A_356, %gt3A_358 : vector<16xi1>
      %or3A_360 = arith.ori %lt3A_354, %and3A_359 : vector<16xi1>
      %jit3A_361 = arith.constant 0.000000e+00 : f32
      %broadcast_in_dim3A_362 = vector.broadcast %jit3A_361 : f32 to vector<16xf32>
      %select_n3A_363 = arith.select %or3A_360, %get3A_225, %broadcast_in_dim3A_362 : vector<16xi1>, vector<16xf32>
      %add3A_364 = arith.addf %parallel_loop3A_279#5, %select_n3A_363 : vector<16xf32>
      %mul3A_365 = vector.broadcast %squeeze3A_253 : f32 to vector<16xf32>
      %mul3A_366 = arith.mulf %mul3A_365, %add3A_364 : vector<16xf32>
      %add3A_367 = arith.addf %add3A_352, %mul3A_366 : vector<16xf32>
      %lt3A_368 = vector.broadcast %squeeze3A_239 : f32 to vector<16xf32>
      %lt3A_369 = arith.cmpf olt, %get3A_219, %lt3A_368 : vector<16xf32>
      %eq3A_370 = vector.broadcast %squeeze3A_239 : f32 to vector<16xf32>
      %eq3A_371 = arith.cmpf oeq, %get3A_219, %eq3A_370 : vector<16xf32>
      %gt3A_372 = vector.broadcast %squeeze3A_271 : i32 to vector<16xi32>
      %gt3A_373 = arith.cmpi sgt, %get3A_223, %gt3A_372 : vector<16xi32>
      %and3A_374 = arith.andi %eq3A_371, %gt3A_373 : vector<16xi1>
      %or3A_375 = arith.ori %lt3A_369, %and3A_374 : vector<16xi1>
      %jit3A_376 = arith.constant 0.000000e+00 : f32
      %broadcast_in_dim3A_377 = vector.broadcast %jit3A_376 : f32 to vector<16xf32>
      %select_n3A_378 = arith.select %or3A_375, %get3A_225, %broadcast_in_dim3A_377 : vector<16xi1>, vector<16xf32>
      %add3A_379 = arith.addf %parallel_loop3A_279#6, %select_n3A_378 : vector<16xf32>
      %mul3A_380 = vector.broadcast %squeeze3A_255 : f32 to vector<16xf32>
      %mul3A_381 = arith.mulf %mul3A_380, %add3A_379 : vector<16xf32>
      %add3A_382 = arith.addf %add3A_367, %mul3A_381 : vector<16xf32>
      %lt3A_383 = vector.broadcast %squeeze3A_241 : f32 to vector<16xf32>
      %lt3A_384 = arith.cmpf olt, %get3A_219, %lt3A_383 : vector<16xf32>
      %eq3A_385 = vector.broadcast %squeeze3A_241 : f32 to vector<16xf32>
      %eq3A_386 = arith.cmpf oeq, %get3A_219, %eq3A_385 : vector<16xf32>
      %gt3A_387 = vector.broadcast %squeeze3A_273 : i32 to vector<16xi32>
      %gt3A_388 = arith.cmpi sgt, %get3A_223, %gt3A_387 : vector<16xi32>
      %and3A_389 = arith.andi %eq3A_386, %gt3A_388 : vector<16xi1>
      %or3A_390 = arith.ori %lt3A_384, %and3A_389 : vector<16xi1>
      %jit3A_391 = arith.constant 0.000000e+00 : f32
      %broadcast_in_dim3A_392 = vector.broadcast %jit3A_391 : f32 to vector<16xf32>
      %select_n3A_393 = arith.select %or3A_390, %get3A_225, %broadcast_in_dim3A_392 : vector<16xi1>, vector<16xf32>
      %add3A_394 = arith.addf %parallel_loop3A_279#7, %select_n3A_393 : vector<16xf32>
      %mul3A_395 = vector.broadcast %squeeze3A_257 : f32 to vector<16xf32>
      %mul3A_396 = arith.mulf %mul3A_395, %add3A_394 : vector<16xf32>
      %add3A_397 = arith.addf %add3A_382, %mul3A_396 : vector<16xf32>
      %slice3A_398 = vector.extract_strided_slice %get3A_219 {offsets = [8], sizes = [1], strides = [1]} : vector<16xf32> to vector<1xf32>
      %squeeze3A_399 = vector.extract %slice3A_398[0] : f32 from vector<1xf32>
      %slice3A_400 = vector.extract_strided_slice %get3A_219 {offsets = [9], sizes = [1], strides = [1]} : vector<16xf32> to vector<1xf32>
      %squeeze3A_401 = vector.extract %slice3A_400[0] : f32 from vector<1xf32>
      %slice3A_402 = vector.extract_strided_slice %get3A_219 {offsets = [10], sizes = [1], strides = [1]} : vector<16xf32> to vector<1xf32>
      %squeeze3A_403 = vector.extract %slice3A_402[0] : f32 from vector<1xf32>
      %slice3A_404 = vector.extract_strided_slice %get3A_219 {offsets = [11], sizes = [1], strides = [1]} : vector<16xf32> to vector<1xf32>
      %squeeze3A_405 = vector.extract %slice3A_404[0] : f32 from vector<1xf32>
      %slice3A_406 = vector.extract_strided_slice %get3A_219 {offsets = [12], sizes = [1], strides = [1]} : vector<16xf32> to vector<1xf32>
      %squeeze3A_407 = vector.extract %slice3A_406[0] : f32 from vector<1xf32>
      %slice3A_408 = vector.extract_strided_slice %get3A_219 {offsets = [13], sizes = [1], strides = [1]} : vector<16xf32> to vector<1xf32>
      %squeeze3A_409 = vector.extract %slice3A_408[0] : f32 from vector<1xf32>
      %slice3A_410 = vector.extract_strided_slice %get3A_219 {offsets = [14], sizes = [1], strides = [1]} : vector<16xf32> to vector<1xf32>
      %squeeze3A_411 = vector.extract %slice3A_410[0] : f32 from vector<1xf32>
      %slice3A_412 = vector.extract_strided_slice %get3A_219 {offsets = [15], sizes = [1], strides = [1]} : vector<16xf32> to vector<1xf32>
      %squeeze3A_413 = vector.extract %slice3A_412[0] : f32 from vector<1xf32>
      %slice3A_414 = vector.extract_strided_slice %get3A_221 {offsets = [8], sizes = [1], strides = [1]} : vector<16xf32> to vector<1xf32>
      %squeeze3A_415 = vector.extract %slice3A_414[0] : f32 from vector<1xf32>
      %slice3A_416 = vector.extract_strided_slice %get3A_221 {offsets = [9], sizes = [1], strides = [1]} : vector<16xf32> to vector<1xf32>
      %squeeze3A_417 = vector.extract %slice3A_416[0] : f32 from vector<1xf32>
      %slice3A_418 = vector.extract_strided_slice %get3A_221 {offsets = [10], sizes = [1], strides = [1]} : vector<16xf32> to vector<1xf32>
      %squeeze3A_419 = vector.extract %slice3A_418[0] : f32 from vector<1xf32>
      %slice3A_420 = vector.extract_strided_slice %get3A_221 {offsets = [11], sizes = [1], strides = [1]} : vector<16xf32> to vector<1xf32>
      %squeeze3A_421 = vector.extract %slice3A_420[0] : f32 from vector<1xf32>
      %slice3A_422 = vector.extract_strided_slice %get3A_221 {offsets = [12], sizes = [1], strides = [1]} : vector<16xf32> to vector<1xf32>
      %squeeze3A_423 = vector.extract %slice3A_422[0] : f32 from vector<1xf32>
      %slice3A_424 = vector.extract_strided_slice %get3A_221 {offsets = [13], sizes = [1], strides = [1]} : vector<16xf32> to vector<1xf32>
      %squeeze3A_425 = vector.extract %slice3A_424[0] : f32 from vector<1xf32>
      %slice3A_426 = vector.extract_strided_slice %get3A_221 {offsets = [14], sizes = [1], strides = [1]} : vector<16xf32> to vector<1xf32>
      %squeeze3A_427 = vector.extract %slice3A_426[0] : f32 from vector<1xf32>
      %slice3A_428 = vector.extract_strided_slice %get3A_221 {offsets = [15], sizes = [1], strides = [1]} : vector<16xf32> to vector<1xf32>
      %squeeze3A_429 = vector.extract %slice3A_428[0] : f32 from vector<1xf32>
      %slice3A_430 = vector.extract_strided_slice %get3A_223 {offsets = [8], sizes = [1], strides = [1]} : vector<16xi32> to vector<1xi32>
      %squeeze3A_431 = vector.extract %slice3A_430[0] : i32 from vector<1xi32>
      %slice3A_432 = vector.extract_strided_slice %get3A_223 {offsets = [9], sizes = [1], strides = [1]} : vector<16xi32> to vector<1xi32>
      %squeeze3A_433 = vector.extract %slice3A_432[0] : i32 from vector<1xi32>
      %slice3A_434 = vector.extract_strided_slice %get3A_223 {offsets = [10], sizes = [1], strides = [1]} : vector<16xi32> to vector<1xi32>
      %squeeze3A_435 = vector.extract %slice3A_434[0] : i32 from vector<1xi32>
      %slice3A_436 = vector.extract_strided_slice %get3A_223 {offsets = [11], sizes = [1], strides = [1]} : vector<16xi32> to vector<1xi32>
      %squeeze3A_437 = vector.extract %slice3A_436[0] : i32 from vector<1xi32>
      %slice3A_438 = vector.extract_strided_slice %get3A_223 {offsets = [12], sizes = [1], strides = [1]} : vector<16xi32> to vector<1xi32>
      %squeeze3A_439 = vector.extract %slice3A_438[0] : i32 from vector<1xi32>
      %slice3A_440 = vector.extract_strided_slice %get3A_223 {offsets = [13], sizes = [1], strides = [1]} : vector<16xi32> to vector<1xi32>
      %squeeze3A_441 = vector.extract %slice3A_440[0] : i32 from vector<1xi32>
      %slice3A_442 = vector.extract_strided_slice %get3A_223 {offsets = [14], sizes = [1], strides = [1]} : vector<16xi32> to vector<1xi32>
      %squeeze3A_443 = vector.extract %slice3A_442[0] : i32 from vector<1xi32>
      %slice3A_444 = vector.extract_strided_slice %get3A_223 {offsets = [15], sizes = [1], strides = [1]} : vector<16xi32> to vector<1xi32>
      %squeeze3A_445 = vector.extract %slice3A_444[0] : i32 from vector<1xi32>
      %parallel_loop3A_446 = arith.constant 0 : i32
      %parallel_loop3A_447 = arith.constant 1 : i32
      %parallel_loop3A_448:8 = scf.for %parallel_loop3A_573 = %parallel_loop3A_446 to %while3A_214 step %parallel_loop3A_447 iter_args(%parallel_loop3A_574 = %broadcast_in_dim3A_86, %parallel_loop3A_575 = %broadcast_in_dim3A_86, %parallel_loop3A_576 = %broadcast_in_dim3A_86, %parallel_loop3A_577 = %broadcast_in_dim3A_86, %parallel_loop3A_578 = %broadcast_in_dim3A_86, %parallel_loop3A_579 = %broadcast_in_dim3A_86, %parallel_loop3A_580 = %broadcast_in_dim3A_86, %parallel_loop3A_581 = %broadcast_in_dim3A_86) -> (vector<16xf32>, vector<16xf32>, vector<16xf32>, vector<16xf32>, vector<16xf32>, vector<16xf32>, vector<16xf32>, vector<16xf32>)  : i32 {
        %parallel_loop3A_582 = arith.constant 16 : i32
        %parallel_loop3A_583 = arith.muli %parallel_loop3A_573, %parallel_loop3A_582 : i32
        %parallel_loop3A_584 = arith.index_cast %parallel_loop3A_583 : i32 to index
        %parallel_loop3A_585 = tpu.vector_load %arg15[%parallel_loop3A_584] {strides = array<i32>} : memref<3344xf32, #tpu.memory_space<vmem>>, vector<16xf32>,
        %parallel_loop3A_586 = arith.index_cast %parallel_loop3A_583 : i32 to index
        %parallel_loop3A_587 = tpu.vector_load %arg16[%parallel_loop3A_586] {strides = array<i32>} : memref<3344xf32, #tpu.memory_space<vmem>>, vector<16xf32>,
        %parallel_loop3A_588 = vector.broadcast %squeeze3A_399 : f32 to vector<16xf32>
        %parallel_loop3A_589 = arith.cmpf olt, %parallel_loop3A_585, %parallel_loop3A_588 : vector<16xf32>
        %parallel_loop3A_590 = arith.constant 0.000000e+00 : f32
        %parallel_loop3A_591 = vector.broadcast %parallel_loop3A_590 : f32 to vector<16xf32>
        %parallel_loop3A_592 = arith.select %parallel_loop3A_589, %parallel_loop3A_587, %parallel_loop3A_591 : vector<16xi1>, vector<16xf32>
        %parallel_loop3A_593 = arith.addf %parallel_loop3A_574, %parallel_loop3A_592 : vector<16xf32>
        %parallel_loop3A_594 = vector.broadcast %squeeze3A_401 : f32 to vector<16xf32>
        %parallel_loop3A_595 = arith.cmpf olt, %parallel_loop3A_585, %parallel_loop3A_594 : vector<16xf32>
        %parallel_loop3A_596 = arith.constant 0.000000e+00 : f32
        %parallel_loop3A_597 = vector.broadcast %parallel_loop3A_596 : f32 to vector<16xf32>
        %parallel_loop3A_598 = arith.select %parallel_loop3A_595, %parallel_loop3A_587, %parallel_loop3A_597 : vector<16xi1>, vector<16xf32>
        %parallel_loop3A_599 = arith.addf %parallel_loop3A_575, %parallel_loop3A_598 : vector<16xf32>
        %parallel_loop3A_600 = vector.broadcast %squeeze3A_403 : f32 to vector<16xf32>
        %parallel_loop3A_601 = arith.cmpf olt, %parallel_loop3A_585, %parallel_loop3A_600 : vector<16xf32>
        %parallel_loop3A_602 = arith.constant 0.000000e+00 : f32
        %parallel_loop3A_603 = vector.broadcast %parallel_loop3A_602 : f32 to vector<16xf32>
        %parallel_loop3A_604 = arith.select %parallel_loop3A_601, %parallel_loop3A_587, %parallel_loop3A_603 : vector<16xi1>, vector<16xf32>
        %parallel_loop3A_605 = arith.addf %parallel_loop3A_576, %parallel_loop3A_604 : vector<16xf32>
        %parallel_loop3A_606 = vector.broadcast %squeeze3A_405 : f32 to vector<16xf32>
        %parallel_loop3A_607 = arith.cmpf olt, %parallel_loop3A_585, %parallel_loop3A_606 : vector<16xf32>
        %parallel_loop3A_608 = arith.constant 0.000000e+00 : f32
        %parallel_loop3A_609 = vector.broadcast %parallel_loop3A_608 : f32 to vector<16xf32>
        %parallel_loop3A_610 = arith.select %parallel_loop3A_607, %parallel_loop3A_587, %parallel_loop3A_609 : vector<16xi1>, vector<16xf32>
        %parallel_loop3A_611 = arith.addf %parallel_loop3A_577, %parallel_loop3A_610 : vector<16xf32>
        %parallel_loop3A_612 = vector.broadcast %squeeze3A_407 : f32 to vector<16xf32>
        %parallel_loop3A_613 = arith.cmpf olt, %parallel_loop3A_585, %parallel_loop3A_612 : vector<16xf32>
        %parallel_loop3A_614 = arith.constant 0.000000e+00 : f32
        %parallel_loop3A_615 = vector.broadcast %parallel_loop3A_614 : f32 to vector<16xf32>
        %parallel_loop3A_616 = arith.select %parallel_loop3A_613, %parallel_loop3A_587, %parallel_loop3A_615 : vector<16xi1>, vector<16xf32>
        %parallel_loop3A_617 = arith.addf %parallel_loop3A_578, %parallel_loop3A_616 : vector<16xf32>
        %parallel_loop3A_618 = vector.broadcast %squeeze3A_409 : f32 to vector<16xf32>
        %parallel_loop3A_619 = arith.cmpf olt, %parallel_loop3A_585, %parallel_loop3A_618 : vector<16xf32>
        %parallel_loop3A_620 = arith.constant 0.000000e+00 : f32
        %parallel_loop3A_621 = vector.broadcast %parallel_loop3A_620 : f32 to vector<16xf32>
        %parallel_loop3A_622 = arith.select %parallel_loop3A_619, %parallel_loop3A_587, %parallel_loop3A_621 : vector<16xi1>, vector<16xf32>
        %parallel_loop3A_623 = arith.addf %parallel_loop3A_579, %parallel_loop3A_622 : vector<16xf32>
        %parallel_loop3A_624 = vector.broadcast %squeeze3A_411 : f32 to vector<16xf32>
        %parallel_loop3A_625 = arith.cmpf olt, %parallel_loop3A_585, %parallel_loop3A_624 : vector<16xf32>
        %parallel_loop3A_626 = arith.constant 0.000000e+00 : f32
        %parallel_loop3A_627 = vector.broadcast %parallel_loop3A_626 : f32 to vector<16xf32>
        %parallel_loop3A_628 = arith.select %parallel_loop3A_625, %parallel_loop3A_587, %parallel_loop3A_627 : vector<16xi1>, vector<16xf32>
        %parallel_loop3A_629 = arith.addf %parallel_loop3A_580, %parallel_loop3A_628 : vector<16xf32>
        %parallel_loop3A_630 = vector.broadcast %squeeze3A_413 : f32 to vector<16xf32>
        %parallel_loop3A_631 = arith.cmpf olt, %parallel_loop3A_585, %parallel_loop3A_630 : vector<16xf32>
        %parallel_loop3A_632 = arith.constant 0.000000e+00 : f32
        %parallel_loop3A_633 = vector.broadcast %parallel_loop3A_632 : f32 to vector<16xf32>
        %parallel_loop3A_634 = arith.select %parallel_loop3A_631, %parallel_loop3A_587, %parallel_loop3A_633 : vector<16xi1>, vector<16xf32>
        %parallel_loop3A_635 = arith.addf %parallel_loop3A_581, %parallel_loop3A_634 : vector<16xf32>
        scf.yield %parallel_loop3A_593, %parallel_loop3A_599, %parallel_loop3A_605, %parallel_loop3A_611, %parallel_loop3A_617, %parallel_loop3A_623, %parallel_loop3A_629, %parallel_loop3A_635 : vector<16xf32>, vector<16xf32>, vector<16xf32>, vector<16xf32>, vector<16xf32>, vector<16xf32>, vector<16xf32>, vector<16xf32>
      } {sc.loop_unroll_factor = 2 : i64, sc.parallel_access}
      %add3A_449 = arith.constant 1 : i32
      %add3A_450 = arith.addi %while3A_214, %add3A_449 : i32
      %parallel_loop3A_451 = arith.constant 1 : i32
      %parallel_loop3A_452:8 = scf.for %parallel_loop3A_573 = %add3A_450 to %select_n3A_144 step %parallel_loop3A_451 iter_args(%parallel_loop3A_574 = %parallel_loop3A_448#0, %parallel_loop3A_575 = %parallel_loop3A_448#1, %parallel_loop3A_576 = %parallel_loop3A_448#2, %parallel_loop3A_577 = %parallel_loop3A_448#3, %parallel_loop3A_578 = %parallel_loop3A_448#4, %parallel_loop3A_579 = %parallel_loop3A_448#5, %parallel_loop3A_580 = %parallel_loop3A_448#6, %parallel_loop3A_581 = %parallel_loop3A_448#7) -> (vector<16xf32>, vector<16xf32>, vector<16xf32>, vector<16xf32>, vector<16xf32>, vector<16xf32>, vector<16xf32>, vector<16xf32>)  : i32 {
        %parallel_loop3A_582 = arith.constant 16 : i32
        %parallel_loop3A_583 = arith.muli %parallel_loop3A_573, %parallel_loop3A_582 : i32
        %parallel_loop3A_584 = arith.index_cast %parallel_loop3A_583 : i32 to index
        %parallel_loop3A_585 = tpu.vector_load %arg15[%parallel_loop3A_584] {strides = array<i32>} : memref<3344xf32, #tpu.memory_space<vmem>>, vector<16xf32>,
        %parallel_loop3A_586 = arith.index_cast %parallel_loop3A_583 : i32 to index
        %parallel_loop3A_587 = tpu.vector_load %arg16[%parallel_loop3A_586] {strides = array<i32>} : memref<3344xf32, #tpu.memory_space<vmem>>, vector<16xf32>,
        %parallel_loop3A_588 = vector.broadcast %squeeze3A_399 : f32 to vector<16xf32>
        %parallel_loop3A_589 = arith.cmpf ole, %parallel_loop3A_585, %parallel_loop3A_588 : vector<16xf32>
        %parallel_loop3A_590 = arith.constant 0.000000e+00 : f32
        %parallel_loop3A_591 = vector.broadcast %parallel_loop3A_590 : f32 to vector<16xf32>
        %parallel_loop3A_592 = arith.select %parallel_loop3A_589, %parallel_loop3A_587, %parallel_loop3A_591 : vector<16xi1>, vector<16xf32>
        %parallel_loop3A_593 = arith.addf %parallel_loop3A_574, %parallel_loop3A_592 : vector<16xf32>
        %parallel_loop3A_594 = vector.broadcast %squeeze3A_401 : f32 to vector<16xf32>
        %parallel_loop3A_595 = arith.cmpf ole, %parallel_loop3A_585, %parallel_loop3A_594 : vector<16xf32>
        %parallel_loop3A_596 = arith.constant 0.000000e+00 : f32
        %parallel_loop3A_597 = vector.broadcast %parallel_loop3A_596 : f32 to vector<16xf32>
        %parallel_loop3A_598 = arith.select %parallel_loop3A_595, %parallel_loop3A_587, %parallel_loop3A_597 : vector<16xi1>, vector<16xf32>
        %parallel_loop3A_599 = arith.addf %parallel_loop3A_575, %parallel_loop3A_598 : vector<16xf32>
        %parallel_loop3A_600 = vector.broadcast %squeeze3A_403 : f32 to vector<16xf32>
        %parallel_loop3A_601 = arith.cmpf ole, %parallel_loop3A_585, %parallel_loop3A_600 : vector<16xf32>
        %parallel_loop3A_602 = arith.constant 0.000000e+00 : f32
        %parallel_loop3A_603 = vector.broadcast %parallel_loop3A_602 : f32 to vector<16xf32>
        %parallel_loop3A_604 = arith.select %parallel_loop3A_601, %parallel_loop3A_587, %parallel_loop3A_603 : vector<16xi1>, vector<16xf32>
        %parallel_loop3A_605 = arith.addf %parallel_loop3A_576, %parallel_loop3A_604 : vector<16xf32>
        %parallel_loop3A_606 = vector.broadcast %squeeze3A_405 : f32 to vector<16xf32>
        %parallel_loop3A_607 = arith.cmpf ole, %parallel_loop3A_585, %parallel_loop3A_606 : vector<16xf32>
        %parallel_loop3A_608 = arith.constant 0.000000e+00 : f32
        %parallel_loop3A_609 = vector.broadcast %parallel_loop3A_608 : f32 to vector<16xf32>
        %parallel_loop3A_610 = arith.select %parallel_loop3A_607, %parallel_loop3A_587, %parallel_loop3A_609 : vector<16xi1>, vector<16xf32>
        %parallel_loop3A_611 = arith.addf %parallel_loop3A_577, %parallel_loop3A_610 : vector<16xf32>
        %parallel_loop3A_612 = vector.broadcast %squeeze3A_407 : f32 to vector<16xf32>
        %parallel_loop3A_613 = arith.cmpf ole, %parallel_loop3A_585, %parallel_loop3A_612 : vector<16xf32>
        %parallel_loop3A_614 = arith.constant 0.000000e+00 : f32
        %parallel_loop3A_615 = vector.broadcast %parallel_loop3A_614 : f32 to vector<16xf32>
        %parallel_loop3A_616 = arith.select %parallel_loop3A_613, %parallel_loop3A_587, %parallel_loop3A_615 : vector<16xi1>, vector<16xf32>
        %parallel_loop3A_617 = arith.addf %parallel_loop3A_578, %parallel_loop3A_616 : vector<16xf32>
        %parallel_loop3A_618 = vector.broadcast %squeeze3A_409 : f32 to vector<16xf32>
        %parallel_loop3A_619 = arith.cmpf ole, %parallel_loop3A_585, %parallel_loop3A_618 : vector<16xf32>
        %parallel_loop3A_620 = arith.constant 0.000000e+00 : f32
        %parallel_loop3A_621 = vector.broadcast %parallel_loop3A_620 : f32 to vector<16xf32>
        %parallel_loop3A_622 = arith.select %parallel_loop3A_619, %parallel_loop3A_587, %parallel_loop3A_621 : vector<16xi1>, vector<16xf32>
        %parallel_loop3A_623 = arith.addf %parallel_loop3A_579, %parallel_loop3A_622 : vector<16xf32>
        %parallel_loop3A_624 = vector.broadcast %squeeze3A_411 : f32 to vector<16xf32>
        %parallel_loop3A_625 = arith.cmpf ole, %parallel_loop3A_585, %parallel_loop3A_624 : vector<16xf32>
        %parallel_loop3A_626 = arith.constant 0.000000e+00 : f32
        %parallel_loop3A_627 = vector.broadcast %parallel_loop3A_626 : f32 to vector<16xf32>
        %parallel_loop3A_628 = arith.select %parallel_loop3A_625, %parallel_loop3A_587, %parallel_loop3A_627 : vector<16xi1>, vector<16xf32>
        %parallel_loop3A_629 = arith.addf %parallel_loop3A_580, %parallel_loop3A_628 : vector<16xf32>
        %parallel_loop3A_630 = vector.broadcast %squeeze3A_413 : f32 to vector<16xf32>
        %parallel_loop3A_631 = arith.cmpf ole, %parallel_loop3A_585, %parallel_loop3A_630 : vector<16xf32>
        %parallel_loop3A_632 = arith.constant 0.000000e+00 : f32
        %parallel_loop3A_633 = vector.broadcast %parallel_loop3A_632 : f32 to vector<16xf32>
        %parallel_loop3A_634 = arith.select %parallel_loop3A_631, %parallel_loop3A_587, %parallel_loop3A_633 : vector<16xi1>, vector<16xf32>
        %parallel_loop3A_635 = arith.addf %parallel_loop3A_581, %parallel_loop3A_634 : vector<16xf32>
        scf.yield %parallel_loop3A_593, %parallel_loop3A_599, %parallel_loop3A_605, %parallel_loop3A_611, %parallel_loop3A_617, %parallel_loop3A_623, %parallel_loop3A_629, %parallel_loop3A_635 : vector<16xf32>, vector<16xf32>, vector<16xf32>, vector<16xf32>, vector<16xf32>, vector<16xf32>, vector<16xf32>, vector<16xf32>
      } {sc.loop_unroll_factor = 2 : i64, sc.parallel_access}
      %lt3A_453 = vector.broadcast %squeeze3A_399 : f32 to vector<16xf32>
      %lt3A_454 = arith.cmpf olt, %get3A_219, %lt3A_453 : vector<16xf32>
      %eq3A_455 = vector.broadcast %squeeze3A_399 : f32 to vector<16xf32>
      %eq3A_456 = arith.cmpf oeq, %get3A_219, %eq3A_455 : vector<16xf32>
      %gt3A_457 = vector.broadcast %squeeze3A_431 : i32 to vector<16xi32>
      %gt3A_458 = arith.cmpi sgt, %get3A_223, %gt3A_457 : vector<16xi32>
      %and3A_459 = arith.andi %eq3A_456, %gt3A_458 : vector<16xi1>
      %or3A_460 = arith.ori %lt3A_454, %and3A_459 : vector<16xi1>
      %jit3A_461 = arith.constant 0.000000e+00 : f32
      %broadcast_in_dim3A_462 = vector.broadcast %jit3A_461 : f32 to vector<16xf32>
      %select_n3A_463 = arith.select %or3A_460, %get3A_225, %broadcast_in_dim3A_462 : vector<16xi1>, vector<16xf32>
      %add3A_464 = arith.addf %parallel_loop3A_452#0, %select_n3A_463 : vector<16xf32>
      %mul3A_465 = vector.broadcast %squeeze3A_415 : f32 to vector<16xf32>
      %mul3A_466 = arith.mulf %mul3A_465, %add3A_464 : vector<16xf32>
      %add3A_467 = arith.addf %add3A_397, %mul3A_466 : vector<16xf32>
      %lt3A_468 = vector.broadcast %squeeze3A_401 : f32 to vector<16xf32>
      %lt3A_469 = arith.cmpf olt, %get3A_219, %lt3A_468 : vector<16xf32>
      %eq3A_470 = vector.broadcast %squeeze3A_401 : f32 to vector<16xf32>
      %eq3A_471 = arith.cmpf oeq, %get3A_219, %eq3A_470 : vector<16xf32>
      %gt3A_472 = vector.broadcast %squeeze3A_433 : i32 to vector<16xi32>
      %gt3A_473 = arith.cmpi sgt, %get3A_223, %gt3A_472 : vector<16xi32>
      %and3A_474 = arith.andi %eq3A_471, %gt3A_473 : vector<16xi1>
      %or3A_475 = arith.ori %lt3A_469, %and3A_474 : vector<16xi1>
      %jit3A_476 = arith.constant 0.000000e+00 : f32
      %broadcast_in_dim3A_477 = vector.broadcast %jit3A_476 : f32 to vector<16xf32>
      %select_n3A_478 = arith.select %or3A_475, %get3A_225, %broadcast_in_dim3A_477 : vector<16xi1>, vector<16xf32>
      %add3A_479 = arith.addf %parallel_loop3A_452#1, %select_n3A_478 : vector<16xf32>
      %mul3A_480 = vector.broadcast %squeeze3A_417 : f32 to vector<16xf32>
      %mul3A_481 = arith.mulf %mul3A_480, %add3A_479 : vector<16xf32>
      %add3A_482 = arith.addf %add3A_467, %mul3A_481 : vector<16xf32>
      %lt3A_483 = vector.broadcast %squeeze3A_403 : f32 to vector<16xf32>
      %lt3A_484 = arith.cmpf olt, %get3A_219, %lt3A_483 : vector<16xf32>
      %eq3A_485 = vector.broadcast %squeeze3A_403 : f32 to vector<16xf32>
      %eq3A_486 = arith.cmpf oeq, %get3A_219, %eq3A_485 : vector<16xf32>
      %gt3A_487 = vector.broadcast %squeeze3A_435 : i32 to vector<16xi32>
      %gt3A_488 = arith.cmpi sgt, %get3A_223, %gt3A_487 : vector<16xi32>
      %and3A_489 = arith.andi %eq3A_486, %gt3A_488 : vector<16xi1>
      %or3A_490 = arith.ori %lt3A_484, %and3A_489 : vector<16xi1>
      %jit3A_491 = arith.constant 0.000000e+00 : f32
      %broadcast_in_dim3A_492 = vector.broadcast %jit3A_491 : f32 to vector<16xf32>
      %select_n3A_493 = arith.select %or3A_490, %get3A_225, %broadcast_in_dim3A_492 : vector<16xi1>, vector<16xf32>
      %add3A_494 = arith.addf %parallel_loop3A_452#2, %select_n3A_493 : vector<16xf32>
      %mul3A_495 = vector.broadcast %squeeze3A_419 : f32 to vector<16xf32>
      %mul3A_496 = arith.mulf %mul3A_495, %add3A_494 : vector<16xf32>
      %add3A_497 = arith.addf %add3A_482, %mul3A_496 : vector<16xf32>
      %lt3A_498 = vector.broadcast %squeeze3A_405 : f32 to vector<16xf32>
      %lt3A_499 = arith.cmpf olt, %get3A_219, %lt3A_498 : vector<16xf32>
      %eq3A_500 = vector.broadcast %squeeze3A_405 : f32 to vector<16xf32>
      %eq3A_501 = arith.cmpf oeq, %get3A_219, %eq3A_500 : vector<16xf32>
      %gt3A_502 = vector.broadcast %squeeze3A_437 : i32 to vector<16xi32>
      %gt3A_503 = arith.cmpi sgt, %get3A_223, %gt3A_502 : vector<16xi32>
      %and3A_504 = arith.andi %eq3A_501, %gt3A_503 : vector<16xi1>
      %or3A_505 = arith.ori %lt3A_499, %and3A_504 : vector<16xi1>
      %jit3A_506 = arith.constant 0.000000e+00 : f32
      %broadcast_in_dim3A_507 = vector.broadcast %jit3A_506 : f32 to vector<16xf32>
      %select_n3A_508 = arith.select %or3A_505, %get3A_225, %broadcast_in_dim3A_507 : vector<16xi1>, vector<16xf32>
      %add3A_509 = arith.addf %parallel_loop3A_452#3, %select_n3A_508 : vector<16xf32>
      %mul3A_510 = vector.broadcast %squeeze3A_421 : f32 to vector<16xf32>
      %mul3A_511 = arith.mulf %mul3A_510, %add3A_509 : vector<16xf32>
      %add3A_512 = arith.addf %add3A_497, %mul3A_511 : vector<16xf32>
      %lt3A_513 = vector.broadcast %squeeze3A_407 : f32 to vector<16xf32>
      %lt3A_514 = arith.cmpf olt, %get3A_219, %lt3A_513 : vector<16xf32>
      %eq3A_515 = vector.broadcast %squeeze3A_407 : f32 to vector<16xf32>
      %eq3A_516 = arith.cmpf oeq, %get3A_219, %eq3A_515 : vector<16xf32>
      %gt3A_517 = vector.broadcast %squeeze3A_439 : i32 to vector<16xi32>
      %gt3A_518 = arith.cmpi sgt, %get3A_223, %gt3A_517 : vector<16xi32>
      %and3A_519 = arith.andi %eq3A_516, %gt3A_518 : vector<16xi1>
      %or3A_520 = arith.ori %lt3A_514, %and3A_519 : vector<16xi1>
      %jit3A_521 = arith.constant 0.000000e+00 : f32
      %broadcast_in_dim3A_522 = vector.broadcast %jit3A_521 : f32 to vector<16xf32>
      %select_n3A_523 = arith.select %or3A_520, %get3A_225, %broadcast_in_dim3A_522 : vector<16xi1>, vector<16xf32>
      %add3A_524 = arith.addf %parallel_loop3A_452#4, %select_n3A_523 : vector<16xf32>
      %mul3A_525 = vector.broadcast %squeeze3A_423 : f32 to vector<16xf32>
      %mul3A_526 = arith.mulf %mul3A_525, %add3A_524 : vector<16xf32>
      %add3A_527 = arith.addf %add3A_512, %mul3A_526 : vector<16xf32>
      %lt3A_528 = vector.broadcast %squeeze3A_409 : f32 to vector<16xf32>
      %lt3A_529 = arith.cmpf olt, %get3A_219, %lt3A_528 : vector<16xf32>
      %eq3A_530 = vector.broadcast %squeeze3A_409 : f32 to vector<16xf32>
      %eq3A_531 = arith.cmpf oeq, %get3A_219, %eq3A_530 : vector<16xf32>
      %gt3A_532 = vector.broadcast %squeeze3A_441 : i32 to vector<16xi32>
      %gt3A_533 = arith.cmpi sgt, %get3A_223, %gt3A_532 : vector<16xi32>
      %and3A_534 = arith.andi %eq3A_531, %gt3A_533 : vector<16xi1>
      %or3A_535 = arith.ori %lt3A_529, %and3A_534 : vector<16xi1>
      %jit3A_536 = arith.constant 0.000000e+00 : f32
      %broadcast_in_dim3A_537 = vector.broadcast %jit3A_536 : f32 to vector<16xf32>
      %select_n3A_538 = arith.select %or3A_535, %get3A_225, %broadcast_in_dim3A_537 : vector<16xi1>, vector<16xf32>
      %add3A_539 = arith.addf %parallel_loop3A_452#5, %select_n3A_538 : vector<16xf32>
      %mul3A_540 = vector.broadcast %squeeze3A_425 : f32 to vector<16xf32>
      %mul3A_541 = arith.mulf %mul3A_540, %add3A_539 : vector<16xf32>
      %add3A_542 = arith.addf %add3A_527, %mul3A_541 : vector<16xf32>
      %lt3A_543 = vector.broadcast %squeeze3A_411 : f32 to vector<16xf32>
      %lt3A_544 = arith.cmpf olt, %get3A_219, %lt3A_543 : vector<16xf32>
      %eq3A_545 = vector.broadcast %squeeze3A_411 : f32 to vector<16xf32>
      %eq3A_546 = arith.cmpf oeq, %get3A_219, %eq3A_545 : vector<16xf32>
      %gt3A_547 = vector.broadcast %squeeze3A_443 : i32 to vector<16xi32>
      %gt3A_548 = arith.cmpi sgt, %get3A_223, %gt3A_547 : vector<16xi32>
      %and3A_549 = arith.andi %eq3A_546, %gt3A_548 : vector<16xi1>
      %or3A_550 = arith.ori %lt3A_544, %and3A_549 : vector<16xi1>
      %jit3A_551 = arith.constant 0.000000e+00 : f32
      %broadcast_in_dim3A_552 = vector.broadcast %jit3A_551 : f32 to vector<16xf32>
      %select_n3A_553 = arith.select %or3A_550, %get3A_225, %broadcast_in_dim3A_552 : vector<16xi1>, vector<16xf32>
      %add3A_554 = arith.addf %parallel_loop3A_452#6, %select_n3A_553 : vector<16xf32>
      %mul3A_555 = vector.broadcast %squeeze3A_427 : f32 to vector<16xf32>
      %mul3A_556 = arith.mulf %mul3A_555, %add3A_554 : vector<16xf32>
      %add3A_557 = arith.addf %add3A_542, %mul3A_556 : vector<16xf32>
      %lt3A_558 = vector.broadcast %squeeze3A_413 : f32 to vector<16xf32>
      %lt3A_559 = arith.cmpf olt, %get3A_219, %lt3A_558 : vector<16xf32>
      %eq3A_560 = vector.broadcast %squeeze3A_413 : f32 to vector<16xf32>
      %eq3A_561 = arith.cmpf oeq, %get3A_219, %eq3A_560 : vector<16xf32>
      %gt3A_562 = vector.broadcast %squeeze3A_445 : i32 to vector<16xi32>
      %gt3A_563 = arith.cmpi sgt, %get3A_223, %gt3A_562 : vector<16xi32>
      %and3A_564 = arith.andi %eq3A_561, %gt3A_563 : vector<16xi1>
      %or3A_565 = arith.ori %lt3A_559, %and3A_564 : vector<16xi1>
      %jit3A_566 = arith.constant 0.000000e+00 : f32
      %broadcast_in_dim3A_567 = vector.broadcast %jit3A_566 : f32 to vector<16xf32>
      %select_n3A_568 = arith.select %or3A_565, %get3A_225, %broadcast_in_dim3A_567 : vector<16xi1>, vector<16xf32>
      %add3A_569 = arith.addf %parallel_loop3A_452#7, %select_n3A_568 : vector<16xf32>
      %mul3A_570 = vector.broadcast %squeeze3A_429 : f32 to vector<16xf32>
      %mul3A_571 = arith.mulf %mul3A_570, %add3A_569 : vector<16xf32>
      %add3A_572 = arith.addf %add3A_557, %mul3A_571 : vector<16xf32>
      scf.yield %add3A_572 : vector<16xf32>
    }
    %while3A_207 = arith.constant 1 : i32
    %while3A_208 = scf.for %while3A_214 = %while3A_204 to %while3A_200 step %while3A_207 iter_args(%while3A_215 = %while3A_206) -> (vector<16xf32>)  : i32 {
      %mul3A_216 = arith.constant 16 : i32
      %mul3A_217 = arith.muli %while3A_214, %mul3A_216 : i32
      %get3A_218 = arith.index_cast %mul3A_217 : i32 to index
      %get3A_219 = tpu.vector_load %arg15[%get3A_218] {strides = array<i32>} : memref<3344xf32, #tpu.memory_space<vmem>>, vector<16xf32>,
      %get3A_220 = arith.index_cast %mul3A_217 : i32 to index
      %get3A_221 = tpu.vector_load %arg17[%get3A_220] {strides = array<i32>} : memref<3344xf32, #tpu.memory_space<vmem>>, vector<16xf32>,
      %get3A_222 = arith.index_cast %mul3A_217 : i32 to index
      %get3A_223 = tpu.vector_load %arg18[%get3A_222] {strides = array<i32>} : memref<3344xi32, #tpu.memory_space<vmem>>, vector<16xi32>,
      %get3A_224 = arith.index_cast %mul3A_217 : i32 to index
      %get3A_225 = tpu.vector_load %arg16[%get3A_224] {strides = array<i32>} : memref<3344xf32, #tpu.memory_space<vmem>>, vector<16xf32>,
      %slice3A_226 = vector.extract_strided_slice %get3A_219 {offsets = [0], sizes = [1], strides = [1]} : vector<16xf32> to vector<1xf32>
      %squeeze3A_227 = vector.extract %slice3A_226[0] : f32 from vector<1xf32>
      %slice3A_228 = vector.extract_strided_slice %get3A_219 {offsets = [1], sizes = [1], strides = [1]} : vector<16xf32> to vector<1xf32>
      %squeeze3A_229 = vector.extract %slice3A_228[0] : f32 from vector<1xf32>
      %slice3A_230 = vector.extract_strided_slice %get3A_219 {offsets = [2], sizes = [1], strides = [1]} : vector<16xf32> to vector<1xf32>
      %squeeze3A_231 = vector.extract %slice3A_230[0] : f32 from vector<1xf32>
      %slice3A_232 = vector.extract_strided_slice %get3A_219 {offsets = [3], sizes = [1], strides = [1]} : vector<16xf32> to vector<1xf32>
      %squeeze3A_233 = vector.extract %slice3A_232[0] : f32 from vector<1xf32>
      %slice3A_234 = vector.extract_strided_slice %get3A_219 {offsets = [4], sizes = [1], strides = [1]} : vector<16xf32> to vector<1xf32>
      %squeeze3A_235 = vector.extract %slice3A_234[0] : f32 from vector<1xf32>
      %slice3A_236 = vector.extract_strided_slice %get3A_219 {offsets = [5], sizes = [1], strides = [1]} : vector<16xf32> to vector<1xf32>
      %squeeze3A_237 = vector.extract %slice3A_236[0] : f32 from vector<1xf32>
      %slice3A_238 = vector.extract_strided_slice %get3A_219 {offsets = [6], sizes = [1], strides = [1]} : vector<16xf32> to vector<1xf32>
      %squeeze3A_239 = vector.extract %slice3A_238[0] : f32 from vector<1xf32>
      %slice3A_240 = vector.extract_strided_slice %get3A_219 {offsets = [7], sizes = [1], strides = [1]} : vector<16xf32> to vector<1xf32>
      %squeeze3A_241 = vector.extract %slice3A_240[0] : f32 from vector<1xf32>
      %slice3A_242 = vector.extract_strided_slice %get3A_221 {offsets = [0], sizes = [1], strides = [1]} : vector<16xf32> to vector<1xf32>
      %squeeze3A_243 = vector.extract %slice3A_242[0] : f32 from vector<1xf32>
      %slice3A_244 = vector.extract_strided_slice %get3A_221 {offsets = [1], sizes = [1], strides = [1]} : vector<16xf32> to vector<1xf32>
      %squeeze3A_245 = vector.extract %slice3A_244[0] : f32 from vector<1xf32>
      %slice3A_246 = vector.extract_strided_slice %get3A_221 {offsets = [2], sizes = [1], strides = [1]} : vector<16xf32> to vector<1xf32>
      %squeeze3A_247 = vector.extract %slice3A_246[0] : f32 from vector<1xf32>
      %slice3A_248 = vector.extract_strided_slice %get3A_221 {offsets = [3], sizes = [1], strides = [1]} : vector<16xf32> to vector<1xf32>
      %squeeze3A_249 = vector.extract %slice3A_248[0] : f32 from vector<1xf32>
      %slice3A_250 = vector.extract_strided_slice %get3A_221 {offsets = [4], sizes = [1], strides = [1]} : vector<16xf32> to vector<1xf32>
      %squeeze3A_251 = vector.extract %slice3A_250[0] : f32 from vector<1xf32>
      %slice3A_252 = vector.extract_strided_slice %get3A_221 {offsets = [5], sizes = [1], strides = [1]} : vector<16xf32> to vector<1xf32>
      %squeeze3A_253 = vector.extract %slice3A_252[0] : f32 from vector<1xf32>
      %slice3A_254 = vector.extract_strided_slice %get3A_221 {offsets = [6], sizes = [1], strides = [1]} : vector<16xf32> to vector<1xf32>
      %squeeze3A_255 = vector.extract %slice3A_254[0] : f32 from vector<1xf32>
      %slice3A_256 = vector.extract_strided_slice %get3A_221 {offsets = [7], sizes = [1], strides = [1]} : vector<16xf32> to vector<1xf32>
      %squeeze3A_257 = vector.extract %slice3A_256[0] : f32 from vector<1xf32>
      %slice3A_258 = vector.extract_strided_slice %get3A_223 {offsets = [0], sizes = [1], strides = [1]} : vector<16xi32> to vector<1xi32>
      %squeeze3A_259 = vector.extract %slice3A_258[0] : i32 from vector<1xi32>
      %slice3A_260 = vector.extract_strided_slice %get3A_223 {offsets = [1], sizes = [1], strides = [1]} : vector<16xi32> to vector<1xi32>
      %squeeze3A_261 = vector.extract %slice3A_260[0] : i32 from vector<1xi32>
      %slice3A_262 = vector.extract_strided_slice %get3A_223 {offsets = [2], sizes = [1], strides = [1]} : vector<16xi32> to vector<1xi32>
      %squeeze3A_263 = vector.extract %slice3A_262[0] : i32 from vector<1xi32>
      %slice3A_264 = vector.extract_strided_slice %get3A_223 {offsets = [3], sizes = [1], strides = [1]} : vector<16xi32> to vector<1xi32>
      %squeeze3A_265 = vector.extract %slice3A_264[0] : i32 from vector<1xi32>
      %slice3A_266 = vector.extract_strided_slice %get3A_223 {offsets = [4], sizes = [1], strides = [1]} : vector<16xi32> to vector<1xi32>
      %squeeze3A_267 = vector.extract %slice3A_266[0] : i32 from vector<1xi32>
      %slice3A_268 = vector.extract_strided_slice %get3A_223 {offsets = [5], sizes = [1], strides = [1]} : vector<16xi32> to vector<1xi32>
      %squeeze3A_269 = vector.extract %slice3A_268[0] : i32 from vector<1xi32>
      %slice3A_270 = vector.extract_strided_slice %get3A_223 {offsets = [6], sizes = [1], strides = [1]} : vector<16xi32> to vector<1xi32>
      %squeeze3A_271 = vector.extract %slice3A_270[0] : i32 from vector<1xi32>
      %slice3A_272 = vector.extract_strided_slice %get3A_223 {offsets = [7], sizes = [1], strides = [1]} : vector<16xi32> to vector<1xi32>
      %squeeze3A_273 = vector.extract %slice3A_272[0] : i32 from vector<1xi32>
      %parallel_loop3A = arith.constant 0 : i32
      %parallel_loop3A_274 = arith.constant 1 : i32
      %parallel_loop3A_275:8 = scf.for %parallel_loop3A_573 = %parallel_loop3A to %while3A_214 step %parallel_loop3A_274 iter_args(%parallel_loop3A_574 = %broadcast_in_dim3A_86, %parallel_loop3A_575 = %broadcast_in_dim3A_86, %parallel_loop3A_576 = %broadcast_in_dim3A_86, %parallel_loop3A_577 = %broadcast_in_dim3A_86, %parallel_loop3A_578 = %broadcast_in_dim3A_86, %parallel_loop3A_579 = %broadcast_in_dim3A_86, %parallel_loop3A_580 = %broadcast_in_dim3A_86, %parallel_loop3A_581 = %broadcast_in_dim3A_86) -> (vector<16xf32>, vector<16xf32>, vector<16xf32>, vector<16xf32>, vector<16xf32>, vector<16xf32>, vector<16xf32>, vector<16xf32>)  : i32 {
        %parallel_loop3A_582 = arith.constant 16 : i32
        %parallel_loop3A_583 = arith.muli %parallel_loop3A_573, %parallel_loop3A_582 : i32
        %parallel_loop3A_584 = arith.index_cast %parallel_loop3A_583 : i32 to index
        %parallel_loop3A_585 = tpu.vector_load %arg15[%parallel_loop3A_584] {strides = array<i32>} : memref<3344xf32, #tpu.memory_space<vmem>>, vector<16xf32>,
        %parallel_loop3A_586 = arith.index_cast %parallel_loop3A_583 : i32 to index
        %parallel_loop3A_587 = tpu.vector_load %arg16[%parallel_loop3A_586] {strides = array<i32>} : memref<3344xf32, #tpu.memory_space<vmem>>, vector<16xf32>,
        %parallel_loop3A_588 = vector.broadcast %squeeze3A_227 : f32 to vector<16xf32>
        %parallel_loop3A_589 = arith.cmpf olt, %parallel_loop3A_585, %parallel_loop3A_588 : vector<16xf32>
        %parallel_loop3A_590 = arith.constant 0.000000e+00 : f32
        %parallel_loop3A_591 = vector.broadcast %parallel_loop3A_590 : f32 to vector<16xf32>
        %parallel_loop3A_592 = arith.select %parallel_loop3A_589, %parallel_loop3A_587, %parallel_loop3A_591 : vector<16xi1>, vector<16xf32>
        %parallel_loop3A_593 = arith.addf %parallel_loop3A_574, %parallel_loop3A_592 : vector<16xf32>
        %parallel_loop3A_594 = vector.broadcast %squeeze3A_229 : f32 to vector<16xf32>
        %parallel_loop3A_595 = arith.cmpf olt, %parallel_loop3A_585, %parallel_loop3A_594 : vector<16xf32>
        %parallel_loop3A_596 = arith.constant 0.000000e+00 : f32
        %parallel_loop3A_597 = vector.broadcast %parallel_loop3A_596 : f32 to vector<16xf32>
        %parallel_loop3A_598 = arith.select %parallel_loop3A_595, %parallel_loop3A_587, %parallel_loop3A_597 : vector<16xi1>, vector<16xf32>
        %parallel_loop3A_599 = arith.addf %parallel_loop3A_575, %parallel_loop3A_598 : vector<16xf32>
        %parallel_loop3A_600 = vector.broadcast %squeeze3A_231 : f32 to vector<16xf32>
        %parallel_loop3A_601 = arith.cmpf olt, %parallel_loop3A_585, %parallel_loop3A_600 : vector<16xf32>
        %parallel_loop3A_602 = arith.constant 0.000000e+00 : f32
        %parallel_loop3A_603 = vector.broadcast %parallel_loop3A_602 : f32 to vector<16xf32>
        %parallel_loop3A_604 = arith.select %parallel_loop3A_601, %parallel_loop3A_587, %parallel_loop3A_603 : vector<16xi1>, vector<16xf32>
        %parallel_loop3A_605 = arith.addf %parallel_loop3A_576, %parallel_loop3A_604 : vector<16xf32>
        %parallel_loop3A_606 = vector.broadcast %squeeze3A_233 : f32 to vector<16xf32>
        %parallel_loop3A_607 = arith.cmpf olt, %parallel_loop3A_585, %parallel_loop3A_606 : vector<16xf32>
        %parallel_loop3A_608 = arith.constant 0.000000e+00 : f32
        %parallel_loop3A_609 = vector.broadcast %parallel_loop3A_608 : f32 to vector<16xf32>
        %parallel_loop3A_610 = arith.select %parallel_loop3A_607, %parallel_loop3A_587, %parallel_loop3A_609 : vector<16xi1>, vector<16xf32>
        %parallel_loop3A_611 = arith.addf %parallel_loop3A_577, %parallel_loop3A_610 : vector<16xf32>
        %parallel_loop3A_612 = vector.broadcast %squeeze3A_235 : f32 to vector<16xf32>
        %parallel_loop3A_613 = arith.cmpf olt, %parallel_loop3A_585, %parallel_loop3A_612 : vector<16xf32>
        %parallel_loop3A_614 = arith.constant 0.000000e+00 : f32
        %parallel_loop3A_615 = vector.broadcast %parallel_loop3A_614 : f32 to vector<16xf32>
        %parallel_loop3A_616 = arith.select %parallel_loop3A_613, %parallel_loop3A_587, %parallel_loop3A_615 : vector<16xi1>, vector<16xf32>
        %parallel_loop3A_617 = arith.addf %parallel_loop3A_578, %parallel_loop3A_616 : vector<16xf32>
        %parallel_loop3A_618 = vector.broadcast %squeeze3A_237 : f32 to vector<16xf32>
        %parallel_loop3A_619 = arith.cmpf olt, %parallel_loop3A_585, %parallel_loop3A_618 : vector<16xf32>
        %parallel_loop3A_620 = arith.constant 0.000000e+00 : f32
        %parallel_loop3A_621 = vector.broadcast %parallel_loop3A_620 : f32 to vector<16xf32>
        %parallel_loop3A_622 = arith.select %parallel_loop3A_619, %parallel_loop3A_587, %parallel_loop3A_621 : vector<16xi1>, vector<16xf32>
        %parallel_loop3A_623 = arith.addf %parallel_loop3A_579, %parallel_loop3A_622 : vector<16xf32>
        %parallel_loop3A_624 = vector.broadcast %squeeze3A_239 : f32 to vector<16xf32>
        %parallel_loop3A_625 = arith.cmpf olt, %parallel_loop3A_585, %parallel_loop3A_624 : vector<16xf32>
        %parallel_loop3A_626 = arith.constant 0.000000e+00 : f32
        %parallel_loop3A_627 = vector.broadcast %parallel_loop3A_626 : f32 to vector<16xf32>
        %parallel_loop3A_628 = arith.select %parallel_loop3A_625, %parallel_loop3A_587, %parallel_loop3A_627 : vector<16xi1>, vector<16xf32>
        %parallel_loop3A_629 = arith.addf %parallel_loop3A_580, %parallel_loop3A_628 : vector<16xf32>
        %parallel_loop3A_630 = vector.broadcast %squeeze3A_241 : f32 to vector<16xf32>
        %parallel_loop3A_631 = arith.cmpf olt, %parallel_loop3A_585, %parallel_loop3A_630 : vector<16xf32>
        %parallel_loop3A_632 = arith.constant 0.000000e+00 : f32
        %parallel_loop3A_633 = vector.broadcast %parallel_loop3A_632 : f32 to vector<16xf32>
        %parallel_loop3A_634 = arith.select %parallel_loop3A_631, %parallel_loop3A_587, %parallel_loop3A_633 : vector<16xi1>, vector<16xf32>
        %parallel_loop3A_635 = arith.addf %parallel_loop3A_581, %parallel_loop3A_634 : vector<16xf32>
        scf.yield %parallel_loop3A_593, %parallel_loop3A_599, %parallel_loop3A_605, %parallel_loop3A_611, %parallel_loop3A_617, %parallel_loop3A_623, %parallel_loop3A_629, %parallel_loop3A_635 : vector<16xf32>, vector<16xf32>, vector<16xf32>, vector<16xf32>, vector<16xf32>, vector<16xf32>, vector<16xf32>, vector<16xf32>
      } {sc.loop_unroll_factor = 2 : i64, sc.parallel_access}
      %add3A_276 = arith.constant 1 : i32
      %add3A_277 = arith.addi %while3A_214, %add3A_276 : i32
      %parallel_loop3A_278 = arith.constant 1 : i32
      %parallel_loop3A_279:8 = scf.for %parallel_loop3A_573 = %add3A_277 to %select_n3A_144 step %parallel_loop3A_278 iter_args(%parallel_loop3A_574 = %parallel_loop3A_275#0, %parallel_loop3A_575 = %parallel_loop3A_275#1, %parallel_loop3A_576 = %parallel_loop3A_275#2, %parallel_loop3A_577 = %parallel_loop3A_275#3, %parallel_loop3A_578 = %parallel_loop3A_275#4, %parallel_loop3A_579 = %parallel_loop3A_275#5, %parallel_loop3A_580 = %parallel_loop3A_275#6, %parallel_loop3A_581 = %parallel_loop3A_275#7) -> (vector<16xf32>, vector<16xf32>, vector<16xf32>, vector<16xf32>, vector<16xf32>, vector<16xf32>, vector<16xf32>, vector<16xf32>)  : i32 {
        %parallel_loop3A_582 = arith.constant 16 : i32
        %parallel_loop3A_583 = arith.muli %parallel_loop3A_573, %parallel_loop3A_582 : i32
        %parallel_loop3A_584 = arith.index_cast %parallel_loop3A_583 : i32 to index
        %parallel_loop3A_585 = tpu.vector_load %arg15[%parallel_loop3A_584] {strides = array<i32>} : memref<3344xf32, #tpu.memory_space<vmem>>, vector<16xf32>,
        %parallel_loop3A_586 = arith.index_cast %parallel_loop3A_583 : i32 to index
        %parallel_loop3A_587 = tpu.vector_load %arg16[%parallel_loop3A_586] {strides = array<i32>} : memref<3344xf32, #tpu.memory_space<vmem>>, vector<16xf32>,
        %parallel_loop3A_588 = vector.broadcast %squeeze3A_227 : f32 to vector<16xf32>
        %parallel_loop3A_589 = arith.cmpf ole, %parallel_loop3A_585, %parallel_loop3A_588 : vector<16xf32>
        %parallel_loop3A_590 = arith.constant 0.000000e+00 : f32
        %parallel_loop3A_591 = vector.broadcast %parallel_loop3A_590 : f32 to vector<16xf32>
        %parallel_loop3A_592 = arith.select %parallel_loop3A_589, %parallel_loop3A_587, %parallel_loop3A_591 : vector<16xi1>, vector<16xf32>
        %parallel_loop3A_593 = arith.addf %parallel_loop3A_574, %parallel_loop3A_592 : vector<16xf32>
        %parallel_loop3A_594 = vector.broadcast %squeeze3A_229 : f32 to vector<16xf32>
        %parallel_loop3A_595 = arith.cmpf ole, %parallel_loop3A_585, %parallel_loop3A_594 : vector<16xf32>
        %parallel_loop3A_596 = arith.constant 0.000000e+00 : f32
        %parallel_loop3A_597 = vector.broadcast %parallel_loop3A_596 : f32 to vector<16xf32>
        %parallel_loop3A_598 = arith.select %parallel_loop3A_595, %parallel_loop3A_587, %parallel_loop3A_597 : vector<16xi1>, vector<16xf32>
        %parallel_loop3A_599 = arith.addf %parallel_loop3A_575, %parallel_loop3A_598 : vector<16xf32>
        %parallel_loop3A_600 = vector.broadcast %squeeze3A_231 : f32 to vector<16xf32>
        %parallel_loop3A_601 = arith.cmpf ole, %parallel_loop3A_585, %parallel_loop3A_600 : vector<16xf32>
        %parallel_loop3A_602 = arith.constant 0.000000e+00 : f32
        %parallel_loop3A_603 = vector.broadcast %parallel_loop3A_602 : f32 to vector<16xf32>
        %parallel_loop3A_604 = arith.select %parallel_loop3A_601, %parallel_loop3A_587, %parallel_loop3A_603 : vector<16xi1>, vector<16xf32>
        %parallel_loop3A_605 = arith.addf %parallel_loop3A_576, %parallel_loop3A_604 : vector<16xf32>
        %parallel_loop3A_606 = vector.broadcast %squeeze3A_233 : f32 to vector<16xf32>
        %parallel_loop3A_607 = arith.cmpf ole, %parallel_loop3A_585, %parallel_loop3A_606 : vector<16xf32>
        %parallel_loop3A_608 = arith.constant 0.000000e+00 : f32
        %parallel_loop3A_609 = vector.broadcast %parallel_loop3A_608 : f32 to vector<16xf32>
        %parallel_loop3A_610 = arith.select %parallel_loop3A_607, %parallel_loop3A_587, %parallel_loop3A_609 : vector<16xi1>, vector<16xf32>
        %parallel_loop3A_611 = arith.addf %parallel_loop3A_577, %parallel_loop3A_610 : vector<16xf32>
        %parallel_loop3A_612 = vector.broadcast %squeeze3A_235 : f32 to vector<16xf32>
        %parallel_loop3A_613 = arith.cmpf ole, %parallel_loop3A_585, %parallel_loop3A_612 : vector<16xf32>
        %parallel_loop3A_614 = arith.constant 0.000000e+00 : f32
        %parallel_loop3A_615 = vector.broadcast %parallel_loop3A_614 : f32 to vector<16xf32>
        %parallel_loop3A_616 = arith.select %parallel_loop3A_613, %parallel_loop3A_587, %parallel_loop3A_615 : vector<16xi1>, vector<16xf32>
        %parallel_loop3A_617 = arith.addf %parallel_loop3A_578, %parallel_loop3A_616 : vector<16xf32>
        %parallel_loop3A_618 = vector.broadcast %squeeze3A_237 : f32 to vector<16xf32>
        %parallel_loop3A_619 = arith.cmpf ole, %parallel_loop3A_585, %parallel_loop3A_618 : vector<16xf32>
        %parallel_loop3A_620 = arith.constant 0.000000e+00 : f32
        %parallel_loop3A_621 = vector.broadcast %parallel_loop3A_620 : f32 to vector<16xf32>
        %parallel_loop3A_622 = arith.select %parallel_loop3A_619, %parallel_loop3A_587, %parallel_loop3A_621 : vector<16xi1>, vector<16xf32>
        %parallel_loop3A_623 = arith.addf %parallel_loop3A_579, %parallel_loop3A_622 : vector<16xf32>
        %parallel_loop3A_624 = vector.broadcast %squeeze3A_239 : f32 to vector<16xf32>
        %parallel_loop3A_625 = arith.cmpf ole, %parallel_loop3A_585, %parallel_loop3A_624 : vector<16xf32>
        %parallel_loop3A_626 = arith.constant 0.000000e+00 : f32
        %parallel_loop3A_627 = vector.broadcast %parallel_loop3A_626 : f32 to vector<16xf32>
        %parallel_loop3A_628 = arith.select %parallel_loop3A_625, %parallel_loop3A_587, %parallel_loop3A_627 : vector<16xi1>, vector<16xf32>
        %parallel_loop3A_629 = arith.addf %parallel_loop3A_580, %parallel_loop3A_628 : vector<16xf32>
        %parallel_loop3A_630 = vector.broadcast %squeeze3A_241 : f32 to vector<16xf32>
        %parallel_loop3A_631 = arith.cmpf ole, %parallel_loop3A_585, %parallel_loop3A_630 : vector<16xf32>
        %parallel_loop3A_632 = arith.constant 0.000000e+00 : f32
        %parallel_loop3A_633 = vector.broadcast %parallel_loop3A_632 : f32 to vector<16xf32>
        %parallel_loop3A_634 = arith.select %parallel_loop3A_631, %parallel_loop3A_587, %parallel_loop3A_633 : vector<16xi1>, vector<16xf32>
        %parallel_loop3A_635 = arith.addf %parallel_loop3A_581, %parallel_loop3A_634 : vector<16xf32>
        scf.yield %parallel_loop3A_593, %parallel_loop3A_599, %parallel_loop3A_605, %parallel_loop3A_611, %parallel_loop3A_617, %parallel_loop3A_623, %parallel_loop3A_629, %parallel_loop3A_635 : vector<16xf32>, vector<16xf32>, vector<16xf32>, vector<16xf32>, vector<16xf32>, vector<16xf32>, vector<16xf32>, vector<16xf32>
      } {sc.loop_unroll_factor = 2 : i64, sc.parallel_access}
      %lt3A_280 = vector.broadcast %squeeze3A_227 : f32 to vector<16xf32>
      %lt3A_281 = arith.cmpf olt, %get3A_219, %lt3A_280 : vector<16xf32>
      %eq3A_282 = vector.broadcast %squeeze3A_227 : f32 to vector<16xf32>
      %eq3A_283 = arith.cmpf oeq, %get3A_219, %eq3A_282 : vector<16xf32>
      %gt3A = vector.broadcast %squeeze3A_259 : i32 to vector<16xi32>
      %gt3A_284 = arith.cmpi sgt, %get3A_223, %gt3A : vector<16xi32>
      %and3A_285 = arith.andi %eq3A_283, %gt3A_284 : vector<16xi1>
      %or3A = arith.ori %lt3A_281, %and3A_285 : vector<16xi1>
      %jit3A_286 = arith.constant 0.000000e+00 : f32
      %broadcast_in_dim3A_287 = vector.broadcast %jit3A_286 : f32 to vector<16xf32>
      %select_n3A_288 = arith.select %or3A, %get3A_225, %broadcast_in_dim3A_287 : vector<16xi1>, vector<16xf32>
      %add3A_289 = arith.addf %parallel_loop3A_279#0, %select_n3A_288 : vector<16xf32>
      %mul3A_290 = vector.broadcast %squeeze3A_243 : f32 to vector<16xf32>
      %mul3A_291 = arith.mulf %mul3A_290, %add3A_289 : vector<16xf32>
      %add3A_292 = arith.addf %while3A_215, %mul3A_291 : vector<16xf32>
      %lt3A_293 = vector.broadcast %squeeze3A_229 : f32 to vector<16xf32>
      %lt3A_294 = arith.cmpf olt, %get3A_219, %lt3A_293 : vector<16xf32>
      %eq3A_295 = vector.broadcast %squeeze3A_229 : f32 to vector<16xf32>
      %eq3A_296 = arith.cmpf oeq, %get3A_219, %eq3A_295 : vector<16xf32>
      %gt3A_297 = vector.broadcast %squeeze3A_261 : i32 to vector<16xi32>
      %gt3A_298 = arith.cmpi sgt, %get3A_223, %gt3A_297 : vector<16xi32>
      %and3A_299 = arith.andi %eq3A_296, %gt3A_298 : vector<16xi1>
      %or3A_300 = arith.ori %lt3A_294, %and3A_299 : vector<16xi1>
      %jit3A_301 = arith.constant 0.000000e+00 : f32
      %broadcast_in_dim3A_302 = vector.broadcast %jit3A_301 : f32 to vector<16xf32>
      %select_n3A_303 = arith.select %or3A_300, %get3A_225, %broadcast_in_dim3A_302 : vector<16xi1>, vector<16xf32>
      %add3A_304 = arith.addf %parallel_loop3A_279#1, %select_n3A_303 : vector<16xf32>
      %mul3A_305 = vector.broadcast %squeeze3A_245 : f32 to vector<16xf32>
      %mul3A_306 = arith.mulf %mul3A_305, %add3A_304 : vector<16xf32>
      %add3A_307 = arith.addf %add3A_292, %mul3A_306 : vector<16xf32>
      %lt3A_308 = vector.broadcast %squeeze3A_231 : f32 to vector<16xf32>
      %lt3A_309 = arith.cmpf olt, %get3A_219, %lt3A_308 : vector<16xf32>
      %eq3A_310 = vector.broadcast %squeeze3A_231 : f32 to vector<16xf32>
      %eq3A_311 = arith.cmpf oeq, %get3A_219, %eq3A_310 : vector<16xf32>
      %gt3A_312 = vector.broadcast %squeeze3A_263 : i32 to vector<16xi32>
      %gt3A_313 = arith.cmpi sgt, %get3A_223, %gt3A_312 : vector<16xi32>
      %and3A_314 = arith.andi %eq3A_311, %gt3A_313 : vector<16xi1>
      %or3A_315 = arith.ori %lt3A_309, %and3A_314 : vector<16xi1>
      %jit3A_316 = arith.constant 0.000000e+00 : f32
      %broadcast_in_dim3A_317 = vector.broadcast %jit3A_316 : f32 to vector<16xf32>
      %select_n3A_318 = arith.select %or3A_315, %get3A_225, %broadcast_in_dim3A_317 : vector<16xi1>, vector<16xf32>
      %add3A_319 = arith.addf %parallel_loop3A_279#2, %select_n3A_318 : vector<16xf32>
      %mul3A_320 = vector.broadcast %squeeze3A_247 : f32 to vector<16xf32>
      %mul3A_321 = arith.mulf %mul3A_320, %add3A_319 : vector<16xf32>
      %add3A_322 = arith.addf %add3A_307, %mul3A_321 : vector<16xf32>
      %lt3A_323 = vector.broadcast %squeeze3A_233 : f32 to vector<16xf32>
      %lt3A_324 = arith.cmpf olt, %get3A_219, %lt3A_323 : vector<16xf32>
      %eq3A_325 = vector.broadcast %squeeze3A_233 : f32 to vector<16xf32>
      %eq3A_326 = arith.cmpf oeq, %get3A_219, %eq3A_325 : vector<16xf32>
      %gt3A_327 = vector.broadcast %squeeze3A_265 : i32 to vector<16xi32>
      %gt3A_328 = arith.cmpi sgt, %get3A_223, %gt3A_327 : vector<16xi32>
      %and3A_329 = arith.andi %eq3A_326, %gt3A_328 : vector<16xi1>
      %or3A_330 = arith.ori %lt3A_324, %and3A_329 : vector<16xi1>
      %jit3A_331 = arith.constant 0.000000e+00 : f32
      %broadcast_in_dim3A_332 = vector.broadcast %jit3A_331 : f32 to vector<16xf32>
      %select_n3A_333 = arith.select %or3A_330, %get3A_225, %broadcast_in_dim3A_332 : vector<16xi1>, vector<16xf32>
      %add3A_334 = arith.addf %parallel_loop3A_279#3, %select_n3A_333 : vector<16xf32>
      %mul3A_335 = vector.broadcast %squeeze3A_249 : f32 to vector<16xf32>
      %mul3A_336 = arith.mulf %mul3A_335, %add3A_334 : vector<16xf32>
      %add3A_337 = arith.addf %add3A_322, %mul3A_336 : vector<16xf32>
      %lt3A_338 = vector.broadcast %squeeze3A_235 : f32 to vector<16xf32>
      %lt3A_339 = arith.cmpf olt, %get3A_219, %lt3A_338 : vector<16xf32>
      %eq3A_340 = vector.broadcast %squeeze3A_235 : f32 to vector<16xf32>
      %eq3A_341 = arith.cmpf oeq, %get3A_219, %eq3A_340 : vector<16xf32>
      %gt3A_342 = vector.broadcast %squeeze3A_267 : i32 to vector<16xi32>
      %gt3A_343 = arith.cmpi sgt, %get3A_223, %gt3A_342 : vector<16xi32>
      %and3A_344 = arith.andi %eq3A_341, %gt3A_343 : vector<16xi1>
      %or3A_345 = arith.ori %lt3A_339, %and3A_344 : vector<16xi1>
      %jit3A_346 = arith.constant 0.000000e+00 : f32
      %broadcast_in_dim3A_347 = vector.broadcast %jit3A_346 : f32 to vector<16xf32>
      %select_n3A_348 = arith.select %or3A_345, %get3A_225, %broadcast_in_dim3A_347 : vector<16xi1>, vector<16xf32>
      %add3A_349 = arith.addf %parallel_loop3A_279#4, %select_n3A_348 : vector<16xf32>
      %mul3A_350 = vector.broadcast %squeeze3A_251 : f32 to vector<16xf32>
      %mul3A_351 = arith.mulf %mul3A_350, %add3A_349 : vector<16xf32>
      %add3A_352 = arith.addf %add3A_337, %mul3A_351 : vector<16xf32>
      %lt3A_353 = vector.broadcast %squeeze3A_237 : f32 to vector<16xf32>
      %lt3A_354 = arith.cmpf olt, %get3A_219, %lt3A_353 : vector<16xf32>
      %eq3A_355 = vector.broadcast %squeeze3A_237 : f32 to vector<16xf32>
      %eq3A_356 = arith.cmpf oeq, %get3A_219, %eq3A_355 : vector<16xf32>
      %gt3A_357 = vector.broadcast %squeeze3A_269 : i32 to vector<16xi32>
      %gt3A_358 = arith.cmpi sgt, %get3A_223, %gt3A_357 : vector<16xi32>
      %and3A_359 = arith.andi %eq3A_356, %gt3A_358 : vector<16xi1>
      %or3A_360 = arith.ori %lt3A_354, %and3A_359 : vector<16xi1>
      %jit3A_361 = arith.constant 0.000000e+00 : f32
      %broadcast_in_dim3A_362 = vector.broadcast %jit3A_361 : f32 to vector<16xf32>
      %select_n3A_363 = arith.select %or3A_360, %get3A_225, %broadcast_in_dim3A_362 : vector<16xi1>, vector<16xf32>
      %add3A_364 = arith.addf %parallel_loop3A_279#5, %select_n3A_363 : vector<16xf32>
      %mul3A_365 = vector.broadcast %squeeze3A_253 : f32 to vector<16xf32>
      %mul3A_366 = arith.mulf %mul3A_365, %add3A_364 : vector<16xf32>
      %add3A_367 = arith.addf %add3A_352, %mul3A_366 : vector<16xf32>
      %lt3A_368 = vector.broadcast %squeeze3A_239 : f32 to vector<16xf32>
      %lt3A_369 = arith.cmpf olt, %get3A_219, %lt3A_368 : vector<16xf32>
      %eq3A_370 = vector.broadcast %squeeze3A_239 : f32 to vector<16xf32>
      %eq3A_371 = arith.cmpf oeq, %get3A_219, %eq3A_370 : vector<16xf32>
      %gt3A_372 = vector.broadcast %squeeze3A_271 : i32 to vector<16xi32>
      %gt3A_373 = arith.cmpi sgt, %get3A_223, %gt3A_372 : vector<16xi32>
      %and3A_374 = arith.andi %eq3A_371, %gt3A_373 : vector<16xi1>
      %or3A_375 = arith.ori %lt3A_369, %and3A_374 : vector<16xi1>
      %jit3A_376 = arith.constant 0.000000e+00 : f32
      %broadcast_in_dim3A_377 = vector.broadcast %jit3A_376 : f32 to vector<16xf32>
      %select_n3A_378 = arith.select %or3A_375, %get3A_225, %broadcast_in_dim3A_377 : vector<16xi1>, vector<16xf32>
      %add3A_379 = arith.addf %parallel_loop3A_279#6, %select_n3A_378 : vector<16xf32>
      %mul3A_380 = vector.broadcast %squeeze3A_255 : f32 to vector<16xf32>
      %mul3A_381 = arith.mulf %mul3A_380, %add3A_379 : vector<16xf32>
      %add3A_382 = arith.addf %add3A_367, %mul3A_381 : vector<16xf32>
      %lt3A_383 = vector.broadcast %squeeze3A_241 : f32 to vector<16xf32>
      %lt3A_384 = arith.cmpf olt, %get3A_219, %lt3A_383 : vector<16xf32>
      %eq3A_385 = vector.broadcast %squeeze3A_241 : f32 to vector<16xf32>
      %eq3A_386 = arith.cmpf oeq, %get3A_219, %eq3A_385 : vector<16xf32>
      %gt3A_387 = vector.broadcast %squeeze3A_273 : i32 to vector<16xi32>
      %gt3A_388 = arith.cmpi sgt, %get3A_223, %gt3A_387 : vector<16xi32>
      %and3A_389 = arith.andi %eq3A_386, %gt3A_388 : vector<16xi1>
      %or3A_390 = arith.ori %lt3A_384, %and3A_389 : vector<16xi1>
      %jit3A_391 = arith.constant 0.000000e+00 : f32
      %broadcast_in_dim3A_392 = vector.broadcast %jit3A_391 : f32 to vector<16xf32>
      %select_n3A_393 = arith.select %or3A_390, %get3A_225, %broadcast_in_dim3A_392 : vector<16xi1>, vector<16xf32>
      %add3A_394 = arith.addf %parallel_loop3A_279#7, %select_n3A_393 : vector<16xf32>
      %mul3A_395 = vector.broadcast %squeeze3A_257 : f32 to vector<16xf32>
      %mul3A_396 = arith.mulf %mul3A_395, %add3A_394 : vector<16xf32>
      %add3A_397 = arith.addf %add3A_382, %mul3A_396 : vector<16xf32>
      %slice3A_398 = vector.extract_strided_slice %get3A_219 {offsets = [8], sizes = [1], strides = [1]} : vector<16xf32> to vector<1xf32>
      %squeeze3A_399 = vector.extract %slice3A_398[0] : f32 from vector<1xf32>
      %slice3A_400 = vector.extract_strided_slice %get3A_219 {offsets = [9], sizes = [1], strides = [1]} : vector<16xf32> to vector<1xf32>
      %squeeze3A_401 = vector.extract %slice3A_400[0] : f32 from vector<1xf32>
      %slice3A_402 = vector.extract_strided_slice %get3A_219 {offsets = [10], sizes = [1], strides = [1]} : vector<16xf32> to vector<1xf32>
      %squeeze3A_403 = vector.extract %slice3A_402[0] : f32 from vector<1xf32>
      %slice3A_404 = vector.extract_strided_slice %get3A_219 {offsets = [11], sizes = [1], strides = [1]} : vector<16xf32> to vector<1xf32>
      %squeeze3A_405 = vector.extract %slice3A_404[0] : f32 from vector<1xf32>
      %slice3A_406 = vector.extract_strided_slice %get3A_219 {offsets = [12], sizes = [1], strides = [1]} : vector<16xf32> to vector<1xf32>
      %squeeze3A_407 = vector.extract %slice3A_406[0] : f32 from vector<1xf32>
      %slice3A_408 = vector.extract_strided_slice %get3A_219 {offsets = [13], sizes = [1], strides = [1]} : vector<16xf32> to vector<1xf32>
      %squeeze3A_409 = vector.extract %slice3A_408[0] : f32 from vector<1xf32>
      %slice3A_410 = vector.extract_strided_slice %get3A_219 {offsets = [14], sizes = [1], strides = [1]} : vector<16xf32> to vector<1xf32>
      %squeeze3A_411 = vector.extract %slice3A_410[0] : f32 from vector<1xf32>
      %slice3A_412 = vector.extract_strided_slice %get3A_219 {offsets = [15], sizes = [1], strides = [1]} : vector<16xf32> to vector<1xf32>
      %squeeze3A_413 = vector.extract %slice3A_412[0] : f32 from vector<1xf32>
      %slice3A_414 = vector.extract_strided_slice %get3A_221 {offsets = [8], sizes = [1], strides = [1]} : vector<16xf32> to vector<1xf32>
      %squeeze3A_415 = vector.extract %slice3A_414[0] : f32 from vector<1xf32>
      %slice3A_416 = vector.extract_strided_slice %get3A_221 {offsets = [9], sizes = [1], strides = [1]} : vector<16xf32> to vector<1xf32>
      %squeeze3A_417 = vector.extract %slice3A_416[0] : f32 from vector<1xf32>
      %slice3A_418 = vector.extract_strided_slice %get3A_221 {offsets = [10], sizes = [1], strides = [1]} : vector<16xf32> to vector<1xf32>
      %squeeze3A_419 = vector.extract %slice3A_418[0] : f32 from vector<1xf32>
      %slice3A_420 = vector.extract_strided_slice %get3A_221 {offsets = [11], sizes = [1], strides = [1]} : vector<16xf32> to vector<1xf32>
      %squeeze3A_421 = vector.extract %slice3A_420[0] : f32 from vector<1xf32>
      %slice3A_422 = vector.extract_strided_slice %get3A_221 {offsets = [12], sizes = [1], strides = [1]} : vector<16xf32> to vector<1xf32>
      %squeeze3A_423 = vector.extract %slice3A_422[0] : f32 from vector<1xf32>
      %slice3A_424 = vector.extract_strided_slice %get3A_221 {offsets = [13], sizes = [1], strides = [1]} : vector<16xf32> to vector<1xf32>
      %squeeze3A_425 = vector.extract %slice3A_424[0] : f32 from vector<1xf32>
      %slice3A_426 = vector.extract_strided_slice %get3A_221 {offsets = [14], sizes = [1], strides = [1]} : vector<16xf32> to vector<1xf32>
      %squeeze3A_427 = vector.extract %slice3A_426[0] : f32 from vector<1xf32>
      %slice3A_428 = vector.extract_strided_slice %get3A_221 {offsets = [15], sizes = [1], strides = [1]} : vector<16xf32> to vector<1xf32>
      %squeeze3A_429 = vector.extract %slice3A_428[0] : f32 from vector<1xf32>
      %slice3A_430 = vector.extract_strided_slice %get3A_223 {offsets = [8], sizes = [1], strides = [1]} : vector<16xi32> to vector<1xi32>
      %squeeze3A_431 = vector.extract %slice3A_430[0] : i32 from vector<1xi32>
      %slice3A_432 = vector.extract_strided_slice %get3A_223 {offsets = [9], sizes = [1], strides = [1]} : vector<16xi32> to vector<1xi32>
      %squeeze3A_433 = vector.extract %slice3A_432[0] : i32 from vector<1xi32>
      %slice3A_434 = vector.extract_strided_slice %get3A_223 {offsets = [10], sizes = [1], strides = [1]} : vector<16xi32> to vector<1xi32>
      %squeeze3A_435 = vector.extract %slice3A_434[0] : i32 from vector<1xi32>
      %slice3A_436 = vector.extract_strided_slice %get3A_223 {offsets = [11], sizes = [1], strides = [1]} : vector<16xi32> to vector<1xi32>
      %squeeze3A_437 = vector.extract %slice3A_436[0] : i32 from vector<1xi32>
      %slice3A_438 = vector.extract_strided_slice %get3A_223 {offsets = [12], sizes = [1], strides = [1]} : vector<16xi32> to vector<1xi32>
      %squeeze3A_439 = vector.extract %slice3A_438[0] : i32 from vector<1xi32>
      %slice3A_440 = vector.extract_strided_slice %get3A_223 {offsets = [13], sizes = [1], strides = [1]} : vector<16xi32> to vector<1xi32>
      %squeeze3A_441 = vector.extract %slice3A_440[0] : i32 from vector<1xi32>
      %slice3A_442 = vector.extract_strided_slice %get3A_223 {offsets = [14], sizes = [1], strides = [1]} : vector<16xi32> to vector<1xi32>
      %squeeze3A_443 = vector.extract %slice3A_442[0] : i32 from vector<1xi32>
      %slice3A_444 = vector.extract_strided_slice %get3A_223 {offsets = [15], sizes = [1], strides = [1]} : vector<16xi32> to vector<1xi32>
      %squeeze3A_445 = vector.extract %slice3A_444[0] : i32 from vector<1xi32>
      %parallel_loop3A_446 = arith.constant 0 : i32
      %parallel_loop3A_447 = arith.constant 1 : i32
      %parallel_loop3A_448:8 = scf.for %parallel_loop3A_573 = %parallel_loop3A_446 to %while3A_214 step %parallel_loop3A_447 iter_args(%parallel_loop3A_574 = %broadcast_in_dim3A_86, %parallel_loop3A_575 = %broadcast_in_dim3A_86, %parallel_loop3A_576 = %broadcast_in_dim3A_86, %parallel_loop3A_577 = %broadcast_in_dim3A_86, %parallel_loop3A_578 = %broadcast_in_dim3A_86, %parallel_loop3A_579 = %broadcast_in_dim3A_86, %parallel_loop3A_580 = %broadcast_in_dim3A_86, %parallel_loop3A_581 = %broadcast_in_dim3A_86) -> (vector<16xf32>, vector<16xf32>, vector<16xf32>, vector<16xf32>, vector<16xf32>, vector<16xf32>, vector<16xf32>, vector<16xf32>)  : i32 {
        %parallel_loop3A_582 = arith.constant 16 : i32
        %parallel_loop3A_583 = arith.muli %parallel_loop3A_573, %parallel_loop3A_582 : i32
        %parallel_loop3A_584 = arith.index_cast %parallel_loop3A_583 : i32 to index
        %parallel_loop3A_585 = tpu.vector_load %arg15[%parallel_loop3A_584] {strides = array<i32>} : memref<3344xf32, #tpu.memory_space<vmem>>, vector<16xf32>,
        %parallel_loop3A_586 = arith.index_cast %parallel_loop3A_583 : i32 to index
        %parallel_loop3A_587 = tpu.vector_load %arg16[%parallel_loop3A_586] {strides = array<i32>} : memref<3344xf32, #tpu.memory_space<vmem>>, vector<16xf32>,
        %parallel_loop3A_588 = vector.broadcast %squeeze3A_399 : f32 to vector<16xf32>
        %parallel_loop3A_589 = arith.cmpf olt, %parallel_loop3A_585, %parallel_loop3A_588 : vector<16xf32>
        %parallel_loop3A_590 = arith.constant 0.000000e+00 : f32
        %parallel_loop3A_591 = vector.broadcast %parallel_loop3A_590 : f32 to vector<16xf32>
        %parallel_loop3A_592 = arith.select %parallel_loop3A_589, %parallel_loop3A_587, %parallel_loop3A_591 : vector<16xi1>, vector<16xf32>
        %parallel_loop3A_593 = arith.addf %parallel_loop3A_574, %parallel_loop3A_592 : vector<16xf32>
        %parallel_loop3A_594 = vector.broadcast %squeeze3A_401 : f32 to vector<16xf32>
        %parallel_loop3A_595 = arith.cmpf olt, %parallel_loop3A_585, %parallel_loop3A_594 : vector<16xf32>
        %parallel_loop3A_596 = arith.constant 0.000000e+00 : f32
        %parallel_loop3A_597 = vector.broadcast %parallel_loop3A_596 : f32 to vector<16xf32>
        %parallel_loop3A_598 = arith.select %parallel_loop3A_595, %parallel_loop3A_587, %parallel_loop3A_597 : vector<16xi1>, vector<16xf32>
        %parallel_loop3A_599 = arith.addf %parallel_loop3A_575, %parallel_loop3A_598 : vector<16xf32>
        %parallel_loop3A_600 = vector.broadcast %squeeze3A_403 : f32 to vector<16xf32>
        %parallel_loop3A_601 = arith.cmpf olt, %parallel_loop3A_585, %parallel_loop3A_600 : vector<16xf32>
        %parallel_loop3A_602 = arith.constant 0.000000e+00 : f32
        %parallel_loop3A_603 = vector.broadcast %parallel_loop3A_602 : f32 to vector<16xf32>
        %parallel_loop3A_604 = arith.select %parallel_loop3A_601, %parallel_loop3A_587, %parallel_loop3A_603 : vector<16xi1>, vector<16xf32>
        %parallel_loop3A_605 = arith.addf %parallel_loop3A_576, %parallel_loop3A_604 : vector<16xf32>
        %parallel_loop3A_606 = vector.broadcast %squeeze3A_405 : f32 to vector<16xf32>
        %parallel_loop3A_607 = arith.cmpf olt, %parallel_loop3A_585, %parallel_loop3A_606 : vector<16xf32>
        %parallel_loop3A_608 = arith.constant 0.000000e+00 : f32
        %parallel_loop3A_609 = vector.broadcast %parallel_loop3A_608 : f32 to vector<16xf32>
        %parallel_loop3A_610 = arith.select %parallel_loop3A_607, %parallel_loop3A_587, %parallel_loop3A_609 : vector<16xi1>, vector<16xf32>
        %parallel_loop3A_611 = arith.addf %parallel_loop3A_577, %parallel_loop3A_610 : vector<16xf32>
        %parallel_loop3A_612 = vector.broadcast %squeeze3A_407 : f32 to vector<16xf32>
        %parallel_loop3A_613 = arith.cmpf olt, %parallel_loop3A_585, %parallel_loop3A_612 : vector<16xf32>
        %parallel_loop3A_614 = arith.constant 0.000000e+00 : f32
        %parallel_loop3A_615 = vector.broadcast %parallel_loop3A_614 : f32 to vector<16xf32>
        %parallel_loop3A_616 = arith.select %parallel_loop3A_613, %parallel_loop3A_587, %parallel_loop3A_615 : vector<16xi1>, vector<16xf32>
        %parallel_loop3A_617 = arith.addf %parallel_loop3A_578, %parallel_loop3A_616 : vector<16xf32>
        %parallel_loop3A_618 = vector.broadcast %squeeze3A_409 : f32 to vector<16xf32>
        %parallel_loop3A_619 = arith.cmpf olt, %parallel_loop3A_585, %parallel_loop3A_618 : vector<16xf32>
        %parallel_loop3A_620 = arith.constant 0.000000e+00 : f32
        %parallel_loop3A_621 = vector.broadcast %parallel_loop3A_620 : f32 to vector<16xf32>
        %parallel_loop3A_622 = arith.select %parallel_loop3A_619, %parallel_loop3A_587, %parallel_loop3A_621 : vector<16xi1>, vector<16xf32>
        %parallel_loop3A_623 = arith.addf %parallel_loop3A_579, %parallel_loop3A_622 : vector<16xf32>
        %parallel_loop3A_624 = vector.broadcast %squeeze3A_411 : f32 to vector<16xf32>
        %parallel_loop3A_625 = arith.cmpf olt, %parallel_loop3A_585, %parallel_loop3A_624 : vector<16xf32>
        %parallel_loop3A_626 = arith.constant 0.000000e+00 : f32
        %parallel_loop3A_627 = vector.broadcast %parallel_loop3A_626 : f32 to vector<16xf32>
        %parallel_loop3A_628 = arith.select %parallel_loop3A_625, %parallel_loop3A_587, %parallel_loop3A_627 : vector<16xi1>, vector<16xf32>
        %parallel_loop3A_629 = arith.addf %parallel_loop3A_580, %parallel_loop3A_628 : vector<16xf32>
        %parallel_loop3A_630 = vector.broadcast %squeeze3A_413 : f32 to vector<16xf32>
        %parallel_loop3A_631 = arith.cmpf olt, %parallel_loop3A_585, %parallel_loop3A_630 : vector<16xf32>
        %parallel_loop3A_632 = arith.constant 0.000000e+00 : f32
        %parallel_loop3A_633 = vector.broadcast %parallel_loop3A_632 : f32 to vector<16xf32>
        %parallel_loop3A_634 = arith.select %parallel_loop3A_631, %parallel_loop3A_587, %parallel_loop3A_633 : vector<16xi1>, vector<16xf32>
        %parallel_loop3A_635 = arith.addf %parallel_loop3A_581, %parallel_loop3A_634 : vector<16xf32>
        scf.yield %parallel_loop3A_593, %parallel_loop3A_599, %parallel_loop3A_605, %parallel_loop3A_611, %parallel_loop3A_617, %parallel_loop3A_623, %parallel_loop3A_629, %parallel_loop3A_635 : vector<16xf32>, vector<16xf32>, vector<16xf32>, vector<16xf32>, vector<16xf32>, vector<16xf32>, vector<16xf32>, vector<16xf32>
      } {sc.loop_unroll_factor = 2 : i64, sc.parallel_access}
      %add3A_449 = arith.constant 1 : i32
      %add3A_450 = arith.addi %while3A_214, %add3A_449 : i32
      %parallel_loop3A_451 = arith.constant 1 : i32
      %parallel_loop3A_452:8 = scf.for %parallel_loop3A_573 = %add3A_450 to %select_n3A_144 step %parallel_loop3A_451 iter_args(%parallel_loop3A_574 = %parallel_loop3A_448#0, %parallel_loop3A_575 = %parallel_loop3A_448#1, %parallel_loop3A_576 = %parallel_loop3A_448#2, %parallel_loop3A_577 = %parallel_loop3A_448#3, %parallel_loop3A_578 = %parallel_loop3A_448#4, %parallel_loop3A_579 = %parallel_loop3A_448#5, %parallel_loop3A_580 = %parallel_loop3A_448#6, %parallel_loop3A_581 = %parallel_loop3A_448#7) -> (vector<16xf32>, vector<16xf32>, vector<16xf32>, vector<16xf32>, vector<16xf32>, vector<16xf32>, vector<16xf32>, vector<16xf32>)  : i32 {
        %parallel_loop3A_582 = arith.constant 16 : i32
        %parallel_loop3A_583 = arith.muli %parallel_loop3A_573, %parallel_loop3A_582 : i32
        %parallel_loop3A_584 = arith.index_cast %parallel_loop3A_583 : i32 to index
        %parallel_loop3A_585 = tpu.vector_load %arg15[%parallel_loop3A_584] {strides = array<i32>} : memref<3344xf32, #tpu.memory_space<vmem>>, vector<16xf32>,
        %parallel_loop3A_586 = arith.index_cast %parallel_loop3A_583 : i32 to index
        %parallel_loop3A_587 = tpu.vector_load %arg16[%parallel_loop3A_586] {strides = array<i32>} : memref<3344xf32, #tpu.memory_space<vmem>>, vector<16xf32>,
        %parallel_loop3A_588 = vector.broadcast %squeeze3A_399 : f32 to vector<16xf32>
        %parallel_loop3A_589 = arith.cmpf ole, %parallel_loop3A_585, %parallel_loop3A_588 : vector<16xf32>
        %parallel_loop3A_590 = arith.constant 0.000000e+00 : f32
        %parallel_loop3A_591 = vector.broadcast %parallel_loop3A_590 : f32 to vector<16xf32>
        %parallel_loop3A_592 = arith.select %parallel_loop3A_589, %parallel_loop3A_587, %parallel_loop3A_591 : vector<16xi1>, vector<16xf32>
        %parallel_loop3A_593 = arith.addf %parallel_loop3A_574, %parallel_loop3A_592 : vector<16xf32>
        %parallel_loop3A_594 = vector.broadcast %squeeze3A_401 : f32 to vector<16xf32>
        %parallel_loop3A_595 = arith.cmpf ole, %parallel_loop3A_585, %parallel_loop3A_594 : vector<16xf32>
        %parallel_loop3A_596 = arith.constant 0.000000e+00 : f32
        %parallel_loop3A_597 = vector.broadcast %parallel_loop3A_596 : f32 to vector<16xf32>
        %parallel_loop3A_598 = arith.select %parallel_loop3A_595, %parallel_loop3A_587, %parallel_loop3A_597 : vector<16xi1>, vector<16xf32>
        %parallel_loop3A_599 = arith.addf %parallel_loop3A_575, %parallel_loop3A_598 : vector<16xf32>
        %parallel_loop3A_600 = vector.broadcast %squeeze3A_403 : f32 to vector<16xf32>
        %parallel_loop3A_601 = arith.cmpf ole, %parallel_loop3A_585, %parallel_loop3A_600 : vector<16xf32>
        %parallel_loop3A_602 = arith.constant 0.000000e+00 : f32
        %parallel_loop3A_603 = vector.broadcast %parallel_loop3A_602 : f32 to vector<16xf32>
        %parallel_loop3A_604 = arith.select %parallel_loop3A_601, %parallel_loop3A_587, %parallel_loop3A_603 : vector<16xi1>, vector<16xf32>
        %parallel_loop3A_605 = arith.addf %parallel_loop3A_576, %parallel_loop3A_604 : vector<16xf32>
        %parallel_loop3A_606 = vector.broadcast %squeeze3A_405 : f32 to vector<16xf32>
        %parallel_loop3A_607 = arith.cmpf ole, %parallel_loop3A_585, %parallel_loop3A_606 : vector<16xf32>
        %parallel_loop3A_608 = arith.constant 0.000000e+00 : f32
        %parallel_loop3A_609 = vector.broadcast %parallel_loop3A_608 : f32 to vector<16xf32>
        %parallel_loop3A_610 = arith.select %parallel_loop3A_607, %parallel_loop3A_587, %parallel_loop3A_609 : vector<16xi1>, vector<16xf32>
        %parallel_loop3A_611 = arith.addf %parallel_loop3A_577, %parallel_loop3A_610 : vector<16xf32>
        %parallel_loop3A_612 = vector.broadcast %squeeze3A_407 : f32 to vector<16xf32>
        %parallel_loop3A_613 = arith.cmpf ole, %parallel_loop3A_585, %parallel_loop3A_612 : vector<16xf32>
        %parallel_loop3A_614 = arith.constant 0.000000e+00 : f32
        %parallel_loop3A_615 = vector.broadcast %parallel_loop3A_614 : f32 to vector<16xf32>
        %parallel_loop3A_616 = arith.select %parallel_loop3A_613, %parallel_loop3A_587, %parallel_loop3A_615 : vector<16xi1>, vector<16xf32>
        %parallel_loop3A_617 = arith.addf %parallel_loop3A_578, %parallel_loop3A_616 : vector<16xf32>
        %parallel_loop3A_618 = vector.broadcast %squeeze3A_409 : f32 to vector<16xf32>
        %parallel_loop3A_619 = arith.cmpf ole, %parallel_loop3A_585, %parallel_loop3A_618 : vector<16xf32>
        %parallel_loop3A_620 = arith.constant 0.000000e+00 : f32
        %parallel_loop3A_621 = vector.broadcast %parallel_loop3A_620 : f32 to vector<16xf32>
        %parallel_loop3A_622 = arith.select %parallel_loop3A_619, %parallel_loop3A_587, %parallel_loop3A_621 : vector<16xi1>, vector<16xf32>
        %parallel_loop3A_623 = arith.addf %parallel_loop3A_579, %parallel_loop3A_622 : vector<16xf32>
        %parallel_loop3A_624 = vector.broadcast %squeeze3A_411 : f32 to vector<16xf32>
        %parallel_loop3A_625 = arith.cmpf ole, %parallel_loop3A_585, %parallel_loop3A_624 : vector<16xf32>
        %parallel_loop3A_626 = arith.constant 0.000000e+00 : f32
        %parallel_loop3A_627 = vector.broadcast %parallel_loop3A_626 : f32 to vector<16xf32>
        %parallel_loop3A_628 = arith.select %parallel_loop3A_625, %parallel_loop3A_587, %parallel_loop3A_627 : vector<16xi1>, vector<16xf32>
        %parallel_loop3A_629 = arith.addf %parallel_loop3A_580, %parallel_loop3A_628 : vector<16xf32>
        %parallel_loop3A_630 = vector.broadcast %squeeze3A_413 : f32 to vector<16xf32>
        %parallel_loop3A_631 = arith.cmpf ole, %parallel_loop3A_585, %parallel_loop3A_630 : vector<16xf32>
        %parallel_loop3A_632 = arith.constant 0.000000e+00 : f32
        %parallel_loop3A_633 = vector.broadcast %parallel_loop3A_632 : f32 to vector<16xf32>
        %parallel_loop3A_634 = arith.select %parallel_loop3A_631, %parallel_loop3A_587, %parallel_loop3A_633 : vector<16xi1>, vector<16xf32>
        %parallel_loop3A_635 = arith.addf %parallel_loop3A_581, %parallel_loop3A_634 : vector<16xf32>
        scf.yield %parallel_loop3A_593, %parallel_loop3A_599, %parallel_loop3A_605, %parallel_loop3A_611, %parallel_loop3A_617, %parallel_loop3A_623, %parallel_loop3A_629, %parallel_loop3A_635 : vector<16xf32>, vector<16xf32>, vector<16xf32>, vector<16xf32>, vector<16xf32>, vector<16xf32>, vector<16xf32>, vector<16xf32>
      } {sc.loop_unroll_factor = 2 : i64, sc.parallel_access}
      %lt3A_453 = vector.broadcast %squeeze3A_399 : f32 to vector<16xf32>
      %lt3A_454 = arith.cmpf olt, %get3A_219, %lt3A_453 : vector<16xf32>
      %eq3A_455 = vector.broadcast %squeeze3A_399 : f32 to vector<16xf32>
      %eq3A_456 = arith.cmpf oeq, %get3A_219, %eq3A_455 : vector<16xf32>
      %gt3A_457 = vector.broadcast %squeeze3A_431 : i32 to vector<16xi32>
      %gt3A_458 = arith.cmpi sgt, %get3A_223, %gt3A_457 : vector<16xi32>
      %and3A_459 = arith.andi %eq3A_456, %gt3A_458 : vector<16xi1>
      %or3A_460 = arith.ori %lt3A_454, %and3A_459 : vector<16xi1>
      %jit3A_461 = arith.constant 0.000000e+00 : f32
      %broadcast_in_dim3A_462 = vector.broadcast %jit3A_461 : f32 to vector<16xf32>
      %select_n3A_463 = arith.select %or3A_460, %get3A_225, %broadcast_in_dim3A_462 : vector<16xi1>, vector<16xf32>
      %add3A_464 = arith.addf %parallel_loop3A_452#0, %select_n3A_463 : vector<16xf32>
      %mul3A_465 = vector.broadcast %squeeze3A_415 : f32 to vector<16xf32>
      %mul3A_466 = arith.mulf %mul3A_465, %add3A_464 : vector<16xf32>
      %add3A_467 = arith.addf %add3A_397, %mul3A_466 : vector<16xf32>
      %lt3A_468 = vector.broadcast %squeeze3A_401 : f32 to vector<16xf32>
      %lt3A_469 = arith.cmpf olt, %get3A_219, %lt3A_468 : vector<16xf32>
      %eq3A_470 = vector.broadcast %squeeze3A_401 : f32 to vector<16xf32>
      %eq3A_471 = arith.cmpf oeq, %get3A_219, %eq3A_470 : vector<16xf32>
      %gt3A_472 = vector.broadcast %squeeze3A_433 : i32 to vector<16xi32>
      %gt3A_473 = arith.cmpi sgt, %get3A_223, %gt3A_472 : vector<16xi32>
      %and3A_474 = arith.andi %eq3A_471, %gt3A_473 : vector<16xi1>
      %or3A_475 = arith.ori %lt3A_469, %and3A_474 : vector<16xi1>
      %jit3A_476 = arith.constant 0.000000e+00 : f32
      %broadcast_in_dim3A_477 = vector.broadcast %jit3A_476 : f32 to vector<16xf32>
      %select_n3A_478 = arith.select %or3A_475, %get3A_225, %broadcast_in_dim3A_477 : vector<16xi1>, vector<16xf32>
      %add3A_479 = arith.addf %parallel_loop3A_452#1, %select_n3A_478 : vector<16xf32>
      %mul3A_480 = vector.broadcast %squeeze3A_417 : f32 to vector<16xf32>
      %mul3A_481 = arith.mulf %mul3A_480, %add3A_479 : vector<16xf32>
      %add3A_482 = arith.addf %add3A_467, %mul3A_481 : vector<16xf32>
      %lt3A_483 = vector.broadcast %squeeze3A_403 : f32 to vector<16xf32>
      %lt3A_484 = arith.cmpf olt, %get3A_219, %lt3A_483 : vector<16xf32>
      %eq3A_485 = vector.broadcast %squeeze3A_403 : f32 to vector<16xf32>
      %eq3A_486 = arith.cmpf oeq, %get3A_219, %eq3A_485 : vector<16xf32>
      %gt3A_487 = vector.broadcast %squeeze3A_435 : i32 to vector<16xi32>
      %gt3A_488 = arith.cmpi sgt, %get3A_223, %gt3A_487 : vector<16xi32>
      %and3A_489 = arith.andi %eq3A_486, %gt3A_488 : vector<16xi1>
      %or3A_490 = arith.ori %lt3A_484, %and3A_489 : vector<16xi1>
      %jit3A_491 = arith.constant 0.000000e+00 : f32
      %broadcast_in_dim3A_492 = vector.broadcast %jit3A_491 : f32 to vector<16xf32>
      %select_n3A_493 = arith.select %or3A_490, %get3A_225, %broadcast_in_dim3A_492 : vector<16xi1>, vector<16xf32>
      %add3A_494 = arith.addf %parallel_loop3A_452#2, %select_n3A_493 : vector<16xf32>
      %mul3A_495 = vector.broadcast %squeeze3A_419 : f32 to vector<16xf32>
      %mul3A_496 = arith.mulf %mul3A_495, %add3A_494 : vector<16xf32>
      %add3A_497 = arith.addf %add3A_482, %mul3A_496 : vector<16xf32>
      %lt3A_498 = vector.broadcast %squeeze3A_405 : f32 to vector<16xf32>
      %lt3A_499 = arith.cmpf olt, %get3A_219, %lt3A_498 : vector<16xf32>
      %eq3A_500 = vector.broadcast %squeeze3A_405 : f32 to vector<16xf32>
      %eq3A_501 = arith.cmpf oeq, %get3A_219, %eq3A_500 : vector<16xf32>
      %gt3A_502 = vector.broadcast %squeeze3A_437 : i32 to vector<16xi32>
      %gt3A_503 = arith.cmpi sgt, %get3A_223, %gt3A_502 : vector<16xi32>
      %and3A_504 = arith.andi %eq3A_501, %gt3A_503 : vector<16xi1>
      %or3A_505 = arith.ori %lt3A_499, %and3A_504 : vector<16xi1>
      %jit3A_506 = arith.constant 0.000000e+00 : f32
      %broadcast_in_dim3A_507 = vector.broadcast %jit3A_506 : f32 to vector<16xf32>
      %select_n3A_508 = arith.select %or3A_505, %get3A_225, %broadcast_in_dim3A_507 : vector<16xi1>, vector<16xf32>
      %add3A_509 = arith.addf %parallel_loop3A_452#3, %select_n3A_508 : vector<16xf32>
      %mul3A_510 = vector.broadcast %squeeze3A_421 : f32 to vector<16xf32>
      %mul3A_511 = arith.mulf %mul3A_510, %add3A_509 : vector<16xf32>
      %add3A_512 = arith.addf %add3A_497, %mul3A_511 : vector<16xf32>
      %lt3A_513 = vector.broadcast %squeeze3A_407 : f32 to vector<16xf32>
      %lt3A_514 = arith.cmpf olt, %get3A_219, %lt3A_513 : vector<16xf32>
      %eq3A_515 = vector.broadcast %squeeze3A_407 : f32 to vector<16xf32>
      %eq3A_516 = arith.cmpf oeq, %get3A_219, %eq3A_515 : vector<16xf32>
      %gt3A_517 = vector.broadcast %squeeze3A_439 : i32 to vector<16xi32>
      %gt3A_518 = arith.cmpi sgt, %get3A_223, %gt3A_517 : vector<16xi32>
      %and3A_519 = arith.andi %eq3A_516, %gt3A_518 : vector<16xi1>
      %or3A_520 = arith.ori %lt3A_514, %and3A_519 : vector<16xi1>
      %jit3A_521 = arith.constant 0.000000e+00 : f32
      %broadcast_in_dim3A_522 = vector.broadcast %jit3A_521 : f32 to vector<16xf32>
      %select_n3A_523 = arith.select %or3A_520, %get3A_225, %broadcast_in_dim3A_522 : vector<16xi1>, vector<16xf32>
      %add3A_524 = arith.addf %parallel_loop3A_452#4, %select_n3A_523 : vector<16xf32>
      %mul3A_525 = vector.broadcast %squeeze3A_423 : f32 to vector<16xf32>
      %mul3A_526 = arith.mulf %mul3A_525, %add3A_524 : vector<16xf32>
      %add3A_527 = arith.addf %add3A_512, %mul3A_526 : vector<16xf32>
      %lt3A_528 = vector.broadcast %squeeze3A_409 : f32 to vector<16xf32>
      %lt3A_529 = arith.cmpf olt, %get3A_219, %lt3A_528 : vector<16xf32>
      %eq3A_530 = vector.broadcast %squeeze3A_409 : f32 to vector<16xf32>
      %eq3A_531 = arith.cmpf oeq, %get3A_219, %eq3A_530 : vector<16xf32>
      %gt3A_532 = vector.broadcast %squeeze3A_441 : i32 to vector<16xi32>
      %gt3A_533 = arith.cmpi sgt, %get3A_223, %gt3A_532 : vector<16xi32>
      %and3A_534 = arith.andi %eq3A_531, %gt3A_533 : vector<16xi1>
      %or3A_535 = arith.ori %lt3A_529, %and3A_534 : vector<16xi1>
      %jit3A_536 = arith.constant 0.000000e+00 : f32
      %broadcast_in_dim3A_537 = vector.broadcast %jit3A_536 : f32 to vector<16xf32>
      %select_n3A_538 = arith.select %or3A_535, %get3A_225, %broadcast_in_dim3A_537 : vector<16xi1>, vector<16xf32>
      %add3A_539 = arith.addf %parallel_loop3A_452#5, %select_n3A_538 : vector<16xf32>
      %mul3A_540 = vector.broadcast %squeeze3A_425 : f32 to vector<16xf32>
      %mul3A_541 = arith.mulf %mul3A_540, %add3A_539 : vector<16xf32>
      %add3A_542 = arith.addf %add3A_527, %mul3A_541 : vector<16xf32>
      %lt3A_543 = vector.broadcast %squeeze3A_411 : f32 to vector<16xf32>
      %lt3A_544 = arith.cmpf olt, %get3A_219, %lt3A_543 : vector<16xf32>
      %eq3A_545 = vector.broadcast %squeeze3A_411 : f32 to vector<16xf32>
      %eq3A_546 = arith.cmpf oeq, %get3A_219, %eq3A_545 : vector<16xf32>
      %gt3A_547 = vector.broadcast %squeeze3A_443 : i32 to vector<16xi32>
      %gt3A_548 = arith.cmpi sgt, %get3A_223, %gt3A_547 : vector<16xi32>
      %and3A_549 = arith.andi %eq3A_546, %gt3A_548 : vector<16xi1>
      %or3A_550 = arith.ori %lt3A_544, %and3A_549 : vector<16xi1>
      %jit3A_551 = arith.constant 0.000000e+00 : f32
      %broadcast_in_dim3A_552 = vector.broadcast %jit3A_551 : f32 to vector<16xf32>
      %select_n3A_553 = arith.select %or3A_550, %get3A_225, %broadcast_in_dim3A_552 : vector<16xi1>, vector<16xf32>
      %add3A_554 = arith.addf %parallel_loop3A_452#6, %select_n3A_553 : vector<16xf32>
      %mul3A_555 = vector.broadcast %squeeze3A_427 : f32 to vector<16xf32>
      %mul3A_556 = arith.mulf %mul3A_555, %add3A_554 : vector<16xf32>
      %add3A_557 = arith.addf %add3A_542, %mul3A_556 : vector<16xf32>
      %lt3A_558 = vector.broadcast %squeeze3A_413 : f32 to vector<16xf32>
      %lt3A_559 = arith.cmpf olt, %get3A_219, %lt3A_558 : vector<16xf32>
      %eq3A_560 = vector.broadcast %squeeze3A_413 : f32 to vector<16xf32>
      %eq3A_561 = arith.cmpf oeq, %get3A_219, %eq3A_560 : vector<16xf32>
      %gt3A_562 = vector.broadcast %squeeze3A_445 : i32 to vector<16xi32>
      %gt3A_563 = arith.cmpi sgt, %get3A_223, %gt3A_562 : vector<16xi32>
      %and3A_564 = arith.andi %eq3A_561, %gt3A_563 : vector<16xi1>
      %or3A_565 = arith.ori %lt3A_559, %and3A_564 : vector<16xi1>
      %jit3A_566 = arith.constant 0.000000e+00 : f32
      %broadcast_in_dim3A_567 = vector.broadcast %jit3A_566 : f32 to vector<16xf32>
      %select_n3A_568 = arith.select %or3A_565, %get3A_225, %broadcast_in_dim3A_567 : vector<16xi1>, vector<16xf32>
      %add3A_569 = arith.addf %parallel_loop3A_452#7, %select_n3A_568 : vector<16xf32>
      %mul3A_570 = vector.broadcast %squeeze3A_429 : f32 to vector<16xf32>
      %mul3A_571 = arith.mulf %mul3A_570, %add3A_569 : vector<16xf32>
      %add3A_572 = arith.addf %add3A_557, %mul3A_571 : vector<16xf32>
      scf.yield %add3A_572 : vector<16xf32>
    }
    %swap3A_209 = arith.constant 0 : index
    %swap3A_210 = tpu.vector_load %arg19[%swap3A_209] {strides = array<i32>} : memref<16xf32, #tpu.memory_space<vmem>>, vector<16xf32>,
    tpu.vector_store %arg19[%swap3A_209], %while3A_208 {strides = array<i32>} : memref<16xf32, #tpu.memory_space<vmem>>, vector<16xf32>,
    %convert_element_type3A = arith.sitofp %scan3A_112 : i32 to f32
    %broadcast_in_dim3A_211 = vector.broadcast %convert_element_type3A : f32 to vector<16xf32>
    %swap3A_212 = arith.constant 0 : index
    %swap3A_213 = tpu.vector_load %arg20[%swap3A_212] {strides = array<i32>} : memref<16xf32, #tpu.memory_space<vmem>>, vector<16xf32>,
    tpu.vector_store %arg20[%swap3A_212], %broadcast_in_dim3A_211 {strides = array<i32>} : memref<16xf32, #tpu.memory_space<vmem>>, vector<16xf32>,
    "tpu.region"() ({
      %run_scoped3A_214 = tpu.sem_alloc : memref<!tpu.dma_semaphore, #tpu.memory_space<semaphore_mem>>
      %dma_start3A = arith.constant 0 : i32
      %dma_start3A_215 = tpu.memref_slice %arg6[%add3A, %dma_start3A] : memref<32x16xf32, #tpu.memory_space<hbm>> -> memref<1x16xf32, #tpu.memory_space<hbm>>
      %dma_start3A_216 = tpu.memref_squeeze %dma_start3A_215 : memref<1x16xf32, #tpu.memory_space<hbm>> -> memref<16xf32, #tpu.memory_space<hbm>>
      %dma_start3A_217 = arith.constant 0 : i32
      %dma_start3A_218 = tpu.memref_slice %arg6[%add3A, %dma_start3A_217] : memref<32x16xf32, #tpu.memory_space<hbm>> -> memref<1x16xf32, #tpu.memory_space<hbm>>
      %dma_start3A_219 = tpu.memref_squeeze %dma_start3A_218 : memref<1x16xf32, #tpu.memory_space<hbm>> -> memref<16xf32, #tpu.memory_space<hbm>>
      tpu.enqueue_dma source(%arg19 : memref<16xf32, #tpu.memory_space<vmem>>) target(%dma_start3A_219 : memref<16xf32, #tpu.memory_space<hbm>>) target_semaphore(%run_scoped3A_214 : memref<!tpu.dma_semaphore, #tpu.memory_space<semaphore_mem>>)
      %dma_wait3A = arith.constant 0 : i32
      %dma_wait3A_220 = tpu.memref_slice %arg6[%add3A, %dma_wait3A] : memref<32x16xf32, #tpu.memory_space<hbm>> -> memref<1x16xf32, #tpu.memory_space<hbm>>
      %dma_wait3A_221 = tpu.memref_squeeze %dma_wait3A_220 : memref<1x16xf32, #tpu.memory_space<hbm>> -> memref<16xf32, #tpu.memory_space<hbm>>
      %dma_wait3A_222 = arith.constant 0 : i32
      %dma_wait3A_223 = tpu.memref_slice %arg6[%add3A, %dma_wait3A_222] : memref<32x16xf32, #tpu.memory_space<hbm>> -> memref<1x16xf32, #tpu.memory_space<hbm>>
      %dma_wait3A_224 = tpu.memref_squeeze %dma_wait3A_223 : memref<1x16xf32, #tpu.memory_space<hbm>> -> memref<16xf32, #tpu.memory_space<hbm>>
      tpu.wait_dma2 semaphore(%run_scoped3A_214 : memref<!tpu.dma_semaphore, #tpu.memory_space<semaphore_mem>>) src(%arg19 : memref<16xf32, #tpu.memory_space<vmem>>) dst(%dma_wait3A_224 : memref<16xf32, #tpu.memory_space<hbm>>)
      tpu.yield
    }) : () -> ()
    "tpu.region"() ({
      %run_scoped3A_214 = tpu.sem_alloc : memref<!tpu.dma_semaphore, #tpu.memory_space<semaphore_mem>>
      %dma_start3A = arith.constant 0 : i32
      %dma_start3A_215 = tpu.memref_slice %arg7[%add3A, %dma_start3A] : memref<32x16xf32, #tpu.memory_space<hbm>> -> memref<1x16xf32, #tpu.memory_space<hbm>>
      %dma_start3A_216 = tpu.memref_squeeze %dma_start3A_215 : memref<1x16xf32, #tpu.memory_space<hbm>> -> memref<16xf32, #tpu.memory_space<hbm>>
      %dma_start3A_217 = arith.constant 0 : i32
      %dma_start3A_218 = tpu.memref_slice %arg7[%add3A, %dma_start3A_217] : memref<32x16xf32, #tpu.memory_space<hbm>> -> memref<1x16xf32, #tpu.memory_space<hbm>>
      %dma_start3A_219 = tpu.memref_squeeze %dma_start3A_218 : memref<1x16xf32, #tpu.memory_space<hbm>> -> memref<16xf32, #tpu.memory_space<hbm>>
      tpu.enqueue_dma source(%arg20 : memref<16xf32, #tpu.memory_space<vmem>>) target(%dma_start3A_219 : memref<16xf32, #tpu.memory_space<hbm>>) target_semaphore(%run_scoped3A_214 : memref<!tpu.dma_semaphore, #tpu.memory_space<semaphore_mem>>)
      %dma_wait3A = arith.constant 0 : i32
      %dma_wait3A_220 = tpu.memref_slice %arg7[%add3A, %dma_wait3A] : memref<32x16xf32, #tpu.memory_space<hbm>> -> memref<1x16xf32, #tpu.memory_space<hbm>>
      %dma_wait3A_221 = tpu.memref_squeeze %dma_wait3A_220 : memref<1x16xf32, #tpu.memory_space<hbm>> -> memref<16xf32, #tpu.memory_space<hbm>>
      %dma_wait3A_222 = arith.constant 0 : i32
      %dma_wait3A_223 = tpu.memref_slice %arg7[%add3A, %dma_wait3A_222] : memref<32x16xf32, #tpu.memory_space<hbm>> -> memref<1x16xf32, #tpu.memory_space<hbm>>
      %dma_wait3A_224 = tpu.memref_squeeze %dma_wait3A_223 : memref<1x16xf32, #tpu.memory_space<hbm>> -> memref<16xf32, #tpu.memory_space<hbm>>
      tpu.wait_dma2 semaphore(%run_scoped3A_214 : memref<!tpu.dma_semaphore, #tpu.memory_space<semaphore_mem>>) src(%arg20 : memref<16xf32, #tpu.memory_space<vmem>>) dst(%dma_wait3A_224 : memref<16xf32, #tpu.memory_space<hbm>>)
      tpu.yield
    }) : () -> ()
    return
  }
}

</mosaic_0001>

<sc_bundles>
// kernel: kernel.3.cloned.1.call-start
scs
__scs_entry_jumppad:
0x0: {  	(pc) =	sbr.rel $0x88, $3  }
0x1: {  	(tag) =	ssettag $0x0;
	lr =	simm.s32 $0x1  }
0x2: {  	[smem:$0x3F9D] =	sst lr;
	_ =	strace $0xD0000000  }
0x3: {  	_ = 	snop  }
0x4: {  	_ = 	snop  }
0x5: {  	_ = 	snop  }
0x6: {  	_ = 	snop  }
0x7: {  	_ = 	snop  }
__scs_overlays_trampoline_lowered:
0x8: {  	[smem:$0x3FAC] =	sst s0  }
0x9: {  	[smem:$0x3FAD] =	sst s1  }
0xa: {  	[smem:$0x3FAE] =	sst s2  }
0xb: {  	[smem:$0x3FAF] =	sst s3  }
0xc: {  	[smem:$0x3FB0] =	sst s4  }
0xd: {  	[smem:$0x3FB1] =	sst s5  }
0xe: {  	[smem:$0x3FB2] =	sst s6  }
0xf: {  	[smem:$0x3FB3] =	sst s7  }
0x10: {  	[smem:$0x3FB4] =	sst s8  }
0x11: {  	[smem:$0x3FB5] =	sst s9;
	s0 =	simm.s32 @!p0 $0x0  }
0x12: {  	s1 =	sld [smem:$0x3F9B];
	s0 =	simm.s32 @p0 $0x1  }
0x13: {  	[smem:$0x3FB6] =	sst s0;
	s0 =	simm.s32 @!p1 $0x0  }
0x14: {  	s2 =	sld [smem:$0x3F9A];
	s0 =	simm.s32 @p1 $0x1  }
0x15: {  	[smem:$0x3FB7] =	sst s0;
	s0 =	simm.s32 @!p2 $0x0  }
0x16: {  	s3 =	sld [smem:$0x3FDB];
	s0 =	simm.s32 @p2 $0x1  }
0x17: {  	s4 =	simm.s32 $0x1BF5;
	[smem:$0x3FB9] =	sst s0  }
0x18: {  	s0 =	sld [smem:$0x3F9C];
	_ =	swait.ge [sflag:s4], $0x0  }
0x19: {  	s7 =	sld [smem:$0x3F9D]  }
0x1a: {  	s8 =	sadd.s32 $0xFFFFE003, lr  }
0x1b: {  	s9 =	sadd.s32 $0xFFFFFEF7, lr;
	s5 =	simm.s32 $0xFFFFFFFF;
	p2 =	slt.u32 s8, $0xFFFFF086  }
0x1c: {  	p1 =	slt.u32 s9, $0xF7A;
	s5 =	simm.s32 @!p2 $0x0  }
0x1d: {  	s5 =	simm.s32 @p1 $0x1;
	p0 =	seq.s32 s7, s2  }
0x1e: {  	s7 =	smul.u32 @!p0 $0xF7A, s2;
	p2 =	seq.s32 @!p0 s5, $0x0  }
0x1f: {  	s9 =	smul.u32 $0xF7A, s1;
	s8 =	simm.s32 @!p0 $0x1BF5;
	p2 =	por !p2, p0  }
0x20: {  	[sflag:s8] =	ssyncset.s32 @!p0 $0xFFFFF086;
	s6 =	sadd.s32 @!p0 s3, s7;
	s7 =	simm.s32 @!p0 $0x108  }
0x21: {  	s3 =	sadd.s32 s3, s9;
	s6 =	sadd.s32 @!p0 $0x88, s6;
	s7 =	simm.s32 @p2 $0x1082  }
0x22: {  	[simem:s7], [sflag:s8] =	dma.local @!p0 [hbm:s6], $0xF7A  }
0x23: {  	s9 =	sor.u32 $0xD0000000, s2;
	s6 =	simm.s32 $0x108;
	_ =	swait.ge @!p0 [sflag:s8], $0x0  }
0x24: {  	s3 =	sadd.s32 $0x88, s3;
	s6 =	simm.s32 @!p1 $0x1082;
	[sflag:s4] =	ssyncset.s32 $0xFFFFF086  }
0x25: {  	[simem:s6], [sflag:s4] =	dma.local [hbm:s3], $0xF7A  }
0x26: {  	[smem:$0x3F9D] =	sst s1;
	(tag) =	ssettag s2;
	_ =	strace s9  }
0x27: {  	s1 =	sld [smem:$0x3FAD]  }
0x28: {  	s2 =	sld [smem:$0x3FAE]  }
0x29: {  	s4 =	sld [smem:$0x3FB0]  }
0x2a: {  	p0 =	seq.s32 s5, $0x0;
	s5 =	sld [smem:$0x3FB1]  }
0x2b: {  	s6 =	sld [smem:$0x3FB2]  }
0x2c: {  	s7 =	sld [smem:$0x3FB3]  }
0x2d: {  	s3 =	simm.s32 $0x108;
	s8 =	sld [smem:$0x3FB4]  }
0x2e: {  	s3 =	simm.s32 @!p0 $0x1082;
	s9 =	sld [smem:$0x3FB5]  }
0x2f: {  	lr =	sadd.s32 s0, s3;
	s0 =	sld [smem:$0x3FAC]  }
0x30: {  	s3 =	sld [smem:$0x3FAF]  }
0x31: {  	[smem:$0x3FB8] =	sst s10  }
0x32: {  	s10 =	sld [smem:$0x3FB6];
	_ =	sdelay $0x3  }
0x33: {  	p0 =	seq.s32 s10, $0x1;
	s10 =	sld [smem:$0x3FB8];
	_ =	sdelay $0x3  }
0x34: {  	[smem:$0x3FB8] =	sst s10  }
0x35: {  	s10 =	sld [smem:$0x3FB7];
	_ =	sdelay $0x3  }
0x36: {  	p1 =	seq.s32 s10, $0x1;
	s10 =	sld [smem:$0x3FB8];
	_ =	sdelay $0x3  }
0x37: {  	[smem:$0x3FB8] =	sst s10  }
0x38: {  	s10 =	sld [smem:$0x3FB9]  }
0x39: {  	_ = 	snop;
	(pc) =	sbr.ind lr, $3  }
0x3a: {  	_ = 	snop  }
0x3b: {  	_ = 	snop  }
0x3c: {  	p2 =	seq.s32 s10, $0x1;
	s10 =	sld [smem:$0x3FB8]  }
0x3d: {  	_ =	shalt  }
0x3e: {  	_ =	shalt  }
0x3f: {  	_ =	shalt  }
0x40: {  	_ =	shalt  }
0x41: {  	_ =	shalt  }
0x42: {  	_ =	shalt  }
0x43: {  	_ =	shalt  }
0x44: {  	_ =	shalt  }
0x45: {  	_ =	shalt  }
0x46: {  	_ =	shalt  }
0x47: {  	_ =	shalt  }
0x48: {  	_ =	shalt  }
0x49: {  	_ =	shalt  }
0x4a: {  	_ =	shalt  }
0x4b: {  	_ =	shalt  }
0x4c: {  	_ =	shalt  }
0x4d: {  	_ =	shalt  }
0x4e: {  	_ =	shalt  }
0x4f: {  	_ =	shalt  }
0x50: {  	_ =	shalt  }
0x51: {  	_ =	shalt  }
0x52: {  	_ =	shalt  }
0x53: {  	_ =	shalt  }
0x54: {  	_ =	shalt  }
0x55: {  	_ =	shalt  }
0x56: {  	_ =	shalt  }
0x57: {  	_ =	shalt  }
0x58: {  	_ =	shalt  }
0x59: {  	_ =	shalt  }
0x5a: {  	_ =	shalt  }
0x5b: {  	_ =	shalt  }
0x5c: {  	_ =	shalt  }
0x5d: {  	_ =	shalt  }
0x5e: {  	_ =	shalt  }
0x5f: {  	_ =	shalt  }
0x60: {  	_ =	shalt  }
0x61: {  	_ =	shalt  }
0x62: {  	_ =	shalt  }
0x63: {  	_ =	shalt  }
0x64: {  	_ =	shalt  }
0x65: {  	_ =	shalt  }
0x66: {  	_ =	shalt  }
0x67: {  	_ =	shalt  }
0x68: {  	_ =	shalt  }
0x69: {  	_ =	shalt  }
0x6a: {  	_ =	shalt  }
0x6b: {  	_ =	shalt  }
0x6c: {  	_ =	shalt  }
0x6d: {  	_ =	shalt  }
0x6e: {  	_ =	shalt  }
0x6f: {  	_ =	shalt  }
0x70: {  	_ =	shalt  }
0x71: {  	_ =	shalt  }
0x72: {  	_ =	shalt  }
0x73: {  	_ =	shalt  }
0x74: {  	_ =	shalt  }
0x75: {  	_ =	shalt  }
0x76: {  	_ =	shalt  }
0x77: {  	_ =	shalt  }
0x78: {  	_ =	shalt  }
0x79: {  	_ =	shalt  }
0x7a: {  	_ =	shalt  }
0x7b: {  	_ =	shalt  }
0x7c: {  	_ =	shalt  }
0x7d: {  	_ =	shalt  }
0x7e: {  	_ =	shalt  }
0x7f: {  	_ =	shalt  }
0x80: {  	_ =	shalt  }
0x81: {  	_ =	shalt  }
0x82: {  	_ =	shalt  }
0x83: {  	_ =	shalt  }
0x84: {  	_ =	shalt  }
0x85: {  	_ =	shalt  }
0x86: {  	_ =	shalt  }
0x87: {  	_ =	shalt  }
.Lfunc_end0:
.L_simem_size_0:
called_computation_lowered:
.L_overlay_start_0:
0x88: {  	s2 =	sld [smem:$0x3FD9]  }
0x89: {  	s3 =	sld [smem:$0x3FFE];
	_ =	sdelay $0x1  }
0x8a: {  	s1 =	srdreg.scid  }
0x8b: {  	s0 =	sand.u32 $0x1, s1  }
0x8c: {  	s16 =	sshll.u32 s0, $0xA;
	s2 =	sadd.s32 s3, s2  }
0x8d: {  	s2 =	sadd.s32 s2, s16  }
0x8e: {  	[smem:$0x3FC4] =	sst s2  }
0x8f: {  	_ = 	snop  }
0x90: {  	(tm) =	ssettm $0x1  }
0x91: {  	s17 =	sld [smem:$0x3FFB];
	_ =	sdelay $0x3  }
0x92: {  	_ =	strace s17  }
0x93: {  	s2 =	sld [smem:$0x3FFC];
	_ =	sdelay $0x3  }
0x94: {  	_ =	strace s2  }
0x95: {  	s2 =	sld [smem:$0x3FFD];
	_ =	sdelay $0x3  }
0x96: {  	_ =	strace s2  }
0x97: {  	_ =	strace $0x8FFFFFFF  }
0x98: {  	s18 =	sld [smem:$0x3FDB];
	_ =	sdelay $0x1  }
0x99: {  	s19 =	simm.s32 $_scs_section_size  }
0x9a: {  	s4 =	simm.s32 $_size__tile_overlayer_lowered;
	s5 =	simm.s32 $_tile_overlayer_lowered  }
0x9b: {  	s22 =	simm.s32 $0x1BFF;
	s21 =	sshll.u32 s5, $0x1;
	s2 =	sadd.s32 s19, s18  }
0x9c: {  	s6 =	simm.s32 $0x0;
	s20 =	sshll.u32 s4, $0x1;
	s4 =	sadd.s32 s21, s2  }
0x9d: {  	[timem:s6], [sflag:s22] =	dma.local [hbm:s4], s20  }
0x9e: {  	_ =	swait.ge [sflag:s22], s20  }
0x9f: {  	s3 =	ssub.s32 $0x0, s20;
	[sflag:s22] =	ssyncset.done $0x0  }
0xa0: {  	[sflag:s22] =	ssyncadd.s32 s3;
	_ =	sdelay $0x1  }
0xa1: {  	s23 =	simm.s32 $0x1B8B  }
0xa2: {  	_ =	swait.ge [sflag:s23], $0x1  }
0xa3: {  	[sflag:s23] =	ssyncset.done $0x0  }
0xa4: {  	s25 =	simm.s32 $0x1B8E;
	s24 =	sld [smem:$0x3FFE];
	[sflag:s23] =	ssyncadd.s32 $0xFFFFFFFF  }
0xa5: {  	s26 =	simm.s32 $execute0_lowered;
	[smem:$0x3FD2] =	sst s25  }
0xa6: {  	s4 =	sshll.u32 s26, $0x1;
	_ =	strace $0x80000046;
	[dreg:$0x1] =	wrdreg $0xFFFFFFFF  }
0xa7: {  	s28 =	simm.s32 $_size_execute0_lowered;
	s2 =	sadd.s32 s2, s4;
	[dreg:$0x0] =	wrdreg $0x0  }
0xa8: {  	s4 =	sshll.u32 s28, $0x1;
	[dreg:$0x2] =	wrdreg s2  }
0xa9: {  	[dreg:$0x3] =	wrdreg s4  }
0xaa: {  	[dreg:$0x4] =	wrdreg $0xC0  }
0xab: {  	_ =	task [dreg:s6], $0x5FFFF  }
0xac: {  	[dreg:$0x1] =	wrdreg $0xFFFFFFFF  }
0xad: {  	[dreg:$0x0] =	wrdreg $0x60  }
0xae: {  	[dreg:$0x2] =	wrdreg s24  }
0xaf: {  	[dreg:$0x3] =	wrdreg $0x9  }
0xb0: {  	_ =	task.clear_ibuf [dreg:s6], $0x4FFFF;
	_ =	strace $0x90000046  }
0xb1: {  	s29 =	simm.s32 $0x9;
	_ =	strace $0x80000048  }
0xb2: {  	_ =	swait.ge [sflag:s29], $0x1  }
0xb3: {  	[sflag:s29] =	ssyncadd.s32 $0xFFFFFFFF  }
0xb4: {  	_ =	strace $0x90000048  }
0xb5: {  	_ =	sfence  }
0xb6: {  	s30 =	sld [smem:$0x0];
	_ =	sdelay $0x2  }
0xb7: {  	s31 =	sshll.u32 s1, $0xD;
	s1 =	sshrl.u32 s1, $0x2  }
0xb8: {  	s3 =	sand.u32 $0x4000, s31;
	s1 =	sadd.s32 s1, s30  }
0xb9: {  	s0 =	sor.u32 s3, s0;
	s1 =	sshll.u32 s1, $0x11  }
0xba: {  	s0 =	sor.u32 s1, s0  }
0xbb: {  	s0 =	sadd.s32 $0x8F2B, s0  }
0xbc: {  	[sflag:s0] =	ssyncadd.remote.s32 $0x1  }
0xbd: {  	_ =	sfence.sel $0xFFFF  }
0xbe: {  	[dreg:$0x0] =	wrdreg $0xFFFFFFFF;
	(pc) =	sbr.abs _section_cstart, $3  }
0xbf: {  	[dreg:$0x1] =	wrdreg $0xFFFFFFFF  }
0xc0: {  	_ =	task.clear_ibuf [dreg:s6], $0x2FFFF;
	_ =	strace $0x9FFFFFFF  }
0xc1: {  	(tm) =	ssettm $0x7FFFFFFF  }
tec
execute0_lowered:
.L_overlay_start_1:
0x0: {  	(tag) =	ssettag $0x1  }
0x1: {  	s0 =	srdreg.scid;
	s3 =	stileid.u32  }
0x2: {  	s0 =	sand.u32 $0x1, s0;
	s1 =	sshll.u32 s3, $0x1  }
0x3: {  	s1 =	sor.u32 s0, s1  }
0x4: {  	p1 =	seq.s32 s0, $0x1;
	p0 =	seq.s32 s1, $0x0  }
0x5: {  	p0 =	por !p0, !p1  }
0x6: {  	s2 =	simm.s32 $0x1;
	p0 =	por !p0, !p0  }
0x7: {  	s2 =	simm.s32 @!p0 $0x0  }
0x8: {  	s6 =	rddreg [dreg:$0x0];
	s14 =	simm.s32 $0x80;
	s2 =	ssub.s32 s3, s2  }
0x9: {  	s17 =	simm.s32 $0x200;
	s30 =	simm.s32 $0x0;
	s3 =	sand.u32 $0x80, s2  }
0xa: {  	s21 =	ssub.s32 $0x2, s0;
	s1 =	sshll.u32 s1, $0x4;
	s3 =	sshrl.u32 s3, $0x7  }
0xb: {  	s23 =	sshrl.u32 s21, $0x1;
	s1 =	sadd.s32 s1, s6;
	s3 =	sadd.s32 s3, s2  }
0xc: {  	s24 =	ssub.s32 s21, s23;
	s23 =	simm.s32 $0x4E80;
	s4 =	sand.u32 $0xFFFFFFFE, s3  }
0xd: {  	v2 =	vimm.s32 $0xDCBA9876;
	v5 =	vimm.s32 $0xE40000;
	p1 =	seq.s32 s0, $0x0;
	s11 =	sadd.s32 $0x5200, s1;
	s5 =	ssub.s32 s2, s4  }
0xe: {  	v3 =	vimm.s32 $0x54321000;
	v2 =	vunpack.c.l.s4.s8 v2;
	v5 =	vunpack.c.l.s2.s4 v5;
	s12 =	sadd.s32 $0x5400, s1;
	p5 =	slt.s32 s2, $0x1;
	p6 =	sne.s32 s5, $0x0  }
0xf: {  	v3 =	vunpack.c.l.s4.s8 v3;
	s13 =	smax.u32 s24, $0x1;
	s24 =	simm.s32 $0x5C00;
	p0 =	por !p5, !p6  }
0x10: {  	v6 =	vimm.s32 $0x32100000;
	v2 =	vunpack.c.0.s8.s32 v2;
	v5 =	vunpack.c.l.s4.s8 v5;
	s2 =	simm.s32 $0x0;
	s4 =	simm.s32 $0x1;
	p0 =	por !p0, !p0  }
0x11: {  	v6 =	vunpack.c.l.s4.s8 v6;
	v3 =	vunpack.c.0.s8.s32 v3;
	s3 =	sshra.s32 s3, $0x1;
	[smem:$0x7FF] =	sst s2;
	s4 =	simm.s32 @!p0 $0x0  }
0x12: {  	v0 =	vimm.s32 $0xEDCBA987;
	v2 =	vand.u32 $0xF, v2;
	v5 =	vunpack.c.0.s8.s32 v5;
	s5 =	sand.u32 $0x1, s5;
	_ =	strace $0x80000047;
	s3 =	ssub.s32 s3, s4  }
0x13: {  	v2 =	vcombine.low v3, v2;
	v3 =	vunpack.c.0.s8.s32 v6;
	v6 =	vimm.s32 $0x7060504;
	s4 =	smul.u32 $0x3400, s3;
	s7 =	sshrl.u32 s3, $0x3;
	s3 =	sshll.u32 s3, $0x7  }
0x14: {  	v1 =	vimm.s32 $0x65432100;
	v4 =	vimm.s32 $0xBA987654;
	v6 =	vunpack.c.0.s8.s32 v6;
	p0 =	seq.s32 s5, $0x0;
	s8 =	sand.u32 $0x380, s3;
	s9 =	sshll.u32 s7, $0xA  }
0x15: {  	vm0 =	vmmov $0x3;
	vm2 =	vcmask $0x3F30;
	v5 =	vand.u32 $0x3, v5;
	s7 =	smul.u32 $0x6800, s7;
	s4 =	sshrl.u32 s4, $0x3;
	s9 =	sor.u32 s8, s9  }
0x16: {  	v0 =	vunpack.c.l.s4.s8 v0;
	v5 =	vsel vm2, v6, v5;
	v6 =	vimm.s32 $0x0;
	s3 =	simm.s32 $0x1;
	s10 =	sadd.s32 s4, s6;
	s19 =	sshrl.u32 s9, $0x3  }
0x17: {  	v1 =	vunpack.c.l.s4.s8 v1;
	v4 =	vunpack.c.l.s4.s8 v4;
	v6 =	vsel vm0, $0xFFFFFFFF, v6;
	s7 =	sor.u32 s8, s7;
	s20 =	sadd.s32 s19, s6;
	s26 =	sadd.s32 $0x1C00, s10  }
.Ltmp0:
0x18: {  	vm1 =	vmmov $0xf;
	v0 =	vunpack.c.0.s8.s32 v0;
	[tilespmem:$0x1FFD0] =	vst v6;
	v6 =	vimm.s32 $0x0;
	s28 =	sadd.s32 $0x1C10, s10;
	[dreg:$0x3] =	wrdreg s26;
	(pc) =	sbr.rel .LBB2_1-.Ltmp0, $4  }
0x19: {  	v1 =	vunpack.c.0.s8.s32 v1;
	v4 =	vunpack.c.0.s8.s32 v4;
	v6 =	vsel vm1, $0xFFFFFFFF, v6;
	s22 =	sshrl.u32 s7, $0x3;
	s29 =	sadd.s32 $0x1C20, s10;
	[dreg:$0x4] =	wrdreg s28  }
0x1a: {  	vm5 =	vmmov $0xff;
	v0 =	vand.u32 $0xF, v0;
	[tilespmem:$0x1FFE0] =	vst v6;
	v6 =	vimm.s32 $0x0;
	s31 =	sadd.s32 $0x1C30, s10;
	s4 =	sadd.s32 s6, s22;
	[dreg:$0x5] =	wrdreg s29  }
0x1b: {  	v4 =	vand.u32 $0xF, v4;
	v0 =	vcombine.low v1, v0;
	v6 =	vsel vm5, $0xFFFFFFFF, v6;
	[dreg:$0x6] =	wrdreg s31;
	s10 =	sadd.s32 $0x5000, s20;
	s25 =	sadd.s32 $0xE00, s4  }
0x1c: {  	v1 =	vimm.s32 $0x0;
	v3 =	vcombine.low v3, v4;
	v4 =	vlaneseq.u32;
	[tilespmem:$0x1FFF0] =	vst v6;
	s26 =	simm.s32 $0x7700;
	[dreg:$0x2] =	wrdreg s25;
	s25 =	simm.s32 $0x6980  }
.LBB2_28:
0x1d: {  	s0 =	scvt.s32.f32 s31;
	_ =	sdelay $0x1  }
0x1e: {  	[tilespmem:$0x8480] =	vst v11;
	v6 =	vmov s0  }
0x1f: {  	s29 =	simm.s32 $0x8480;
	[tilespmem:$0x8500] =	vst v6  }
0x20: {  	[hbm4b:s11+s2] =	stream.linear.scatter [tilespmem:s29], [sflag:$0x1], $0x80, $0x38;
	[tilespmem:$0x8580] =	vst v63  }
0x21: {  	s30 =	sadd.s32 $0x1, s30;
	_ =	swait.ge [sflag:s3], $0x80  }
0x22: {  	p2 =	sne.s32 s30, s13;
	[sflag:s3] =	ssyncset.done $0x0  }
.Ltmp1:
0x23: {  	s31 =	simm.s32 $0x8500;
	[sflag:s3] =	ssyncadd.s32 $0xFFFFFF80;
	(pc) =	sbr.rel @!p2 .LBB2_29-.Ltmp1, $4  }
0x24: {  	[hbm4b:s12+s2] =	stream.linear.scatter [tilespmem:s31], [sflag:$0x1], $0x80, $0x38;
	[tilespmem:$0x8580] =	vst v63  }
0x25: {  	_ =	swait.ge [sflag:s3], $0x80  }
0x26: {  	[sflag:s3] =	ssyncset.done $0x0  }
0x27: {  	[sflag:s3] =	ssyncadd.s32 $0xFFFFFF80  }
.LBB2_1:
0x28: {  	s0 =	rddreg [dreg:$0x2];
	s1 =	simm.s32 $0x400  }
0x29: {  	[tilespmem:s2], [sflag:$0x1] =	stream.strided.gather [hbm4b:s0+s14], $0xD00, s1, s14, $0x38;
	[tilespmem:$0x8580] =	vst v63  }
0x2a: {  	_ =	swait.ge [sflag:s3], $0xD00  }
0x2b: {  	[sflag:s3] =	ssyncset.done $0x0  }
0x2c: {  	s15 =	simm.s32 $0xD00;
	[sflag:s3] =	ssyncadd.s32 $0xFFFFF300  }
0x2d: {  	[tilespmem:s15], [sflag:$0x1] =	stream.strided.gather [hbm4b:s4+s14], $0xD00, s1, s14, $0x38;
	[tilespmem:$0x8580] =	vst v63  }
0x2e: {  	_ =	swait.ge [sflag:s3], $0xD00  }
0x2f: {  	[sflag:s3] =	ssyncset.done $0x0  }
0x30: {  	s18 =	simm.s32 $0x1A00;
	s16 =	rddreg [dreg:$0x3];
	[sflag:s3] =	ssyncadd.s32 $0xFFFFF300  }
0x31: {  	[tilespmem:s18], [sflag:$0x1] =	stream.strided.gather [hbm4b:s16+s14], $0xD00, s17, s14, $0x38;
	[tilespmem:$0x8580] =	vst v63  }
0x32: {  	_ =	swait.ge [sflag:s3], $0xD00  }
0x33: {  	[sflag:s3] =	ssyncset.done $0x0  }
0x34: {  	s20 =	simm.s32 $0x2700;
	s19 =	rddreg [dreg:$0x4];
	[sflag:s3] =	ssyncadd.s32 $0xFFFFF300  }
0x35: {  	[tilespmem:s20], [sflag:$0x1] =	stream.strided.gather [hbm4b:s19+s14], $0xD00, s17, s14, $0x38;
	[tilespmem:$0x8580] =	vst v63  }
0x36: {  	_ =	swait.ge [sflag:s3], $0xD00  }
0x37: {  	[sflag:s3] =	ssyncset.done $0x0  }
0x38: {  	s22 =	simm.s32 $0x3400;
	s21 =	rddreg [dreg:$0x5];
	[sflag:s3] =	ssyncadd.s32 $0xFFFFF300  }
0x39: {  	[tilespmem:s22], [sflag:$0x1] =	stream.strided.gather [hbm4b:s21+s14], $0xD00, s17, s14, $0x38;
	[tilespmem:$0x8580] =	vst v63  }
0x3a: {  	_ =	swait.ge [sflag:s3], $0xD00  }
0x3b: {  	[sflag:s3] =	ssyncset.done $0x0  }
0x3c: {  	s29 =	simm.s32 $0x4100;
	s28 =	rddreg [dreg:$0x6];
	[sflag:s3] =	ssyncadd.s32 $0xFFFFF300  }
0x3d: {  	[tilespmem:s29], [sflag:$0x1] =	stream.strided.gather [hbm4b:s28+s14], $0xD00, s17, s14, $0x38;
	[tilespmem:$0x8580] =	vst v63  }
0x3e: {  	_ =	swait.ge [sflag:s3], $0xD00  }
0x3f: {  	[sflag:s3] =	ssyncset.done $0x0  }
0x40: {  	s31 =	simm.s32 $0x4E00;
	[sflag:s3] =	ssyncadd.s32 $0xFFFFF300  }
0x41: {  	[tilespmem:s31], [sflag:$0x1] =	stream.linear.gather [hbm4b:s10+s2], $0x80, $0x38;
	[tilespmem:$0x8580] =	vst v63  }
0x42: {  	_ =	swait.ge [sflag:s3], $0x80  }
0x43: {  	[sflag:s3] =	ssyncset.done $0x0  }
0x44: {  	s0 =	simm.s32 $0x0;
	[sflag:s3] =	ssyncadd.s32 $0xFFFFFF80  }
0x45: {  	v6 =	vld [tilespmem:s0+$0xD00];
	_ =	sdelay $0x4  }
0x46: {  	v6 =	vmul.f32 $1.442695020e+00, v6;
	_ =	sdelay $0x1  }
0x47: {  	(erf) = vpow2.f32 v6;
	_ =	sdelay $0x4  }
0x48: {  	v8 =	vld [tilespmem:s0+$0x0];
	_ =	sdelay $0x3  }
0x49: {  	v7 =	vimm.f32 $+Inf;
	s5 =	simm.s32 $0x80;
	s1 =	simm.s32 $0x40;
	v9 =	vld [tilespmem:$0x4E00];
	v6 =	vimm.f32 $-Inf;
	v10 =	vpop (erf)  }
.LBB2_2:
0x4a: {  	p2 =	sne.s32 s5, $0x33C0;
	vm3 =	vgt.f32 v8, $0.0e+00;
	[tilespmem:s0+$0xD00] =	vst v10;
	s0 =	sshra.s32 s1, $0x2;
	v8 =	vmin.f32 v7, v10;
	v10 =	vmax.f32 v6, v10;
	s1 =	smov.u32 s5  }
0x4b: {  	v11 =	vld [tilespmem:s0+$0xD00];
	v7 =	vsel vm3, v8, v7;
	v6 =	vsel vm3, v10, v6;
	_ =	sdelay $0x4  }
0x4c: {  	v8 =	vmul.f32 $1.442695020e+00, v11;
	_ =	sdelay $0x1  }
0x4d: {  	(erf) = vpow2.f32 v8;
	_ =	sdelay $0x4  }
.Ltmp2:
0x4e: {  	v8 =	vld [tilespmem:s0+$0x0];
	(pc) =	sbr.rel @p2 .LBB2_2-.Ltmp2, $2  }
0x4f: {  	_ =	sdelay $0x2  }
0x50: {  	s5 =	sadd.s32 $0x40, s5;
	v10 =	vpop (erf)  }
0x51: {  	s1 =	sshra.s32 s1, $0x2;
	[tilespmem:s0+$0xD00] =	vst v10  }
0x52: {  	v11 =	vld [tilespmem:s1+$0xD00];
	_ =	sdelay $0x4  }
0x53: {  	v11 =	vmul.f32 $1.442695020e+00, v11;
	_ =	sdelay $0x1  }
0x54: {  	(erf) = vpow2.f32 v11;
	_ =	sdelay $0x1  }
0x55: {  	(v2sf) =	vpush v9, $0x0  }
0x56: {  	(v2sf) =	vpush v9, $0x1  }
0x57: {  	(v2sf) =	vpush v9, $0x2  }
0x58: {  	(v2sf) =	vpush v9, $0x3;
	v11 =	vld [tilespmem:s1+$0x0]  }
0x59: {  	vm3 =	vgt.f32 v8, $0.0e+00;
	v8 =	vmin.f32 v7, v10;
	_ =	sdelay $0x2  }
0x5a: {  	v10 =	vmax.f32 v6, v10;
	v7 =	vsel vm3, v8, v7;
	v8 =	vpop (erf)  }
0x5b: {  	v6 =	vsel vm3, v10, v6;
	vm3 =	vgt.f32 v11, $0.0e+00;
	v10 =	vmin.f32 v7, v8  }
0x5c: {  	v11 =	vmax.f32 v6, v8;
	v7 =	vsel vm3, v10, v7  }
0x5d: {  	v6 =	vsel vm3, v11, v6;
	(xrf0) =	vmin.scan.msk.f32 $0xffff, v7  }
0x5e: {  	s0 =	simm.s32 $0x1A00;
	[tilespmem:s1+$0xD00] =	vst v8;
	(xrf0) =	vmax.scan.msk.f32 $0xffff, v6  }
0x5f: {  	s21 =	simm.s32 $0x3400;
	v10 =	vld [tilespmem:s0+$0x0]  }
0x60: {  	s5 =	simm.s32 $0x4100;
	v11 =	vld [tilespmem:s21+$0x0]  }
0x61: {  	s1 =	simm.s32 $0x2700;
	v12 =	vld [tilespmem:s5+$0x0]  }
0x62: {  	s22 =	spop (v2sf);
	v13 =	vld [tilespmem:s1+$0x0]  }
0x63: {  	s6 =	spop (v2sf);
	v6, _, _ =	vpop (xrf0)  }
0x64: {  	s7 =	spop (v2sf);
	v7 =	vbroadcast v9, $0x0;
	(v2sf) =	vpush v6, $0xF;
	v8, _, _ =	vpop (xrf0);
	v6 =	vbroadcast v9, $0x2  }
0x65: {  	s8 =	spop (v2sf);
	s5 =	ssub.f32 s7, s22;
	(v2sf) =	vpush v8, $0xF;
	v8 =	vbroadcast v9, $0x3;
	v9 =	vbroadcast v9, $0x1  }
0x66: {  	s6 =	ssub.f32 s8, s6;
	v15 =	vmax.f32 v7, v10;
	v10 =	vsub.f32 v11, v10;
	v14 =	vmin.f32 v6, v11  }
0x67: {  	v11 =	vmin.f32 v8, v12;
	v16 =	vmax.f32 v9, v13;
	v12 =	vsub.f32 v12, v13  }
0x68: {  	s5 =	smul.f32 s6, s5;
	v13 =	vsub.f32 v14, v15;
	v11 =	vsub.f32 v11, v16  }
0x69: {  	v12 =	vmul.f32 v12, v10  }
0x6a: {  	v10 =	vmov s5;
	v13 =	vmax.f32 v13, $0.0e+00;
	s5 =	simm.s32 $0x0;
	v11 =	vmax.f32 v11, $0.0e+00  }
0x6b: {  	v11 =	vmul.f32 v11, v13;
	v12 =	vadd.f32 v12, v10;
	v13 =	vld [tilespmem:s5+$0x0];
	_ =	sdelay $0x1  }
0x6c: {  	v12 =	vsub.f32 v12, v11;
	_ =	sdelay $0x1  }
0x6d: {  	(erf) = vrcp.f32 v12  }
0x6e: {  	vm3 =	vgt.f32 v13, $0.0e+00  }
0x6f: {  	v12 =	vsel vm3, $0x1, v1  }
0x70: {  	v13 =	vperm.xlane v12, v0  }
0x71: {  	vm4 =	veq.s32 v4, $0x0  }
0x72: {  	s28 =	spop (v2sf);
	v13 =	vsel vm4, $0x0, v13  }
0x73: {  	s31 =	simm.s32 $0xD00;
	s29 =	spop (v2sf);
	v12 =	vadd.s32 v12, v13  }
0x74: {  	v14 =	vld [tilespmem:s31+$0x0];
	s6 =	sadd.f32 s29, s28;
	v13 =	vperm.xlane v12, v2;
	_ =	sdelay $0x1  }
0x75: {  	s6 =	smul.f32 $5.000000000e-01, s6;
	v15 =	vpop (erf);
	v13 =	vsel vm0, $0x0, v13  }
0x76: {  	v15 =	vmul.f32 v15, v11;
	v12 =	vadd.s32 v13, v12  }
0x77: {  	s6 =	simm.s32 @!p0 $0x3F000000;
	v61 =	vperm.xlane v12, v3  }
0x78: {  	v11 =	vmov s6;
	v13 =	vpsel p0, v14, v15  }
0x79: {  	v17 =	vsub.f32 v13, v11;
	v16 =	vsel vm1, $0x0, v61  }
0x7a: {  	v12 =	vadd.s32 v16, v12  }
0x7b: {  	v17 =	vmul.f32 $1.442695020e+00, v17;
	v63 =	vperm.xlane v12, v5;
	_ =	sdelay $0x1  }
0x7c: {  	(erf) = vpow2.f32 v17;
	v17 =	vsel vm5, $0x0, v63  }
0x7d: {  	v17 =	vadd.s32 v17, v12  }
0x7e: {  	v13 =	vsub.f32 v11, v13;
	(v2sf) =	vpush v17, $0xF;
	_ =	sdelay $0x1  }
0x7f: {  	v13 =	vmul.f32 $1.442695020e+00, v13  }
0x80: {  	v62 =	vmov s5  }
0x81: {  	v16 =	vadd.s32 $0xFFFFFFFF, v62;
	(erf) = vpow2.f32 v13  }
0x82: {  	v16 =	vbroadcast v16, $0x0;
	_ =	sdelay $0x1  }
0x83: {  	v12 =	vadd.s32 v17, v16;
	_ =	sdelay $0x3  }
0x84: {  	s15 =	simm.s32 $0x10;
	s16 =	simm.s32 $0x3410;
	s18 =	simm.s32 $0x4110;
	v14 =	vpsel p0, v15, v14  }
0x85: {  	s19 =	simm.s32 $0xD10;
	s20 =	simm.s32 $0x0;
	s6 =	simm.s32 $0x0;
	[tilespmem:v12+s23+$0x0] =	vst.idx.msk vm3, v14;
	v13 =	vpop (erf)  }
.LBB2_4:
0x86: {  	v13 =	vnsel vm3, $0x0, v13;
	s5 =	sadd.s32 $0x10, s5;
	s0 =	sadd.s32 $0x10, s0;
	s1 =	sadd.s32 $0x10, s1;
	v14 =	vpop (erf)  }
0x87: {  	p2 =	sne.s32 s15, $0xCF0;
	v14 =	vnsel vm3, $0x0, v14;
	[tilespmem:v12+s24+$0x0] =	vst.idx.msk vm3, v13;
	v13 =	vor.u32 s6, v4;
	s6 =	smov.u32 s15;
	s15 =	sadd.s32 $0x10, s15  }
0x88: {  	[tilespmem:v12+s25+$0x0] =	vst.idx.msk vm3, v14;
	s7 =	spop (v2sf)  }
0x89: {  	[tilespmem:v12+s26+$0x0] =	vst.idx.msk vm3, v13;
	s20 =	sadd.s32 s20, s7  }
0x8a: {  	v12 =	vld [tilespmem:s0+$0x0];
	v13 =	vmov s20  }
0x8b: {  	v14 =	vld [tilespmem:s16+$0x0];
	v13 =	vadd.s32 $0xFFFFFFFF, v13  }
0x8c: {  	v15 =	vld [tilespmem:s18+$0x0]  }
0x8d: {  	v16 =	vld [tilespmem:s1+$0x0];
	_ =	sdelay $0x2  }
0x8e: {  	v19 =	vmax.f32 v7, v12;
	v17 =	vld [tilespmem:s5+$0x0];
	v18 =	vmin.f32 v6, v14;
	v12 =	vsub.f32 v14, v12  }
0x8f: {  	v14 =	vsub.f32 v18, v19;
	v18 =	vmin.f32 v8, v15  }
0x90: {  	v19 =	vmax.f32 v9, v16;
	v15 =	vsub.f32 v15, v16  }
0x91: {  	v16 =	vsub.f32 v18, v19  }
0x92: {  	v14 =	vmax.f32 v14, $0.0e+00;
	v12 =	vmul.f32 v15, v12  }
0x93: {  	vm3 =	vgt.f32 v17, $0.0e+00;
	v15 =	vmax.f32 v16, $0.0e+00  }
0x94: {  	v14 =	vmul.f32 v15, v14;
	v12 =	vadd.f32 v12, v10;
	v15 =	vsel vm3, $0x1, v1  }
0x95: {  	v16 =	vperm.xlane v15, v0  }
0x96: {  	v12 =	vsub.f32 v12, v14  }
0x97: {  	v16 =	vsel vm4, $0x0, v16  }
0x98: {  	v15 =	vadd.s32 v15, v16;
	(erf) = vrcp.f32 v12  }
0x99: {  	v12 =	vperm.xlane v15, v2;
	_ =	sdelay $0x1  }
0x9a: {  	v12 =	vsel vm0, $0x0, v12  }
0x9b: {  	v12 =	vadd.s32 v12, v15  }
0x9c: {  	v15 =	vperm.xlane v12, v3  }
0x9d: {  	v16 =	vld [tilespmem:s19+$0x0]  }
0x9e: {  	v15 =	vsel vm1, $0x0, v15  }
0x9f: {  	v12 =	vadd.s32 v15, v12  }
0xa0: {  	v15 =	vperm.xlane v12, v5;
	v17 =	vpop (erf)  }
0xa1: {  	v14 =	vmul.f32 v17, v14  }
0xa2: {  	v15 =	vsel vm5, $0x0, v15  }
0xa3: {  	v17 =	vpsel p0, v16, v14;
	v12 =	vadd.s32 v15, v12  }
0xa4: {  	v15 =	vsub.f32 v17, v11;
	v17 =	vsub.f32 v11, v17  }
0xa5: {  	(v2sf) =	vpush v12, $0xF  }
0xa6: {  	v15 =	vmul.f32 $1.442695020e+00, v15;
	v17 =	vmul.f32 $1.442695020e+00, v17;
	_ =	sdelay $0x1  }
0xa7: {  	(erf) = vpow2.f32 v15  }
0xa8: {  	(erf) = vpow2.f32 v17  }
0xa9: {  	v13 =	vbroadcast v13, $0x0;
	_ =	sdelay $0x1  }
0xaa: {  	v12 =	vadd.s32 v12, v13  }
.Ltmp3:
0xab: {  	(pc) =	sbr.rel @p2 .LBB2_4-.Ltmp3, $3  }
0xac: {  	_ =	sdelay $0x1  }
0xad: {  	v14 =	vpsel p0, v14, v16  }
0xae: {  	s16 =	sadd.s32 $0x10, s16;
	s18 =	sadd.s32 $0x10, s18;
	s19 =	sadd.s32 $0x10, s19;
	[tilespmem:v12+s23+$0x0] =	vst.idx.msk vm3, v14;
	v13 =	vpop (erf)  }
0xaf: {  	_ =	sdelay $0x1  }
0xb0: {  	s0 =	spop (v2sf)  }
0xb1: {  	s31 =	sadd.s32 s20, s0  }
0xb2: {  	s0 =	sadd.s32 $0xF, s31  }
0xb3: {  	s1 =	sand.u32 $0xF, s0  }
0xb4: {  	s5 =	sshra.s32 s0, $0x1F;
	p2 =	slt.s32 s0, $0x1;
	p3 =	sne.s32 s1, $0x0  }
0xb5: {  	s28 =	sshrl.u32 s5, $0x1C;
	p2 =	por !p2, !p3  }
0xb6: {  	s1 =	simm.s32 $0x1;
	s0 =	sadd.s32 s28, s0;
	p2 =	por !p2, !p2  }
0xb7: {  	s0 =	sshra.s32 s0, $0x4;
	s1 =	simm.s32 @!p2 $0x0  }
0xb8: {  	s1 =	ssub.s32 s0, s1  }
0xb9: {  	s0 =	sand.u32 $0x1, s1  }
0xba: {  	p5 =	slt.s32 s1, $0x1;
	p6 =	seq.s32 s0, $0x1  }
0xbb: {  	s29 =	sshrl.u32 s1, $0x1F;
	p2 =	por !p5, !p6  }
0xbc: {  	s5 =	simm.s32 $0x1;
	s0 =	sadd.s32 s29, s1;
	p2 =	por !p2, !p2  }
0xbd: {  	s0 =	sshra.s32 s0, $0x1;
	s5 =	simm.s32 @!p2 $0x0  }
0xbe: {  	s16 =	smov.u32 s1;
	s0 =	ssub.s32 s0, s5  }
0xbf: {  	v6 =	vnsel vm3, $0x0, v13;
	v7 =	vpop (erf);
	s16 =	smov.u32 @p1 s0;
	s0 =	simm.s32 @p1 $0x0  }
0xc0: {  	v7 =	vnsel vm3, $0x0, v7;
	[tilespmem:v12+s24+$0x0] =	vst.idx.msk vm3, v6;
	p2 =	sge.s32 s0, s16  }
.Ltmp4:
0xc1: {  	v6 =	vor.u32 s6, v4;
	[tilespmem:v12+s25+$0x0] =	vst.idx.msk vm3, v7;
	(pc) =	sbr.rel @p2 .LBB2_28-.Ltmp4, $4  }
0xc2: {  	v11 =	vimm.f32 $0.0e+00;
	[tilespmem:v12+s26+$0x0] =	vst.idx.msk vm3, v6  }
0xc3: {  	[tilespmem:s31+$0x4E80] =	vst v11  }
0xc4: {  	[tilespmem:s31+$0x5C00] =	vst v11  }
0xc5: {  	[tilespmem:s31+$0x6980] =	vst v11  }
.Ltmp5:
0xc6: {  	(pc) =	sbr.rel .LBB2_7-.Ltmp5, $4  }
0xc7: {  	s5 =	sshll.u32 s0, $0x6  }
0xc8: {  	s5 =	sshra.s32 s5, $0x2  }
0xc9: {  	s18 =	sadd.s32 $0x4E80, s5  }
0xca: {  	v11 =	vimm.f32 $0.0e+00;
	s19 =	sadd.s32 $0x5C00, s5;
	s20 =	sadd.s32 $0x4EA0, s5;
	s21 =	sadd.s32 $0x5C20, s5  }
.LBB2_27:
0xcb: {  	v43 =	vbroadcast v38, $0x0;
	v62 =	vbroadcast v38, $0x1  }
0xcc: {  	vm0 =	veq.f32 v6, v15;
	v63 =	vbroadcast v36, $0x0;
	v45 =	vbroadcast v38, $0x2  }
0xcd: {  	vm2 =	vlt.f32 v6, v15;
	v47 =	vbroadcast v36, $0x1;
	v48 =	vbroadcast v38, $0x3  }
0xce: {  	v51 =	vbroadcast v36, $0x2;
	v53 =	vbroadcast v38, $0x4;
	vm1 =	vgt.s32 v38, v43  }
0xcf: {  	v55 =	vbroadcast v36, $0x3;
	v57 =	vbroadcast v38, $0x5;
	vm0 =	vmand vm0, vm1  }
0xd0: {  	v58 =	vbroadcast v36, $0x4;
	v59 =	vbroadcast v38, $0x6;
	vm0 =	vmor vm2, vm0  }
0xd1: {  	vm1 =	veq.f32 v6, v14;
	v61 =	vnsel vm0, $0x0, v37;
	vm0 =	vgt.s32 v38, v62  }
0xd2: {  	vm2 =	vlt.f32 v6, v14;
	v15 =	vadd.f32 v23, v61;
	vm0 =	vmand vm1, vm0  }
0xd3: {  	vm1 =	vgt.s32 v38, v45;
	vm0 =	vmor vm2, vm0;
	vm2 =	vlt.f32 v6, v13  }
0xd4: {  	v43 =	vmul.f32 v15, v63;
	v44 =	vnsel vm0, $0x0, v37;
	vm0 =	veq.f32 v6, v13  }
0xd5: {  	v46 =	vadd.f32 v22, v44;
	vm0 =	vmand vm0, vm1;
	vm1 =	veq.f32 v6, v12  }
0xd6: {  	v11 =	vadd.f32 v43, v11;
	vm0 =	vmor vm2, vm0;
	vm2 =	vgt.s32 v38, v48  }
0xd7: {  	v49 =	vnsel vm0, $0x0, v37;
	vm0 =	vlt.f32 v6, v12;
	vm1 =	vmand vm1, vm2  }
0xd8: {  	v14 =	vmul.f32 v46, v47;
	v50 =	vadd.f32 v21, v49;
	vm0 =	vmor vm0, vm1  }
0xd9: {  	v61 =	vbroadcast v38, $0x7;
	vm1 =	vgt.s32 v38, v53;
	v52 =	vnsel vm0, $0x0, v37  }
0xda: {  	v11 =	vadd.f32 v14, v11;
	vm0 =	veq.f32 v6, v10;
	v12 =	vmul.f32 v50, v51  }
0xdb: {  	vm2 =	vlt.f32 v6, v10;
	v54 =	vadd.f32 v20, v52;
	vm0 =	vmand vm0, vm1  }
0xdc: {  	vm1 =	vgt.s32 v38, v57;
	vm0 =	vmor vm2, vm0;
	v10 =	vadd.f32 v12, v11  }
0xdd: {  	v11 =	vmul.f32 v54, v55;
	v56 =	vnsel vm0, $0x0, v37;
	vm0 =	veq.f32 v6, v9  }
0xde: {  	vm2 =	vlt.f32 v6, v9;
	vm0 =	vmand vm0, vm1;
	vm1 =	veq.f32 v6, v8  }
0xdf: {  	v10 =	vadd.f32 v11, v10;
	v11 =	vadd.f32 v19, v56;
	vm0 =	vmor vm2, vm0  }
0xe0: {  	vm2 =	vgt.s32 v38, v59;
	v9 =	vnsel vm0, $0x0, v37;
	vm0 =	vlt.f32 v6, v8  }
0xe1: {  	vm1 =	vmand vm1, vm2;
	v11 =	vmul.f32 v11, v58;
	v8 =	vadd.f32 v18, v9  }
0xe2: {  	v9 =	vbroadcast v36, $0x5;
	vm0 =	vmor vm0, vm1;
	vm1 =	vgt.s32 v38, v61  }
0xe3: {  	v60 =	vnsel vm0, $0x0, v37;
	vm0 =	veq.f32 v6, v7;
	v10 =	vadd.f32 v11, v10  }
0xe4: {  	v8 =	vmul.f32 v8, v9;
	v9 =	vadd.f32 v17, v60;
	v11 =	vbroadcast v36, $0x6  }
0xe5: {  	v62 =	vbroadcast v38, $0xA;
	vm2 =	vlt.f32 v6, v7;
	vm0 =	vmand vm0, vm1  }
0xe6: {  	vm0 =	vmor vm2, vm0;
	v7 =	vadd.f32 v8, v10;
	v8 =	vmul.f32 v9, v11  }
0xe7: {  	vm2 =	vlt.f32 v6, v31;
	v9 =	vnsel vm0, $0x0, v37;
	v10 =	vbroadcast v38, $0x8  }
0xe8: {  	v7 =	vadd.f32 v8, v7;
	v8 =	vadd.f32 v16, v9;
	v9 =	vbroadcast v36, $0x7  }
0xe9: {  	vm0 =	veq.f32 v6, v31;
	vm1 =	vgt.s32 v38, v10;
	v10 =	vbroadcast v38, $0x9  }
0xea: {  	vm0 =	vmand vm0, vm1;
	vm1 =	veq.f32 v6, v30;
	v8 =	vmul.f32 v8, v9  }
0xeb: {  	vm0 =	vmor vm2, vm0;
	vm2 =	vgt.s32 v38, v10;
	v10 =	vbroadcast v36, $0x8  }
0xec: {  	v9 =	vnsel vm0, $0x0, v37;
	vm0 =	vlt.f32 v6, v30;
	vm1 =	vmand vm1, vm2  }
0xed: {  	v9 =	vadd.f32 v42, v9;
	vm0 =	vmor vm0, vm1;
	v7 =	vadd.f32 v8, v7  }
0xee: {  	vm1 =	vgt.s32 v38, v62;
	v11 =	vnsel vm0, $0x0, v37;
	vm0 =	veq.f32 v6, v29  }
0xef: {  	v8 =	vmul.f32 v9, v10;
	v9 =	vadd.f32 v41, v11;
	v10 =	vbroadcast v36, $0x9  }
0xf0: {  	v63 =	vbroadcast v38, $0xD;
	vm2 =	vlt.f32 v6, v29;
	vm0 =	vmand vm0, vm1  }
0xf1: {  	vm0 =	vmor vm2, vm0;
	v7 =	vadd.f32 v8, v7;
	v8 =	vmul.f32 v9, v10  }
0xf2: {  	vm2 =	vlt.f32 v6, v28;
	v9 =	vnsel vm0, $0x0, v37;
	v10 =	vbroadcast v38, $0xB  }
0xf3: {  	v7 =	vadd.f32 v8, v7;
	v8 =	vadd.f32 v40, v9;
	v9 =	vbroadcast v36, $0xA  }
0xf4: {  	vm0 =	veq.f32 v6, v28;
	vm1 =	vgt.s32 v38, v10;
	v10 =	vbroadcast v38, $0xC  }
0xf5: {  	vm0 =	vmand vm0, vm1;
	vm1 =	veq.f32 v6, v27;
	v8 =	vmul.f32 v8, v9  }
0xf6: {  	vm0 =	vmor vm2, vm0;
	vm2 =	vgt.s32 v38, v10;
	v10 =	vbroadcast v36, $0xB  }
0xf7: {  	v9 =	vnsel vm0, $0x0, v37;
	vm0 =	vlt.f32 v6, v27;
	vm1 =	vmand vm1, vm2  }
0xf8: {  	v9 =	vadd.f32 v39, v9;
	vm0 =	vmor vm0, vm1;
	v7 =	vadd.f32 v8, v7  }
0xf9: {  	vm1 =	vgt.s32 v38, v63;
	v11 =	vnsel vm0, $0x0, v37;
	vm0 =	veq.f32 v6, v26  }
0xfa: {  	v8 =	vmul.f32 v9, v10;
	v9 =	vadd.f32 v35, v11;
	v10 =	vbroadcast v36, $0xC  }
0xfb: {  	vm2 =	vlt.f32 v6, v26;
	vm0 =	vmand vm0, vm1  }
0xfc: {  	vm0 =	vmor vm2, vm0;
	v7 =	vadd.f32 v8, v7;
	v8 =	vmul.f32 v9, v10  }
0xfd: {  	v9 =	vnsel vm0, $0x0, v37;
	v10 =	vbroadcast v38, $0xE  }
0xfe: {  	vm0 =	veq.f32 v6, v25;
	v7 =	vadd.f32 v8, v7;
	v8 =	vadd.f32 v34, v9  }
0xff: {  	v9 =	vbroadcast v36, $0xD;
	vm1 =	vgt.s32 v38, v10;
	v10 =	vbroadcast v38, $0xF  }
0x100: {  	vm2 =	vlt.f32 v6, v25;
	vm0 =	vmand vm0, vm1;
	vm1 =	veq.f32 v6, v24  }
0x101: {  	v8 =	vmul.f32 v8, v9;
	vm0 =	vmor vm2, vm0;
	vm2 =	vgt.s32 v38, v10  }
0x102: {  	v9 =	vnsel vm0, $0x0, v37;
	vm0 =	vlt.f32 v6, v24;
	vm1 =	vmand vm1, vm2  }
0x103: {  	v6 =	vadd.f32 v33, v9;
	v9 =	vbroadcast v36, $0xE;
	vm0 =	vmor vm0, vm1  }
0x104: {  	v7 =	vadd.f32 v8, v7;
	v8 =	vnsel vm0, $0x0, v37  }
0x105: {  	v6 =	vmul.f32 v6, v9;
	v8 =	vadd.f32 v32, v8;
	v9 =	vbroadcast v36, $0xF;
	_ =	sdelay $0x1  }
0x106: {  	v6 =	vadd.f32 v6, v7;
	v7 =	vmul.f32 v8, v9;
	_ =	sdelay $0x1  }
0x107: {  	v11 =	vadd.f32 v7, v6;
	v6 =	vld [tilespmem:$0x1FFD0];
	_ =	sdelay $0x4  }
0x108: {  	p2 =	sne.s32 s0, s16;
	vm0 =	vnez.u8 v6;
	v6 =	vld [tilespmem:$0x1FFE0]  }
.Ltmp6:
0x109: {  	_ = 	snop;
	(pc) =	sbr.rel @!p2 .LBB2_28-.Ltmp6, $3  }
0x10a: {  	_ =	sdelay $0x1  }
0x10b: {  	s18 =	sadd.s32 $0x10, s18  }
0x10c: {  	s19 =	sadd.s32 $0x10, s19;
	s20 =	sadd.s32 $0x10, s20;
	s21 =	sadd.s32 $0x10, s21;
	vm1 =	vnez.u8 v6  }
.LBB2_7:
0x10d: {  	s22 =	sshll.u32 s0, $0x4  }
0x10e: {  	s5 =	sshrl.u32 s0, $0x1F;
	v6 =	vld [tilespmem:s22+$0x4E80]  }
0x10f: {  	s5 =	sadd.s32 s5, s0  }
0x110: {  	s28 =	sand.u32 $0xFFFFFFFE, s5  }
0x111: {  	v23 =	vimm.f32 $0.0e+00;
	p3 =	slt.s32 s28, $0x1  }
.Ltmp7:
0x112: {  	v22 =	vimm.f32 $0.0e+00;
	v21 =	vimm.f32 $0.0e+00;
	v20 =	vimm.f32 $0.0e+00;
	(pc) =	sbr.rel @p3 .LBB2_11-.Ltmp7, $4  }
0x113: {  	v19 =	vimm.f32 $0.0e+00;
	v15 =	vbroadcast v6, $0x0;
	v14 =	vbroadcast v6, $0x1  }
0x114: {  	v18 =	vimm.f32 $0.0e+00;
	v13 =	vbroadcast v6, $0x2;
	v12 =	vbroadcast v6, $0x3  }
0x115: {  	v17 =	vimm.f32 $0.0e+00;
	v10 =	vbroadcast v6, $0x4;
	v9 =	vbroadcast v6, $0x5  }
0x116: {  	v16 =	vimm.f32 $0.0e+00;
	v8 =	vbroadcast v6, $0x6;
	v7 =	vbroadcast v6, $0x7  }
0x117: {  	s6 =	simm.s32 $0x4E90  }
0x118: {  	v19 =	vld [tilespmem:s6+$0x0];
	_ =	sdelay $0x2  }
0x119: {  	v20 =	vld [tilespmem:s6+$0xFFFFFFF0];
	_ =	sdelay $0x1  }
0x11a: {  	v17 =	vimm.f32 $0.0e+00;
	s5 =	simm.s32 $0x5C10;
	vm1 =	vlt.f32 v19, v15  }
0x11b: {  	v16 =	vld [tilespmem:s5+$0x0];
	vm2 =	vlt.f32 v19, v14;
	vm10 =	vlt.f32 v19, v13;
	vm11 =	vlt.f32 v19, v12  }
0x11c: {  	vm12 =	vlt.f32 v19, v10;
	vm13 =	vlt.f32 v19, v9;
	vm3 =	vlt.f32 v19, v8  }
0x11d: {  	v18 =	vld [tilespmem:s5+$0xFFFFFFF0];
	vm14 =	vlt.f32 v20, v15;
	vm15 =	vlt.f32 v20, v14;
	vm4 =	vlt.f32 v19, v7  }
0x11e: {  	vm8 =	vlt.f32 v20, v13;
	vm9 =	vlt.f32 v20, v12;
	vm0 =	vlt.f32 v20, v10  }
0x11f: {  	vm7 =	vlt.f32 v20, v9;
	vm6 =	vlt.f32 v20, v8;
	vm5 =	vlt.f32 v20, v7  }
0x120: {  	p2 =	sgt.s32 s28, $0x2;
	v21 =	vnsel vm1, $0x0, v16;
	v22 =	vnsel vm2, $0x0, v16;
	v20 =	vnsel vm10, $0x0, v16  }
.Ltmp8:
0x121: {  	v28 =	vnsel vm11, $0x0, v16;
	v26 =	vnsel vm12, $0x0, v16;
	v27 =	vnsel vm13, $0x0, v16;
	(pc) =	sbr.rel @!p2 .LBB2_10-.Ltmp8, $4  }
0x122: {  	v19 =	vnsel vm14, $0x0, v18;
	v24 =	vnsel vm15, $0x0, v18;
	v25 =	vnsel vm8, $0x0, v18  }
0x123: {  	v30 =	vnsel vm0, $0x0, v18;
	v23 =	vadd.f32 v19, v17;
	v29 =	vadd.f32 v24, v17  }
0x124: {  	v19 =	vnsel vm9, $0x0, v18;
	v31 =	vadd.f32 v25, v17;
	v25 =	vimm.f32 $0.0e+00  }
0x125: {  	s7 =	simm.s32 $0x4EB0;
	s6 =	simm.s32 $0x2;
	v24 =	vimm.f32 $0.0e+00;
	v32 =	vadd.f32 v19, v17;
	v19 =	vimm.f32 $0.0e+00  }
.LBB2_9:
0x126: {  	v33 =	vld [tilespmem:s7+$0x0];
	v34 =	vnsel vm7, $0x0, v18;
	v23 =	vadd.f32 v21, v23;
	v29 =	vadd.f32 v22, v29  }
0x127: {  	v21 =	vnsel vm6, $0x0, v18;
	v31 =	vadd.f32 v20, v31;
	v32 =	vadd.f32 v28, v32  }
0x128: {  	v17 =	vadd.f32 v30, v17;
	v18 =	vnsel vm5, $0x0, v18;
	v20 =	vadd.f32 v34, v25  }
0x129: {  	v19 =	vadd.f32 v21, v19;
	v18 =	vadd.f32 v18, v24;
	v21 =	vnsel vm3, $0x0, v16;
	v22 =	vld [tilespmem:s7+$0xFFFFFFF0]  }
0x12a: {  	v16 =	vnsel vm4, $0x0, v16;
	v17 =	vadd.f32 v26, v17;
	v25 =	vadd.f32 v27, v20  }
0x12b: {  	s5 =	sadd.s32 $0x20, s5;
	v19 =	vadd.f32 v21, v19;
	v24 =	vadd.f32 v16, v18;
	vm8 =	vlt.f32 v33, v15  }
0x12c: {  	vm9 =	vlt.f32 v33, v14;
	vm10 =	vlt.f32 v33, v13;
	vm11 =	vlt.f32 v33, v12;
	v16 =	vld [tilespmem:s5+$0x0]  }
0x12d: {  	vm12 =	vlt.f32 v33, v10;
	vm13 =	vlt.f32 v33, v9;
	vm3 =	vlt.f32 v33, v8  }
0x12e: {  	vm4 =	vlt.f32 v33, v7;
	v18 =	vld [tilespmem:s5+$0xFFFFFFF0];
	vm14 =	vlt.f32 v22, v15;
	vm15 =	vlt.f32 v22, v14  }
0x12f: {  	s6 =	sadd.s32 $0x2, s6;
	vm0 =	vlt.f32 v22, v13;
	vm1 =	vlt.f32 v22, v12;
	vm2 =	vlt.f32 v22, v10  }
0x130: {  	p2 =	slt.s32 s6, s28;
	vm7 =	vlt.f32 v22, v9;
	vm6 =	vlt.f32 v22, v8;
	vm5 =	vlt.f32 v22, v7  }
.Ltmp9:
0x131: {  	v21 =	vnsel vm8, $0x0, v16;
	v22 =	vnsel vm9, $0x0, v16;
	v20 =	vnsel vm10, $0x0, v16;
	(pc) =	sbr.rel @p2 .LBB2_9-.Ltmp9, $4  }
0x132: {  	v28 =	vnsel vm11, $0x0, v16;
	v26 =	vnsel vm12, $0x0, v16;
	v27 =	vnsel vm13, $0x0, v16  }
0x133: {  	v30 =	vnsel vm14, $0x0, v18;
	v33 =	vnsel vm15, $0x0, v18;
	v34 =	vnsel vm0, $0x0, v18  }
0x134: {  	v23 =	vadd.f32 v30, v23;
	v29 =	vadd.f32 v33, v29;
	v30 =	vnsel vm1, $0x0, v18  }
0x135: {  	s7 =	sadd.s32 $0x20, s7;
	v31 =	vadd.f32 v34, v31;
	v32 =	vadd.f32 v30, v32;
	v30 =	vnsel vm2, $0x0, v18  }
.LBB2_10:
0x136: {  	v33 =	vnsel vm7, $0x0, v18;
	v23 =	vadd.f32 v21, v23;
	v22 =	vadd.f32 v22, v29;
	v63 =	vld [tilespmem:$0x1FFF0]  }
0x137: {  	v60 =	vnsel vm6, $0x0, v18;
	v17 =	vadd.f32 v30, v17;
	v21 =	vadd.f32 v20, v31  }
0x138: {  	v18 =	vnsel vm5, $0x0, v18;
	v20 =	vadd.f32 v28, v32;
	v25 =	vadd.f32 v33, v25  }
0x139: {  	v62 =	vnsel vm3, $0x0, v16;
	v61 =	vadd.f32 v60, v19;
	v24 =	vadd.f32 v18, v24  }
0x13a: {  	v16 =	vnsel vm4, $0x0, v16;
	v19 =	vadd.f32 v26, v17;
	v18 =	vadd.f32 v27, v25  }
0x13b: {  	v17 =	vadd.f32 v62, v61;
	v16 =	vadd.f32 v16, v24;
	vm5 =	vnez.u8 v63  }
.LBB2_11:
0x13c: {  	p2 =	sge.s32 s28, s0  }
.Ltmp10:
0x13d: {  	_ = 	snop;
	(pc) =	sbr.rel @p2 .LBB2_14-.Ltmp10, $2  }
0x13e: {  	_ =	sdelay $0x2  }
0x13f: {  	s5 =	ssub.s32 s0, s28  }
0x140: {  	s6 =	sshll.u32 s5, $0x6  }
0x141: {  	s6 =	ssub.s32 $0x0, s6  }
0x142: {  	s7 =	sshra.s32 s6, $0x2  }
0x143: {  	s8 =	smov.u32 s5;
	s6 =	sadd.s32 s7, s18;
	s7 =	sadd.s32 s7, s19  }
.LBB2_13:
0x144: {  	v24 =	vld [tilespmem:s6+$0x0];
	_ =	sdelay $0x2  }
0x145: {  	v25 =	vld [tilespmem:s7+$0x0];
	_ =	sdelay $0x1  }
0x146: {  	vm0 =	vlt.f32 v24, v15  }
0x147: {  	vm10 =	vlt.f32 v24, v14;
	vm1 =	vlt.f32 v24, v13;
	vm11 =	vlt.f32 v24, v12  }
0x148: {  	vm12 =	vlt.f32 v24, v10;
	vm13 =	vlt.f32 v24, v9;
	vm14 =	vlt.f32 v24, v8  }
0x149: {  	p4 =	sne.s32 s8, $0x1;
	vm15 =	vlt.f32 v24, v7;
	v26 =	vnsel vm0, $0x0, v25;
	v27 =	vnsel vm10, $0x0, v25  }
.Ltmp11:
0x14a: {  	v28 =	vnsel vm1, $0x0, v25;
	v60 =	vnsel vm11, $0x0, v25;
	v61 =	vnsel vm12, $0x0, v25;
	(pc) =	sbr.rel @p4 .LBB2_13-.Ltmp11, $4  }
0x14b: {  	v62 =	vnsel vm13, $0x0, v25;
	v23 =	vadd.f32 v26, v23;
	v22 =	vadd.f32 v27, v22  }
0x14c: {  	v63 =	vnsel vm14, $0x0, v25;
	v21 =	vadd.f32 v28, v21;
	v20 =	vadd.f32 v60, v20  }
0x14d: {  	v24 =	vnsel vm15, $0x0, v25;
	v19 =	vadd.f32 v61, v19;
	v18 =	vadd.f32 v62, v18  }
0x14e: {  	s6 =	sadd.s32 $0x10, s6;
	s7 =	sadd.s32 $0x10, s7;
	s8 =	sadd.s32 $0xFFFFFFFF, s8;
	v17 =	vadd.f32 v63, v17;
	v16 =	vadd.f32 v24, v16  }
.LBB2_14:
0x14f: {  	s0 =	sadd.s32 $0x1, s0  }
0x150: {  	s6 =	ssub.s32 s1, s0  }
0x151: {  	s7 =	sshrl.u32 s6, $0x1F  }
0x152: {  	s7 =	sadd.s32 s7, s6  }
0x153: {  	s15 =	sand.u32 $0xFFFFFFFE, s7  }
0x154: {  	s29 =	sadd.s32 s0, s15  }
0x155: {  	p4 =	sge.s32 s0, s29  }
.Ltmp12:
0x156: {  	_ = 	snop;
	(pc) =	sbr.rel @p4 .LBB2_15-.Ltmp12, $1  }
0x157: {  	_ =	sdelay $0x3  }
0x158: {  	v26 =	vld [tilespmem:s20+$0x0];
	_ =	sdelay $0x2  }
0x159: {  	v27 =	vld [tilespmem:s20+$0xFFFFFFF0];
	_ =	sdelay $0x1  }
0x15a: {  	vm0 =	vle.f32 v26, v15  }
0x15b: {  	v24 =	vld [tilespmem:s21+$0x0];
	vm1 =	vle.f32 v26, v14;
	vm2 =	vle.f32 v26, v13;
	vm8 =	vle.f32 v26, v12  }
0x15c: {  	vm9 =	vle.f32 v26, v10;
	vm10 =	vle.f32 v26, v9;
	vm3 =	vle.f32 v26, v8  }
0x15d: {  	v25 =	vld [tilespmem:s21+$0xFFFFFFF0];
	vm11 =	vle.f32 v27, v15;
	vm12 =	vle.f32 v27, v14;
	vm4 =	vle.f32 v26, v7  }
0x15e: {  	s7 =	sadd.s32 $0x2, s0;
	vm13 =	vle.f32 v27, v13;
	vm14 =	vle.f32 v27, v12;
	vm15 =	vle.f32 v27, v10  }
0x15f: {  	p5 =	slt.s32 s7, s29;
	vm7 =	vle.f32 v27, v9;
	vm6 =	vle.f32 v27, v8;
	vm5 =	vle.f32 v27, v7  }
.Ltmp13:
0x160: {  	v30 =	vnsel vm0, $0x0, v24;
	v31 =	vnsel vm1, $0x0, v24;
	v28 =	vnsel vm2, $0x0, v24;
	(pc) =	sbr.rel @!p5 .LBB2_32-.Ltmp13, $4  }
0x161: {  	v29 =	vnsel vm8, $0x0, v24;
	v26 =	vnsel vm9, $0x0, v24;
	v27 =	vnsel vm10, $0x0, v24  }
0x162: {  	v32 =	vnsel vm11, $0x0, v25;
	v33 =	vnsel vm12, $0x0, v25;
	v34 =	vnsel vm13, $0x0, v25  }
0x163: {  	v63 =	vnsel vm14, $0x0, v25;
	v23 =	vadd.f32 v32, v23;
	v22 =	vadd.f32 v33, v22  }
0x164: {  	s8 =	sadd.s32 $0x20, s20;
	s9 =	smov.u32 s21;
	v21 =	vadd.f32 v34, v21;
	v20 =	vadd.f32 v63, v20;
	v32 =	vnsel vm15, $0x0, v25  }
.LBB2_31:
0x165: {  	v33 =	vld [tilespmem:s8+$0x0];
	v34 =	vnsel vm7, $0x0, v25;
	v23 =	vadd.f32 v30, v23;
	v22 =	vadd.f32 v31, v22  }
0x166: {  	v30 =	vnsel vm6, $0x0, v25;
	v21 =	vadd.f32 v28, v21;
	v20 =	vadd.f32 v29, v20  }
0x167: {  	v19 =	vadd.f32 v32, v19;
	v25 =	vnsel vm5, $0x0, v25;
	v18 =	vadd.f32 v34, v18  }
0x168: {  	v17 =	vadd.f32 v30, v17;
	v16 =	vadd.f32 v25, v16;
	v25 =	vnsel vm3, $0x0, v24;
	v28 =	vld [tilespmem:s8+$0xFFFFFFF0]  }
0x169: {  	v24 =	vnsel vm4, $0x0, v24;
	v19 =	vadd.f32 v26, v19;
	v18 =	vadd.f32 v27, v18  }
0x16a: {  	s9 =	sadd.s32 $0x20, s9;
	v17 =	vadd.f32 v25, v17;
	v16 =	vadd.f32 v24, v16;
	vm0 =	vle.f32 v33, v15  }
0x16b: {  	vm1 =	vle.f32 v33, v14;
	vm2 =	vle.f32 v33, v13;
	vm8 =	vle.f32 v33, v12;
	v24 =	vld [tilespmem:s9+$0x0]  }
0x16c: {  	vm9 =	vle.f32 v33, v10;
	vm10 =	vle.f32 v33, v9;
	vm3 =	vle.f32 v33, v8  }
0x16d: {  	vm4 =	vle.f32 v33, v7;
	v25 =	vld [tilespmem:s9+$0xFFFFFFF0];
	vm11 =	vle.f32 v28, v15;
	vm12 =	vle.f32 v28, v14  }
0x16e: {  	s7 =	sadd.s32 $0x2, s7;
	vm13 =	vle.f32 v28, v13;
	vm14 =	vle.f32 v28, v12;
	vm15 =	vle.f32 v28, v10  }
0x16f: {  	p5 =	slt.s32 s7, s29;
	vm7 =	vle.f32 v28, v9;
	vm6 =	vle.f32 v28, v8;
	vm5 =	vle.f32 v28, v7  }
.Ltmp14:
0x170: {  	v30 =	vnsel vm0, $0x0, v24;
	v31 =	vnsel vm1, $0x0, v24;
	v28 =	vnsel vm2, $0x0, v24;
	(pc) =	sbr.rel @p5 .LBB2_31-.Ltmp14, $4  }
0x171: {  	v29 =	vnsel vm8, $0x0, v24;
	v26 =	vnsel vm9, $0x0, v24;
	v27 =	vnsel vm10, $0x0, v24  }
0x172: {  	v32 =	vnsel vm11, $0x0, v25;
	v33 =	vnsel vm12, $0x0, v25;
	v34 =	vnsel vm13, $0x0, v25  }
0x173: {  	v23 =	vadd.f32 v32, v23;
	v22 =	vadd.f32 v33, v22;
	v32 =	vnsel vm14, $0x0, v25  }
0x174: {  	s8 =	sadd.s32 $0x20, s8;
	v21 =	vadd.f32 v34, v21;
	v20 =	vadd.f32 v32, v20;
	v32 =	vnsel vm15, $0x0, v25  }
.LBB2_32:
0x175: {  	v33 =	vnsel vm7, $0x0, v25;
	v23 =	vadd.f32 v30, v23;
	v22 =	vadd.f32 v31, v22;
	v63 =	vld [tilespmem:$0x1FFF0]  }
0x176: {  	v59 =	vnsel vm6, $0x0, v25;
	v19 =	vadd.f32 v32, v19;
	v21 =	vadd.f32 v28, v21  }
0x177: {  	v60 =	vnsel vm5, $0x0, v25;
	v20 =	vadd.f32 v29, v20;
	v18 =	vadd.f32 v33, v18  }
0x178: {  	v61 =	vnsel vm3, $0x0, v24;
	v17 =	vadd.f32 v59, v17;
	v16 =	vadd.f32 v60, v16  }
0x179: {  	v62 =	vnsel vm4, $0x0, v24;
	v19 =	vadd.f32 v26, v19;
	v18 =	vadd.f32 v27, v18  }
0x17a: {  	v17 =	vadd.f32 v61, v17;
	v16 =	vadd.f32 v62, v16;
	vm5 =	vnez.u8 v63  }
.LBB2_15:
0x17b: {  	p5 =	sge.s32 s29, s1  }
.Ltmp15:
0x17c: {  	_ = 	snop;
	(pc) =	sbr.rel @p5 .LBB2_18-.Ltmp15, $2  }
0x17d: {  	_ =	sdelay $0x2  }
0x17e: {  	s15 =	ssub.s32 s6, s15;
	s6 =	sshll.u32 s29, $0x6  }
0x17f: {  	s8 =	sshra.s32 s6, $0x2  }
0x180: {  	s9 =	smov.u32 s15;
	s7 =	sadd.s32 $0x4E80, s8;
	s8 =	sadd.s32 $0x5C00, s8  }
.LBB2_17:
0x181: {  	v24 =	vld [tilespmem:s7+$0x0];
	_ =	sdelay $0x2  }
0x182: {  	v25 =	vld [tilespmem:s8+$0x0];
	_ =	sdelay $0x1  }
0x183: {  	vm0 =	vle.f32 v24, v15  }
0x184: {  	vm10 =	vle.f32 v24, v14;
	vm1 =	vle.f32 v24, v13;
	vm11 =	vle.f32 v24, v12  }
0x185: {  	vm12 =	vle.f32 v24, v10;
	vm13 =	vle.f32 v24, v9;
	vm14 =	vle.f32 v24, v8  }
0x186: {  	p6 =	sne.s32 s9, $0x1;
	vm15 =	vle.f32 v24, v7;
	v26 =	vnsel vm0, $0x0, v25;
	v27 =	vnsel vm10, $0x0, v25  }
.Ltmp16:
0x187: {  	v28 =	vnsel vm1, $0x0, v25;
	v60 =	vnsel vm11, $0x0, v25;
	v61 =	vnsel vm12, $0x0, v25;
	(pc) =	sbr.rel @p6 .LBB2_17-.Ltmp16, $4  }
0x188: {  	v62 =	vnsel vm13, $0x0, v25;
	v23 =	vadd.f32 v26, v23;
	v22 =	vadd.f32 v27, v22  }
0x189: {  	v63 =	vnsel vm14, $0x0, v25;
	v21 =	vadd.f32 v28, v21;
	v20 =	vadd.f32 v60, v20  }
0x18a: {  	v24 =	vnsel vm15, $0x0, v25;
	v19 =	vadd.f32 v61, v19;
	v18 =	vadd.f32 v62, v18  }
0x18b: {  	s7 =	sadd.s32 $0x10, s7;
	s8 =	sadd.s32 $0x10, s8;
	s9 =	sadd.s32 $0xFFFFFFFF, s9;
	v17 =	vadd.f32 v63, v17;
	v16 =	vadd.f32 v24, v16  }
.LBB2_18:
.Ltmp17:
0x18c: {  	(pc) =	sbr.rel @p3 .LBB2_19-.Ltmp17, $4  }
0x18d: {  	v31 =	vbroadcast v6, $0x8;
	v30 =	vbroadcast v6, $0x9  }
0x18e: {  	v29 =	vbroadcast v6, $0xA;
	v28 =	vbroadcast v6, $0xB  }
0x18f: {  	v27 =	vbroadcast v6, $0xC;
	v26 =	vbroadcast v6, $0xD  }
0x190: {  	v25 =	vbroadcast v6, $0xE;
	v24 =	vbroadcast v6, $0xF  }
0x191: {  	s8 =	simm.s32 $0x4E90  }
0x192: {  	v35 =	vld [tilespmem:s8+$0x0];
	_ =	sdelay $0x2  }
0x193: {  	v36 =	vld [tilespmem:s8+$0xFFFFFFF0];
	_ =	sdelay $0x1  }
0x194: {  	v33 =	vimm.f32 $0.0e+00;
	s7 =	simm.s32 $0x5C10;
	vm0 =	vlt.f32 v35, v31  }
0x195: {  	v32 =	vld [tilespmem:s7+$0x0];
	vm1 =	vlt.f32 v35, v30;
	vm2 =	vlt.f32 v35, v29;
	vm8 =	vlt.f32 v35, v28  }
0x196: {  	vm9 =	vlt.f32 v35, v27;
	vm10 =	vlt.f32 v35, v26;
	vm3 =	vlt.f32 v35, v25  }
0x197: {  	v34 =	vld [tilespmem:s7+$0xFFFFFFF0];
	vm11 =	vlt.f32 v36, v31;
	vm12 =	vlt.f32 v36, v30;
	vm4 =	vlt.f32 v35, v24  }
0x198: {  	vm13 =	vlt.f32 v36, v29;
	vm14 =	vlt.f32 v36, v28;
	vm15 =	vlt.f32 v36, v27  }
0x199: {  	vm7 =	vlt.f32 v36, v26;
	vm6 =	vlt.f32 v36, v25;
	vm5 =	vlt.f32 v36, v24  }
0x19a: {  	p3 =	sgt.s32 s28, $0x2;
	v35 =	vimm.f32 $0.0e+00;
	v36 =	vimm.f32 $0.0e+00;
	v40 =	vnsel vm0, $0x0, v32  }
.Ltmp18:
0x19b: {  	v41 =	vnsel vm1, $0x0, v32;
	v39 =	vnsel vm2, $0x0, v32;
	v44 =	vnsel vm8, $0x0, v32;
	(pc) =	sbr.rel @!p3 .LBB2_35-.Ltmp18, $4  }
0x19c: {  	v38 =	vnsel vm9, $0x0, v32;
	v43 =	vnsel vm10, $0x0, v32;
	v61 =	vnsel vm11, $0x0, v34  }
0x19d: {  	v62 =	vnsel vm12, $0x0, v34;
	v37 =	vnsel vm13, $0x0, v34;
	v63 =	vnsel vm14, $0x0, v34  }
0x19e: {  	v46 =	vnsel vm15, $0x0, v34;
	v42 =	vadd.f32 v61, v33;
	v45 =	vadd.f32 v62, v33  }
0x19f: {  	s9 =	simm.s32 $0x4EB0;
	s8 =	simm.s32 $0x2;
	v47 =	vadd.f32 v37, v33;
	v48 =	vadd.f32 v63, v33;
	v37 =	vimm.f32 $0.0e+00  }
.LBB2_34:
0x1a0: {  	v49 =	vld [tilespmem:s9+$0x0];
	v50 =	vnsel vm7, $0x0, v34;
	v42 =	vadd.f32 v40, v42;
	v45 =	vadd.f32 v41, v45  }
0x1a1: {  	v40 =	vnsel vm6, $0x0, v34;
	v47 =	vadd.f32 v39, v47;
	v48 =	vadd.f32 v44, v48  }
0x1a2: {  	v33 =	vadd.f32 v46, v33;
	v34 =	vnsel vm5, $0x0, v34;
	v37 =	vadd.f32 v50, v37  }
0x1a3: {  	v35 =	vadd.f32 v40, v35;
	v34 =	vadd.f32 v34, v36;
	v36 =	vnsel vm3, $0x0, v32;
	v39 =	vld [tilespmem:s9+$0xFFFFFFF0]  }
0x1a4: {  	v32 =	vnsel vm4, $0x0, v32;
	v33 =	vadd.f32 v38, v33;
	v37 =	vadd.f32 v43, v37  }
0x1a5: {  	s7 =	sadd.s32 $0x20, s7;
	v35 =	vadd.f32 v36, v35;
	v36 =	vadd.f32 v32, v34;
	vm0 =	vlt.f32 v49, v31  }
0x1a6: {  	vm1 =	vlt.f32 v49, v30;
	vm2 =	vlt.f32 v49, v29;
	vm8 =	vlt.f32 v49, v28;
	v32 =	vld [tilespmem:s7+$0x0]  }
0x1a7: {  	vm9 =	vlt.f32 v49, v27;
	vm10 =	vlt.f32 v49, v26;
	vm3 =	vlt.f32 v49, v25  }
0x1a8: {  	vm4 =	vlt.f32 v49, v24;
	v34 =	vld [tilespmem:s7+$0xFFFFFFF0];
	vm11 =	vlt.f32 v39, v31;
	vm12 =	vlt.f32 v39, v30  }
0x1a9: {  	s8 =	sadd.s32 $0x2, s8;
	vm13 =	vlt.f32 v39, v29;
	vm14 =	vlt.f32 v39, v28;
	vm15 =	vlt.f32 v39, v27  }
0x1aa: {  	p3 =	slt.s32 s8, s28;
	vm7 =	vlt.f32 v39, v26;
	vm6 =	vlt.f32 v39, v25;
	vm5 =	vlt.f32 v39, v24  }
.Ltmp19:
0x1ab: {  	v40 =	vnsel vm0, $0x0, v32;
	v41 =	vnsel vm1, $0x0, v32;
	v39 =	vnsel vm2, $0x0, v32;
	(pc) =	sbr.rel @p3 .LBB2_34-.Ltmp19, $4  }
0x1ac: {  	v44 =	vnsel vm8, $0x0, v32;
	v38 =	vnsel vm9, $0x0, v32;
	v43 =	vnsel vm10, $0x0, v32  }
0x1ad: {  	v46 =	vnsel vm11, $0x0, v34;
	v49 =	vnsel vm12, $0x0, v34;
	v50 =	vnsel vm13, $0x0, v34  }
0x1ae: {  	v42 =	vadd.f32 v46, v42;
	v45 =	vadd.f32 v49, v45;
	v46 =	vnsel vm14, $0x0, v34  }
0x1af: {  	s9 =	sadd.s32 $0x20, s9;
	v47 =	vadd.f32 v50, v47;
	v48 =	vadd.f32 v46, v48;
	v46 =	vnsel vm15, $0x0, v34  }
.LBB2_35:
0x1b0: {  	v49 =	vnsel vm7, $0x0, v34;
	v42 =	vadd.f32 v40, v42;
	v41 =	vadd.f32 v41, v45;
	v63 =	vld [tilespmem:$0x1FFF0]  }
.Ltmp20:
0x1b1: {  	v58 =	vnsel vm6, $0x0, v34;
	v33 =	vadd.f32 v46, v33;
	v40 =	vadd.f32 v39, v47;
	(pc) =	sbr.rel .LBB2_20-.Ltmp20, $4  }
0x1b2: {  	v59 =	vnsel vm5, $0x0, v34;
	v39 =	vadd.f32 v44, v48;
	v37 =	vadd.f32 v49, v37  }
0x1b3: {  	v61 =	vnsel vm3, $0x0, v32;
	v60 =	vadd.f32 v58, v35;
	v36 =	vadd.f32 v59, v36  }
0x1b4: {  	v62 =	vnsel vm4, $0x0, v32;
	v35 =	vadd.f32 v38, v33;
	v34 =	vadd.f32 v43, v37  }
0x1b5: {  	v33 =	vadd.f32 v61, v60;
	v32 =	vadd.f32 v62, v36;
	vm5 =	vnez.u8 v63  }
.LBB2_19:
0x1b6: {  	v42 =	vimm.f32 $0.0e+00;
	v41 =	vimm.f32 $0.0e+00  }
0x1b7: {  	v40 =	vimm.f32 $0.0e+00;
	v39 =	vimm.f32 $0.0e+00;
	v35 =	vimm.f32 $0.0e+00  }
0x1b8: {  	v34 =	vimm.f32 $0.0e+00;
	v33 =	vimm.f32 $0.0e+00;
	v32 =	vimm.f32 $0.0e+00  }
.LBB2_20:
.Ltmp21:
0x1b9: {  	(pc) =	sbr.rel @p2 .LBB2_23-.Ltmp21, $1  }
0x1ba: {  	_ =	sdelay $0x3  }
0x1bb: {  	s7 =	sshll.u32 s5, $0x6  }
0x1bc: {  	s7 =	ssub.s32 $0x0, s7  }
0x1bd: {  	s8 =	sshra.s32 s7, $0x2  }
0x1be: {  	s7 =	sadd.s32 s8, s18;
	s8 =	sadd.s32 s8, s19  }
.LBB2_22:
0x1bf: {  	v36 =	vld [tilespmem:s7+$0x0];
	_ =	sdelay $0x2  }
0x1c0: {  	v37 =	vld [tilespmem:s8+$0x0];
	_ =	sdelay $0x1  }
0x1c1: {  	vm0 =	vlt.f32 v36, v31  }
0x1c2: {  	vm10 =	vlt.f32 v36, v30;
	vm1 =	vlt.f32 v36, v29;
	vm11 =	vlt.f32 v36, v28  }
0x1c3: {  	vm12 =	vlt.f32 v36, v27;
	vm13 =	vlt.f32 v36, v26;
	vm14 =	vlt.f32 v36, v25  }
0x1c4: {  	p2 =	seq.s32 s5, $0x1;
	vm15 =	vlt.f32 v36, v24;
	v38 =	vnsel vm0, $0x0, v37;
	v43 =	vnsel vm10, $0x0, v37  }
.Ltmp22:
0x1c5: {  	v44 =	vnsel vm1, $0x0, v37;
	v60 =	vnsel vm11, $0x0, v37;
	v61 =	vnsel vm12, $0x0, v37;
	(pc) =	sbr.rel @!p2 .LBB2_22-.Ltmp22, $4  }
0x1c6: {  	v62 =	vnsel vm13, $0x0, v37;
	v42 =	vadd.f32 v38, v42;
	v41 =	vadd.f32 v43, v41  }
0x1c7: {  	v63 =	vnsel vm14, $0x0, v37;
	v40 =	vadd.f32 v44, v40;
	v39 =	vadd.f32 v60, v39  }
0x1c8: {  	v36 =	vnsel vm15, $0x0, v37;
	v35 =	vadd.f32 v61, v35;
	v34 =	vadd.f32 v62, v34  }
0x1c9: {  	s7 =	sadd.s32 $0x10, s7;
	s8 =	sadd.s32 $0x10, s8;
	s5 =	sadd.s32 $0xFFFFFFFF, s5;
	v33 =	vadd.f32 v63, v33;
	v32 =	vadd.f32 v36, v32  }
.LBB2_23:
.Ltmp23:
0x1ca: {  	(pc) =	sbr.rel @p4 .LBB2_24-.Ltmp23, $4  }
0x1cb: {  	_ = 	snop  }
0x1cc: {  	v36 =	vld [tilespmem:s22+$0x6980]  }
0x1cd: {  	v38 =	vld [tilespmem:s22+$0x7700]  }
0x1ce: {  	v37 =	vld [tilespmem:s22+$0x5C00]  }
0x1cf: {  	v45 =	vld [tilespmem:s20+$0x0];
	_ =	sdelay $0x2  }
0x1d0: {  	v46 =	vld [tilespmem:s20+$0xFFFFFFF0];
	_ =	sdelay $0x1  }
0x1d1: {  	vm0 =	vle.f32 v45, v31  }
0x1d2: {  	v43 =	vld [tilespmem:s21+$0x0];
	vm1 =	vle.f32 v45, v30;
	vm2 =	vle.f32 v45, v29;
	vm8 =	vle.f32 v45, v28  }
0x1d3: {  	vm9 =	vle.f32 v45, v27;
	vm10 =	vle.f32 v45, v26;
	vm3 =	vle.f32 v45, v25  }
0x1d4: {  	v44 =	vld [tilespmem:s21+$0xFFFFFFF0];
	vm11 =	vle.f32 v46, v31;
	vm12 =	vle.f32 v46, v30;
	vm4 =	vle.f32 v45, v24  }
0x1d5: {  	s5 =	sadd.s32 $0x2, s0;
	vm13 =	vle.f32 v46, v29;
	vm14 =	vle.f32 v46, v28;
	vm15 =	vle.f32 v46, v27  }
0x1d6: {  	p2 =	slt.s32 s5, s29;
	vm7 =	vle.f32 v46, v26;
	vm6 =	vle.f32 v46, v25;
	vm5 =	vle.f32 v46, v24  }
.Ltmp24:
0x1d7: {  	v49 =	vnsel vm0, $0x0, v43;
	v50 =	vnsel vm1, $0x0, v43;
	v47 =	vnsel vm2, $0x0, v43;
	(pc) =	sbr.rel @!p2 .LBB2_38-.Ltmp24, $4  }
0x1d8: {  	v48 =	vnsel vm8, $0x0, v43;
	v45 =	vnsel vm9, $0x0, v43;
	v46 =	vnsel vm10, $0x0, v43  }
0x1d9: {  	v51 =	vnsel vm11, $0x0, v44;
	v52 =	vnsel vm12, $0x0, v44;
	v53 =	vnsel vm13, $0x0, v44  }
0x1da: {  	v63 =	vnsel vm14, $0x0, v44;
	v42 =	vadd.f32 v51, v42;
	v41 =	vadd.f32 v52, v41  }
0x1db: {  	s7 =	sadd.s32 $0x20, s20;
	s8 =	smov.u32 s21;
	v40 =	vadd.f32 v53, v40;
	v39 =	vadd.f32 v63, v39;
	v51 =	vnsel vm15, $0x0, v44  }
.LBB2_37:
0x1dc: {  	v52 =	vld [tilespmem:s7+$0x0];
	v53 =	vnsel vm7, $0x0, v44;
	v42 =	vadd.f32 v49, v42;
	v41 =	vadd.f32 v50, v41  }
0x1dd: {  	v49 =	vnsel vm6, $0x0, v44;
	v40 =	vadd.f32 v47, v40;
	v39 =	vadd.f32 v48, v39  }
0x1de: {  	v35 =	vadd.f32 v51, v35;
	v44 =	vnsel vm5, $0x0, v44;
	v34 =	vadd.f32 v53, v34  }
0x1df: {  	v33 =	vadd.f32 v49, v33;
	v32 =	vadd.f32 v44, v32;
	v44 =	vnsel vm3, $0x0, v43;
	v47 =	vld [tilespmem:s7+$0xFFFFFFF0]  }
0x1e0: {  	v43 =	vnsel vm4, $0x0, v43;
	v35 =	vadd.f32 v45, v35;
	v34 =	vadd.f32 v46, v34  }
0x1e1: {  	s8 =	sadd.s32 $0x20, s8;
	v33 =	vadd.f32 v44, v33;
	v32 =	vadd.f32 v43, v32;
	vm0 =	vle.f32 v52, v31  }
0x1e2: {  	vm1 =	vle.f32 v52, v30;
	vm2 =	vle.f32 v52, v29;
	vm8 =	vle.f32 v52, v28;
	v43 =	vld [tilespmem:s8+$0x0]  }
0x1e3: {  	vm9 =	vle.f32 v52, v27;
	vm10 =	vle.f32 v52, v26;
	vm3 =	vle.f32 v52, v25  }
0x1e4: {  	vm4 =	vle.f32 v52, v24;
	v44 =	vld [tilespmem:s8+$0xFFFFFFF0];
	vm11 =	vle.f32 v47, v31;
	vm12 =	vle.f32 v47, v30  }
0x1e5: {  	s5 =	sadd.s32 $0x2, s5;
	vm13 =	vle.f32 v47, v29;
	vm14 =	vle.f32 v47, v28;
	vm15 =	vle.f32 v47, v27  }
0x1e6: {  	p2 =	slt.s32 s5, s29;
	vm7 =	vle.f32 v47, v26;
	vm6 =	vle.f32 v47, v25;
	vm5 =	vle.f32 v47, v24  }
.Ltmp25:
0x1e7: {  	v49 =	vnsel vm0, $0x0, v43;
	v50 =	vnsel vm1, $0x0, v43;
	v47 =	vnsel vm2, $0x0, v43;
	(pc) =	sbr.rel @p2 .LBB2_37-.Ltmp25, $4  }
0x1e8: {  	v48 =	vnsel vm8, $0x0, v43;
	v45 =	vnsel vm9, $0x0, v43;
	v46 =	vnsel vm10, $0x0, v43  }
0x1e9: {  	v51 =	vnsel vm11, $0x0, v44;
	v52 =	vnsel vm12, $0x0, v44;
	v53 =	vnsel vm13, $0x0, v44  }
0x1ea: {  	v42 =	vadd.f32 v51, v42;
	v41 =	vadd.f32 v52, v41;
	v51 =	vnsel vm14, $0x0, v44  }
0x1eb: {  	s7 =	sadd.s32 $0x20, s7;
	v40 =	vadd.f32 v53, v40;
	v39 =	vadd.f32 v51, v39;
	v51 =	vnsel vm15, $0x0, v44  }
.LBB2_38:
0x1ec: {  	v52 =	vnsel vm7, $0x0, v44;
	v42 =	vadd.f32 v49, v42;
	v41 =	vadd.f32 v50, v41;
	v63 =	vld [tilespmem:$0x1FFF0]  }
0x1ed: {  	v59 =	vnsel vm6, $0x0, v44;
	v35 =	vadd.f32 v51, v35;
	v40 =	vadd.f32 v47, v40  }
0x1ee: {  	v60 =	vnsel vm5, $0x0, v44;
	v39 =	vadd.f32 v48, v39;
	v34 =	vadd.f32 v52, v34  }
0x1ef: {  	v61 =	vnsel vm3, $0x0, v43;
	v33 =	vadd.f32 v59, v33;
	v32 =	vadd.f32 v60, v32  }
0x1f0: {  	v62 =	vnsel vm4, $0x0, v43;
	v35 =	vadd.f32 v45, v35;
	v34 =	vadd.f32 v46, v34  }
0x1f1: {  	v33 =	vadd.f32 v61, v33;
	v32 =	vadd.f32 v62, v32;
	vm5 =	vnez.u8 v63  }
.LBB2_24:
.Ltmp26:
0x1f2: {  	(pc) =	sbr.rel @p5 .LBB2_27-.Ltmp26, $1  }
0x1f3: {  	_ =	sdelay $0x3  }
0x1f4: {  	s6 =	sshra.s32 s6, $0x2  }
0x1f5: {  	s5 =	sadd.s32 $0x4E80, s6;
	s6 =	sadd.s32 $0x5C00, s6  }
.LBB2_26:
0x1f6: {  	v43 =	vld [tilespmem:s5+$0x0];
	_ =	sdelay $0x2  }
0x1f7: {  	v44 =	vld [tilespmem:s6+$0x0];
	_ =	sdelay $0x1  }
0x1f8: {  	vm0 =	vle.f32 v43, v31  }
0x1f9: {  	vm10 =	vle.f32 v43, v30;
	vm1 =	vle.f32 v43, v29;
	vm11 =	vle.f32 v43, v28  }
0x1fa: {  	vm12 =	vle.f32 v43, v27;
	vm13 =	vle.f32 v43, v26;
	vm14 =	vle.f32 v43, v25  }
0x1fb: {  	p2 =	sne.s32 s15, $0x1;
	vm15 =	vle.f32 v43, v24;
	v45 =	vnsel vm0, $0x0, v44;
	v46 =	vnsel vm10, $0x0, v44  }
.Ltmp27:
0x1fc: {  	v47 =	vnsel vm1, $0x0, v44;
	v60 =	vnsel vm11, $0x0, v44;
	v61 =	vnsel vm12, $0x0, v44;
	(pc) =	sbr.rel @p2 .LBB2_26-.Ltmp27, $4  }
0x1fd: {  	v62 =	vnsel vm13, $0x0, v44;
	v42 =	vadd.f32 v45, v42;
	v41 =	vadd.f32 v46, v41  }
0x1fe: {  	v63 =	vnsel vm14, $0x0, v44;
	v40 =	vadd.f32 v47, v40;
	v39 =	vadd.f32 v60, v39  }
0x1ff: {  	v43 =	vnsel vm15, $0x0, v44;
	v35 =	vadd.f32 v61, v35;
	v34 =	vadd.f32 v62, v34  }
0x200: {  	s5 =	sadd.s32 $0x10, s5;
	s6 =	sadd.s32 $0x10, s6;
	s15 =	sadd.s32 $0xFFFFFFFF, s15;
	v33 =	vadd.f32 v63, v33;
	v32 =	vadd.f32 v43, v32  }
.Ltmp28:
0x201: {  	_ = 	snop;
	(pc) =	sbr.rel .LBB2_27-.Ltmp28, $1  }
0x202: {  	_ =	sdelay $0x3  }
.LBB2_29:
0x203: {  	_ =	sfence.sel $0x180000  }
0x204: {  	[bflag:$0x0] =	sbarrier.arrive $0xFFFF  }
0x205: {  	_ =	strace $0x90000047  }
0x206: {  	s0 =	stileid.u32;
	[bflag:$0x2] =	sbarrier.arrive $0xFFFF  }
0x207: {  	p0 =	sne.s32 s0, $0x0;
	s0 =	rddreg [dreg:$0x1]  }
0x208: {  	s0 =	sadd.s32 @!p0 $0x100000, s0  }
0x209: {  	[sflag:s0] =	ssyncadd.tile.s32 @!p0 $0x1;
	_ =	shalt  }
.Lfunc_end2:
_tile_overlayer_lowered:
.L_overlay_start_2:
0x20a: {  	(tag) =	ssettag $0x2  }
0x20b: {  	s0 =	rddreg [dreg:$0x0];
	s2 =	stileid.u32  }
0x20c: {  	s1 =	rddreg [dreg:$0x1];
	p0 =	sne.s32 s2, $0x0  }
0x20d: {  	s3 =	rddreg [dreg:$0x2];
	[bflag:$0x3] =	sbarrier.arrive $0xFFFF;
	s2 =	simm.s32 @!p0 $0x1C01  }
0x20e: {  	[timem:s3], [sflag:s2] =	dma.local @!p0 [hbm:s0], s1  }
0x20f: {  	s0 =	simm.s32 @!p0 $0x1  }
0x210: {  	_ =	swait.ge @!p0 [sflag:s0], s1  }
0x211: {  	s1 =	ssub.s32 @!p0 $0x0, s1;
	[sflag:s0] =	ssyncset.done @!p0 $0x0  }
0x212: {  	[sflag:s0] =	ssyncadd.s32 @!p0 s1  }
0x213: {  	[bflag:$0x3] =	sbarrier.arrive $0xFFFF  }
0x214: {  	_ =	shalt  }

</sc_bundles>
